<compile_context>
chip_gen: v7x
topology: tpu7x:2x2x1
jax: 0.10.2.dev20260603
libtpu: 0.0.44.dev20260713+nightly
codegen_flags: <defaults>
</compile_context>

<pallas_src>
import functools

import jax
import jax.numpy as jnp
from jax import lax
from jax.experimental import pallas as pl
from jax.experimental.pallas import tpu as pltpu
from jax.experimental.pallas import tpu_sc as plsc

EMB = 128
MAX_LEN = 512
BATCH = 16384
HIST = 200

NUM_CORES = 2
NUM_SUBCORES = 16
NUM_WORKERS = NUM_CORES * NUM_SUBCORES
LANES = 16

ROWS_PER_WORKER = BATCH // NUM_WORKERS
SLICE_OFFS = tuple(range(0, HIST - LANES + 1, LANES)) + (HIST - LANES,)


def _vgather(v, idx):
    dnums = lax.GatherDimensionNumbers(
        offset_dims=(), collapsed_slice_dims=(0,), start_index_map=(0,))
    return lax.gather(v, idx[:, None], dnums, (1,),
                      mode=lax.GatherScatterMode.PROMISE_IN_BOUNDS)


def _make_sc_kernel():
    mesh = plsc.VectorSubcoreMesh(core_axis_name="c", subcore_axis_name="s")

    @functools.partial(
        pl.kernel,
        mesh=mesh,
        compiler_params=pltpu.CompilerParams(needs_layout_passes=False),
        out_type=jax.ShapeDtypeStruct((BATCH * HIST, EMB), jnp.float32),
        scratch_types=[
            pltpu.VMEM((MAX_LEN, EMB), jnp.float32),
            pltpu.VMEM((HIST,), jnp.int32),
            pltpu.VMEM((HIST,), jnp.int32),
            pltpu.VMEM((HIST, EMB), jnp.float32),
            pltpu.VMEM((HIST, EMB), jnp.float32),
            pltpu.VMEM((HIST,), jnp.int32),
            pltpu.SemaphoreType.DMA,
            pltpu.SemaphoreType.DMA,
            pltpu.SemaphoreType.DMA,
            pltpu.SemaphoreType.DMA,
        ],
    )
    def sc_embed(vo_hbm, pe_hbm, out_hbm, pe_l, idx0, idx1, out0, out1,
                 norm, si0, si1, so0, so1):
        wid = lax.axis_index("s") * NUM_CORES + lax.axis_index("c")
        wbase = wid * ROWS_PER_WORKER
        zeros16 = jnp.zeros((LANES,), jnp.int32)
        iota16 = lax.iota(jnp.int32, LANES)
        cols = [iota16 + c * LANES for c in range(EMB // LANES)]
        idx_b = (idx0, idx1)
        out_b = (out0, out1)
        sem_i = (si0, si1)
        sem_o = (so0, so1)

        pltpu.sync_copy(pe_hbm, pe_l)

        def issue_idx(chunk, b):
            pltpu.async_copy(
                vo_hbm.at[pl.ds((wbase + chunk) * HIST, HIST)], idx_b[b],
                sem_i[b])

        def wait_idx(b):
            pltpu.make_async_copy(
                vo_hbm.at[pl.ds(0, HIST)], idx_b[b], sem_i[b]).wait()

        def issue_store(chunk, b):
            pltpu.async_copy(
                out_b[b], out_hbm.at[pl.ds((wbase + chunk) * HIST, HIST)],
                sem_o[b])

        def wait_store(b):
            pltpu.make_async_copy(
                out_b[b], out_hbm.at[pl.ds(0, HIST)], sem_o[b]).wait()

        def process(b):
            raw = idx_b[b]
            out_ref = out_b[b]
            f0 = _vgather(raw[pl.ds(0, LANES)], zeros16)
            for lo in SLICE_OFFS:
                v = raw[pl.ds(lo, LANES)]
                norm[pl.ds(lo, LANES)] = jnp.clip(v - f0, 0, MAX_LEN - 1)

            @plsc.parallel_loop(0, HIST, unroll=5)
            def entry_body(e):
                e_vec = jnp.full((LANES,), e, jnp.int32)
                r = plsc.load_gather(norm, [e_vec])
                for c in range(EMB // LANES):
                    val = plsc.load_gather(pe_l, [r, cols[c]])
                    plsc.store_scatter(out_ref, [e_vec, cols[c]], val)

        issue_idx(0, 0)
        issue_idx(1, 1)
        for b in (0, 1):
            wait_idx(b)
            process(b)
            issue_store(b, b)
            issue_idx(b + 2, b)

        def pair_body(g2, carry):
            for b in (0, 1):
                g = g2 * 2 + b
                wait_idx(b)
                wait_store(b)
                process(b)
                issue_store(g, b)
                nxt = jnp.minimum(g + 2, ROWS_PER_WORKER - 1)
                issue_idx(nxt, b)
            return carry

        lax.fori_loop(1, ROWS_PER_WORKER // 2, pair_body, 0)

        for b in (0, 1):
            wait_idx(b)
            wait_store(b)

    return sc_embed


_SC_EMBED = _make_sc_kernel()


@jax.jit
def kernel(visit_orders, pe):
    vo_flat = visit_orders.astype(jnp.int32).reshape(BATCH * HIST)
    out = _SC_EMBED(vo_flat, pe)
    return out.reshape(BATCH, HIST, EMB)

# --- scband reference (transcript-rebuilt; emitter-appended) ---
"""Pipeline reference for scband-positional-embedding-17300128268559 (READ-ONLY COPY).

The authoritative reference and input builder live on the scoring server;
editing this copy changes nothing except your own understanding.
"""

import jax, jax.numpy as jnp
import numpy as np
import math

EMBEDDING_SIZE = 128
MAX_LEN = 512
BATCH = 16384
HIST = 200

def _build_pe():
    position = np.arange(0, MAX_LEN, dtype=np.float32)[:, None]
    div_term = np.exp(np.arange(0, EMBEDDING_SIZE, 2, dtype=np.float32) * -(math.log(10000.0) / EMBEDDING_SIZE))
    pe = np.zeros((MAX_LEN, EMBEDDING_SIZE), dtype=np.float32)
    pe[:, 0::2] = np.sin(position * div_term)
    pe[:, 1::2] = np.cos(position * div_term)
    return jnp.asarray(pe)

def setup_inputs(seed: int = 0) -> dict:
    key = jax.random.key(seed)
    k1, = jax.random.split(key, 1)
    visit_orders = jax.random.randint(k1, (BATCH, HIST), 0, MAX_LEN, dtype=jnp.int64 if jax.config.jax_enable_x64 else jnp.int32)
    pe = _build_pe()
    return {"visit_orders": visit_orders, "pe": pe}

def reference(visit_orders, pe):
    first_visit_concept_orders = visit_orders[:, 0:1]
    normalized_visit_orders = jnp.clip(visit_orders - first_visit_concept_orders, 0, pe.shape[0] - 1)
    return jnp.take(pe, normalized_visit_orders, axis=0)

if __name__ == "__main__":
    import jax
    _d = setup_inputs()
    print(jax.jit(kernel)(*tuple(_d.values())))

</pallas_src>

<mosaic_0001>
#map = affine_map<(d0, d1) -> (0)>
#map1 = affine_map<(d0, d1) -> (0, 0)>
module attributes {stable_mosaic.version = 14 : i64} {
  func.func @sc_embed(%arg0: i32, %arg1: i32, %arg2: memref<3276800xi32, #tpu.memory_space<hbm>>, %arg3: memref<512x128xf32, #tpu.memory_space<hbm>>, %arg4: memref<3276800x128xf32, #tpu.memory_space<hbm>>, %arg5: memref<512x128xf32, #tpu.memory_space<vmem>>, %arg6: memref<200xi32, #tpu.memory_space<vmem>>, %arg7: memref<200xi32, #tpu.memory_space<vmem>>, %arg8: memref<200x128xf32, #tpu.memory_space<vmem>>, %arg9: memref<200x128xf32, #tpu.memory_space<vmem>>, %arg10: memref<200xi32, #tpu.memory_space<vmem>>, %arg11: memref<!tpu.dma_semaphore, #tpu.memory_space<semaphore_mem>>, %arg12: memref<!tpu.dma_semaphore, #tpu.memory_space<semaphore_mem>>, %arg13: memref<!tpu.dma_semaphore, #tpu.memory_space<semaphore_mem>>, %arg14: memref<!tpu.dma_semaphore, #tpu.memory_space<semaphore_mem>>) attributes {dimension_semantics = [#tpu.dimension_semantics<core_parallel>, #tpu.dimension_semantics<subcore_parallel>], iteration_bounds = array<i64: 2, 16>, scalar_prefetch = 0 : i64, scratch_operands = 10 : i64, tpu.core_type = #tpu.core_type<sc_vector_subcore>, window_params = [{transform_indices = #map}, {transform_indices = #map1}, {transform_indices = #map1}]} {
    %mul3A = arith.constant 2 : i32
    %mul3A_0 = arith.muli %arg1, %mul3A : i32
    %add3A = arith.addi %mul3A_0, %arg0 : i32
    %mul3A_1 = arith.constant 512 : i32
    %mul3A_2 = arith.muli %add3A, %mul3A_1 : i32
    %broadcast_in_dim3A = arith.constant 0 : i32
    %broadcast_in_dim3A_3 = vector.broadcast %broadcast_in_dim3A : i32 to vector<16xi32>
    %iota3A = tpu.iota {dimensions = array<i32: 0>} : vector<16xi32>
    %add3A_4 = arith.constant 0 : i32
    %add3A_5 = vector.broadcast %add3A_4 : i32 to vector<16xi32>
    %add3A_6 = arith.addi %iota3A, %add3A_5 : vector<16xi32>
    %add3A_7 = arith.constant 16 : i32
    %add3A_8 = vector.broadcast %add3A_7 : i32 to vector<16xi32>
    %add3A_9 = arith.addi %iota3A, %add3A_8 : vector<16xi32>
    %add3A_10 = arith.constant 32 : i32
    %add3A_11 = vector.broadcast %add3A_10 : i32 to vector<16xi32>
    %add3A_12 = arith.addi %iota3A, %add3A_11 : vector<16xi32>
    %add3A_13 = arith.constant 48 : i32
    %add3A_14 = vector.broadcast %add3A_13 : i32 to vector<16xi32>
    %add3A_15 = arith.addi %iota3A, %add3A_14 : vector<16xi32>
    %add3A_16 = arith.constant 64 : i32
    %add3A_17 = vector.broadcast %add3A_16 : i32 to vector<16xi32>
    %add3A_18 = arith.addi %iota3A, %add3A_17 : vector<16xi32>
    %add3A_19 = arith.constant 80 : i32
    %add3A_20 = vector.broadcast %add3A_19 : i32 to vector<16xi32>
    %add3A_21 = arith.addi %iota3A, %add3A_20 : vector<16xi32>
    %add3A_22 = arith.constant 96 : i32
    %add3A_23 = vector.broadcast %add3A_22 : i32 to vector<16xi32>
    %add3A_24 = arith.addi %iota3A, %add3A_23 : vector<16xi32>
    %add3A_25 = arith.constant 112 : i32
    %add3A_26 = vector.broadcast %add3A_25 : i32 to vector<16xi32>
    %add3A_27 = arith.addi %iota3A, %add3A_26 : vector<16xi32>
    "tpu.region"() ({
      %run_scoped3A = tpu.sem_alloc : memref<!tpu.dma_semaphore, #tpu.memory_space<semaphore_mem>>
      tpu.enqueue_dma source(%arg3 : memref<512x128xf32, #tpu.memory_space<hbm>>) target(%arg5 : memref<512x128xf32, #tpu.memory_space<vmem>>) target_semaphore(%run_scoped3A : memref<!tpu.dma_semaphore, #tpu.memory_space<semaphore_mem>>)
      tpu.wait_dma2 semaphore(%run_scoped3A : memref<!tpu.dma_semaphore, #tpu.memory_space<semaphore_mem>>) src(%arg3 : memref<512x128xf32, #tpu.memory_space<hbm>>) dst(%arg5 : memref<512x128xf32, #tpu.memory_space<vmem>>)
      tpu.yield
    }) : () -> ()
    %add3A_28 = arith.constant 0 : i32
    %add3A_29 = arith.addi %mul3A_2, %add3A_28 : i32
    %mul3A_30 = arith.constant 200 : i32
    %mul3A_31 = arith.muli %add3A_29, %mul3A_30 : i32
    %dma_start3A = tpu.memref_slice %arg2[%mul3A_31] : memref<3276800xi32, #tpu.memory_space<hbm>> -> memref<200xi32, #tpu.memory_space<hbm>>
    %dma_start3A_32 = tpu.memref_slice %arg2[%mul3A_31] : memref<3276800xi32, #tpu.memory_space<hbm>> -> memref<200xi32, #tpu.memory_space<hbm>>
    tpu.enqueue_dma source(%dma_start3A_32 : memref<200xi32, #tpu.memory_space<hbm>>) target(%arg6 : memref<200xi32, #tpu.memory_space<vmem>>) target_semaphore(%arg11 : memref<!tpu.dma_semaphore, #tpu.memory_space<semaphore_mem>>)
    %add3A_33 = arith.constant 1 : i32
    %add3A_34 = arith.addi %mul3A_2, %add3A_33 : i32
    %mul3A_35 = arith.constant 200 : i32
    %mul3A_36 = arith.muli %add3A_34, %mul3A_35 : i32
    %dma_start3A_37 = tpu.memref_slice %arg2[%mul3A_36] : memref<3276800xi32, #tpu.memory_space<hbm>> -> memref<200xi32, #tpu.memory_space<hbm>>
    %dma_start3A_38 = tpu.memref_slice %arg2[%mul3A_36] : memref<3276800xi32, #tpu.memory_space<hbm>> -> memref<200xi32, #tpu.memory_space<hbm>>
    tpu.enqueue_dma source(%dma_start3A_38 : memref<200xi32, #tpu.memory_space<hbm>>) target(%arg7 : memref<200xi32, #tpu.memory_space<vmem>>) target_semaphore(%arg12 : memref<!tpu.dma_semaphore, #tpu.memory_space<semaphore_mem>>)
    %dma_wait3A = arith.constant 0 : i32
    %dma_wait3A_39 = tpu.memref_slice %arg2[%dma_wait3A] : memref<3276800xi32, #tpu.memory_space<hbm>> -> memref<200xi32, #tpu.memory_space<hbm>>
    %dma_wait3A_40 = arith.constant 0 : i32
    %dma_wait3A_41 = tpu.memref_slice %arg2[%dma_wait3A_40] : memref<3276800xi32, #tpu.memory_space<hbm>> -> memref<200xi32, #tpu.memory_space<hbm>>
    tpu.wait_dma2 semaphore(%arg11 : memref<!tpu.dma_semaphore, #tpu.memory_space<semaphore_mem>>) src(%dma_wait3A_41 : memref<200xi32, #tpu.memory_space<hbm>>) dst(%arg6 : memref<200xi32, #tpu.memory_space<vmem>>)
    %get3A = arith.constant 0 : index
    %get3A_42 = tpu.vector_load %arg6[%get3A] {strides = array<i32>} : memref<200xi32, #tpu.memory_space<vmem>>, vector<16xi32>,
    %broadcast_in_dim3A_43 = vector.shape_cast %broadcast_in_dim3A_3 : vector<16xi32> to vector<16x1xi32>
    %gather3A = vector.shape_cast %broadcast_in_dim3A_43 : vector<16x1xi32> to vector<16xi32>
    %gather3A_44 = tpu.dynamic_gather %get3A_42[%gather3A] in [0] : vector<16xi32>, vector<16xi32> -> vector<16xi32>
    %get3A_45 = arith.constant 0 : index
    %get3A_46 = tpu.vector_load %arg6[%get3A_45] {strides = array<i32>} : memref<200xi32, #tpu.memory_space<vmem>>, vector<16xi32>,
    %sub3A = arith.subi %get3A_46, %gather3A_44 : vector<16xi32>
    %jit3A = arith.constant 0 : i32
    %jit3A_47 = arith.constant 511 : i32
    %max3A = vector.broadcast %jit3A : i32 to vector<16xi32>
    %max3A_48 = arith.maxsi %max3A, %sub3A : vector<16xi32>
    %min3A = vector.broadcast %jit3A_47 : i32 to vector<16xi32>
    %min3A_49 = arith.minsi %min3A, %max3A_48 : vector<16xi32>
    %swap3A = arith.constant 0 : index
    %swap3A_50 = tpu.vector_load %arg10[%swap3A] {strides = array<i32>} : memref<200xi32, #tpu.memory_space<vmem>>, vector<16xi32>,
    tpu.vector_store %arg10[%swap3A], %min3A_49 {strides = array<i32>} : memref<200xi32, #tpu.memory_space<vmem>>, vector<16xi32>,
    %get3A_51 = arith.constant 16 : index
    %get3A_52 = tpu.vector_load %arg6[%get3A_51] {strides = array<i32>} : memref<200xi32, #tpu.memory_space<vmem>>, vector<16xi32>,
    %sub3A_53 = arith.subi %get3A_52, %gather3A_44 : vector<16xi32>
    %jit3A_54 = arith.constant 0 : i32
    %jit3A_55 = arith.constant 511 : i32
    %max3A_56 = vector.broadcast %jit3A_54 : i32 to vector<16xi32>
    %max3A_57 = arith.maxsi %max3A_56, %sub3A_53 : vector<16xi32>
    %min3A_58 = vector.broadcast %jit3A_55 : i32 to vector<16xi32>
    %min3A_59 = arith.minsi %min3A_58, %max3A_57 : vector<16xi32>
    %swap3A_60 = arith.constant 16 : index
    %swap3A_61 = tpu.vector_load %arg10[%swap3A_60] {strides = array<i32>} : memref<200xi32, #tpu.memory_space<vmem>>, vector<16xi32>,
    tpu.vector_store %arg10[%swap3A_60], %min3A_59 {strides = array<i32>} : memref<200xi32, #tpu.memory_space<vmem>>, vector<16xi32>,
    %get3A_62 = arith.constant 32 : index
    %get3A_63 = tpu.vector_load %arg6[%get3A_62] {strides = array<i32>} : memref<200xi32, #tpu.memory_space<vmem>>, vector<16xi32>,
    %sub3A_64 = arith.subi %get3A_63, %gather3A_44 : vector<16xi32>
    %jit3A_65 = arith.constant 0 : i32
    %jit3A_66 = arith.constant 511 : i32
    %max3A_67 = vector.broadcast %jit3A_65 : i32 to vector<16xi32>
    %max3A_68 = arith.maxsi %max3A_67, %sub3A_64 : vector<16xi32>
    %min3A_69 = vector.broadcast %jit3A_66 : i32 to vector<16xi32>
    %min3A_70 = arith.minsi %min3A_69, %max3A_68 : vector<16xi32>
    %swap3A_71 = arith.constant 32 : index
    %swap3A_72 = tpu.vector_load %arg10[%swap3A_71] {strides = array<i32>} : memref<200xi32, #tpu.memory_space<vmem>>, vector<16xi32>,
    tpu.vector_store %arg10[%swap3A_71], %min3A_70 {strides = array<i32>} : memref<200xi32, #tpu.memory_space<vmem>>, vector<16xi32>,
    %get3A_73 = arith.constant 48 : index
    %get3A_74 = tpu.vector_load %arg6[%get3A_73] {strides = array<i32>} : memref<200xi32, #tpu.memory_space<vmem>>, vector<16xi32>,
    %sub3A_75 = arith.subi %get3A_74, %gather3A_44 : vector<16xi32>
    %jit3A_76 = arith.constant 0 : i32
    %jit3A_77 = arith.constant 511 : i32
    %max3A_78 = vector.broadcast %jit3A_76 : i32 to vector<16xi32>
    %max3A_79 = arith.maxsi %max3A_78, %sub3A_75 : vector<16xi32>
    %min3A_80 = vector.broadcast %jit3A_77 : i32 to vector<16xi32>
    %min3A_81 = arith.minsi %min3A_80, %max3A_79 : vector<16xi32>
    %swap3A_82 = arith.constant 48 : index
    %swap3A_83 = tpu.vector_load %arg10[%swap3A_82] {strides = array<i32>} : memref<200xi32, #tpu.memory_space<vmem>>, vector<16xi32>,
    tpu.vector_store %arg10[%swap3A_82], %min3A_81 {strides = array<i32>} : memref<200xi32, #tpu.memory_space<vmem>>, vector<16xi32>,
    %get3A_84 = arith.constant 64 : index
    %get3A_85 = tpu.vector_load %arg6[%get3A_84] {strides = array<i32>} : memref<200xi32, #tpu.memory_space<vmem>>, vector<16xi32>,
    %sub3A_86 = arith.subi %get3A_85, %gather3A_44 : vector<16xi32>
    %jit3A_87 = arith.constant 0 : i32
    %jit3A_88 = arith.constant 511 : i32
    %max3A_89 = vector.broadcast %jit3A_87 : i32 to vector<16xi32>
    %max3A_90 = arith.maxsi %max3A_89, %sub3A_86 : vector<16xi32>
    %min3A_91 = vector.broadcast %jit3A_88 : i32 to vector<16xi32>
    %min3A_92 = arith.minsi %min3A_91, %max3A_90 : vector<16xi32>
    %swap3A_93 = arith.constant 64 : index
    %swap3A_94 = tpu.vector_load %arg10[%swap3A_93] {strides = array<i32>} : memref<200xi32, #tpu.memory_space<vmem>>, vector<16xi32>,
    tpu.vector_store %arg10[%swap3A_93], %min3A_92 {strides = array<i32>} : memref<200xi32, #tpu.memory_space<vmem>>, vector<16xi32>,
    %get3A_95 = arith.constant 80 : index
    %get3A_96 = tpu.vector_load %arg6[%get3A_95] {strides = array<i32>} : memref<200xi32, #tpu.memory_space<vmem>>, vector<16xi32>,
    %sub3A_97 = arith.subi %get3A_96, %gather3A_44 : vector<16xi32>
    %jit3A_98 = arith.constant 0 : i32
    %jit3A_99 = arith.constant 511 : i32
    %max3A_100 = vector.broadcast %jit3A_98 : i32 to vector<16xi32>
    %max3A_101 = arith.maxsi %max3A_100, %sub3A_97 : vector<16xi32>
    %min3A_102 = vector.broadcast %jit3A_99 : i32 to vector<16xi32>
    %min3A_103 = arith.minsi %min3A_102, %max3A_101 : vector<16xi32>
    %swap3A_104 = arith.constant 80 : index
    %swap3A_105 = tpu.vector_load %arg10[%swap3A_104] {strides = array<i32>} : memref<200xi32, #tpu.memory_space<vmem>>, vector<16xi32>,
    tpu.vector_store %arg10[%swap3A_104], %min3A_103 {strides = array<i32>} : memref<200xi32, #tpu.memory_space<vmem>>, vector<16xi32>,
    %get3A_106 = arith.constant 96 : index
    %get3A_107 = tpu.vector_load %arg6[%get3A_106] {strides = array<i32>} : memref<200xi32, #tpu.memory_space<vmem>>, vector<16xi32>,
    %sub3A_108 = arith.subi %get3A_107, %gather3A_44 : vector<16xi32>
    %jit3A_109 = arith.constant 0 : i32
    %jit3A_110 = arith.constant 511 : i32
    %max3A_111 = vector.broadcast %jit3A_109 : i32 to vector<16xi32>
    %max3A_112 = arith.maxsi %max3A_111, %sub3A_108 : vector<16xi32>
    %min3A_113 = vector.broadcast %jit3A_110 : i32 to vector<16xi32>
    %min3A_114 = arith.minsi %min3A_113, %max3A_112 : vector<16xi32>
    %swap3A_115 = arith.constant 96 : index
    %swap3A_116 = tpu.vector_load %arg10[%swap3A_115] {strides = array<i32>} : memref<200xi32, #tpu.memory_space<vmem>>, vector<16xi32>,
    tpu.vector_store %arg10[%swap3A_115], %min3A_114 {strides = array<i32>} : memref<200xi32, #tpu.memory_space<vmem>>, vector<16xi32>,
    %get3A_117 = arith.constant 112 : index
    %get3A_118 = tpu.vector_load %arg6[%get3A_117] {strides = array<i32>} : memref<200xi32, #tpu.memory_space<vmem>>, vector<16xi32>,
    %sub3A_119 = arith.subi %get3A_118, %gather3A_44 : vector<16xi32>
    %jit3A_120 = arith.constant 0 : i32
    %jit3A_121 = arith.constant 511 : i32
    %max3A_122 = vector.broadcast %jit3A_120 : i32 to vector<16xi32>
    %max3A_123 = arith.maxsi %max3A_122, %sub3A_119 : vector<16xi32>
    %min3A_124 = vector.broadcast %jit3A_121 : i32 to vector<16xi32>
    %min3A_125 = arith.minsi %min3A_124, %max3A_123 : vector<16xi32>
    %swap3A_126 = arith.constant 112 : index
    %swap3A_127 = tpu.vector_load %arg10[%swap3A_126] {strides = array<i32>} : memref<200xi32, #tpu.memory_space<vmem>>, vector<16xi32>,
    tpu.vector_store %arg10[%swap3A_126], %min3A_125 {strides = array<i32>} : memref<200xi32, #tpu.memory_space<vmem>>, vector<16xi32>,
    %get3A_128 = arith.constant 128 : index
    %get3A_129 = tpu.vector_load %arg6[%get3A_128] {strides = array<i32>} : memref<200xi32, #tpu.memory_space<vmem>>, vector<16xi32>,
    %sub3A_130 = arith.subi %get3A_129, %gather3A_44 : vector<16xi32>
    %jit3A_131 = arith.constant 0 : i32
    %jit3A_132 = arith.constant 511 : i32
    %max3A_133 = vector.broadcast %jit3A_131 : i32 to vector<16xi32>
    %max3A_134 = arith.maxsi %max3A_133, %sub3A_130 : vector<16xi32>
    %min3A_135 = vector.broadcast %jit3A_132 : i32 to vector<16xi32>
    %min3A_136 = arith.minsi %min3A_135, %max3A_134 : vector<16xi32>
    %swap3A_137 = arith.constant 128 : index
    %swap3A_138 = tpu.vector_load %arg10[%swap3A_137] {strides = array<i32>} : memref<200xi32, #tpu.memory_space<vmem>>, vector<16xi32>,
    tpu.vector_store %arg10[%swap3A_137], %min3A_136 {strides = array<i32>} : memref<200xi32, #tpu.memory_space<vmem>>, vector<16xi32>,
    %get3A_139 = arith.constant 144 : index
    %get3A_140 = tpu.vector_load %arg6[%get3A_139] {strides = array<i32>} : memref<200xi32, #tpu.memory_space<vmem>>, vector<16xi32>,
    %sub3A_141 = arith.subi %get3A_140, %gather3A_44 : vector<16xi32>
    %jit3A_142 = arith.constant 0 : i32
    %jit3A_143 = arith.constant 511 : i32
    %max3A_144 = vector.broadcast %jit3A_142 : i32 to vector<16xi32>
    %max3A_145 = arith.maxsi %max3A_144, %sub3A_141 : vector<16xi32>
    %min3A_146 = vector.broadcast %jit3A_143 : i32 to vector<16xi32>
    %min3A_147 = arith.minsi %min3A_146, %max3A_145 : vector<16xi32>
    %swap3A_148 = arith.constant 144 : index
    %swap3A_149 = tpu.vector_load %arg10[%swap3A_148] {strides = array<i32>} : memref<200xi32, #tpu.memory_space<vmem>>, vector<16xi32>,
    tpu.vector_store %arg10[%swap3A_148], %min3A_147 {strides = array<i32>} : memref<200xi32, #tpu.memory_space<vmem>>, vector<16xi32>,
    %get3A_150 = arith.constant 160 : index
    %get3A_151 = tpu.vector_load %arg6[%get3A_150] {strides = array<i32>} : memref<200xi32, #tpu.memory_space<vmem>>, vector<16xi32>,
    %sub3A_152 = arith.subi %get3A_151, %gather3A_44 : vector<16xi32>
    %jit3A_153 = arith.constant 0 : i32
    %jit3A_154 = arith.constant 511 : i32
    %max3A_155 = vector.broadcast %jit3A_153 : i32 to vector<16xi32>
    %max3A_156 = arith.maxsi %max3A_155, %sub3A_152 : vector<16xi32>
    %min3A_157 = vector.broadcast %jit3A_154 : i32 to vector<16xi32>
    %min3A_158 = arith.minsi %min3A_157, %max3A_156 : vector<16xi32>
    %swap3A_159 = arith.constant 160 : index
    %swap3A_160 = tpu.vector_load %arg10[%swap3A_159] {strides = array<i32>} : memref<200xi32, #tpu.memory_space<vmem>>, vector<16xi32>,
    tpu.vector_store %arg10[%swap3A_159], %min3A_158 {strides = array<i32>} : memref<200xi32, #tpu.memory_space<vmem>>, vector<16xi32>,
    %get3A_161 = arith.constant 176 : index
    %get3A_162 = tpu.vector_load %arg6[%get3A_161] {strides = array<i32>} : memref<200xi32, #tpu.memory_space<vmem>>, vector<16xi32>,
    %sub3A_163 = arith.subi %get3A_162, %gather3A_44 : vector<16xi32>
    %jit3A_164 = arith.constant 0 : i32
    %jit3A_165 = arith.constant 511 : i32
    %max3A_166 = vector.broadcast %jit3A_164 : i32 to vector<16xi32>
    %max3A_167 = arith.maxsi %max3A_166, %sub3A_163 : vector<16xi32>
    %min3A_168 = vector.broadcast %jit3A_165 : i32 to vector<16xi32>
    %min3A_169 = arith.minsi %min3A_168, %max3A_167 : vector<16xi32>
    %swap3A_170 = arith.constant 176 : index
    %swap3A_171 = tpu.vector_load %arg10[%swap3A_170] {strides = array<i32>} : memref<200xi32, #tpu.memory_space<vmem>>, vector<16xi32>,
    tpu.vector_store %arg10[%swap3A_170], %min3A_169 {strides = array<i32>} : memref<200xi32, #tpu.memory_space<vmem>>, vector<16xi32>,
    %get3A_172 = arith.constant 184 : index
    %get3A_173 = tpu.vector_load %arg6[%get3A_172] {strides = array<i32>} : memref<200xi32, #tpu.memory_space<vmem>>, vector<16xi32>,
    %sub3A_174 = arith.subi %get3A_173, %gather3A_44 : vector<16xi32>
    %jit3A_175 = arith.constant 0 : i32
    %jit3A_176 = arith.constant 511 : i32
    %max3A_177 = vector.broadcast %jit3A_175 : i32 to vector<16xi32>
    %max3A_178 = arith.maxsi %max3A_177, %sub3A_174 : vector<16xi32>
    %min3A_179 = vector.broadcast %jit3A_176 : i32 to vector<16xi32>
    %min3A_180 = arith.minsi %min3A_179, %max3A_178 : vector<16xi32>
    %swap3A_181 = arith.constant 184 : index
    %swap3A_182 = tpu.vector_load %arg10[%swap3A_181] {strides = array<i32>} : memref<200xi32, #tpu.memory_space<vmem>>, vector<16xi32>,
    tpu.vector_store %arg10[%swap3A_181], %min3A_180 {strides = array<i32>} : memref<200xi32, #tpu.memory_space<vmem>>, vector<16xi32>,
    %parallel_loop3A = arith.constant 0 : i32
    %parallel_loop3A_183 = arith.constant 200 : i32
    %parallel_loop3A_184 = arith.constant 1 : i32
    scf.for %parallel_loop3A_393 = %parallel_loop3A to %parallel_loop3A_183 step %parallel_loop3A_184  : i32 {
      %parallel_loop3A_394 = vector.broadcast %parallel_loop3A_393 : i32 to vector<16xi32>
      %parallel_loop3A_395 = tpu.vector_load_idx %arg10[%parallel_loop3A_394] : memref<200xi32, #tpu.memory_space<vmem>>[vector<16xi32>], vector<16xi32>,
      %parallel_loop3A_396 = tpu.vector_load_idx %arg5[%parallel_loop3A_395, %add3A_6] : memref<512x128xf32, #tpu.memory_space<vmem>>[vector<16xi32>, vector<16xi32>], vector<16xf32>,
      tpu.vector_store_idx %arg8[%parallel_loop3A_394, %add3A_6], %parallel_loop3A_396 : memref<200x128xf32, #tpu.memory_space<vmem>>[vector<16xi32>, vector<16xi32>], vector<16xf32>,
      %parallel_loop3A_397 = tpu.vector_load_idx %arg5[%parallel_loop3A_395, %add3A_9] : memref<512x128xf32, #tpu.memory_space<vmem>>[vector<16xi32>, vector<16xi32>], vector<16xf32>,
      tpu.vector_store_idx %arg8[%parallel_loop3A_394, %add3A_9], %parallel_loop3A_397 : memref<200x128xf32, #tpu.memory_space<vmem>>[vector<16xi32>, vector<16xi32>], vector<16xf32>,
      %parallel_loop3A_398 = tpu.vector_load_idx %arg5[%parallel_loop3A_395, %add3A_12] : memref<512x128xf32, #tpu.memory_space<vmem>>[vector<16xi32>, vector<16xi32>], vector<16xf32>,
      tpu.vector_store_idx %arg8[%parallel_loop3A_394, %add3A_12], %parallel_loop3A_398 : memref<200x128xf32, #tpu.memory_space<vmem>>[vector<16xi32>, vector<16xi32>], vector<16xf32>,
      %parallel_loop3A_399 = tpu.vector_load_idx %arg5[%parallel_loop3A_395, %add3A_15] : memref<512x128xf32, #tpu.memory_space<vmem>>[vector<16xi32>, vector<16xi32>], vector<16xf32>,
      tpu.vector_store_idx %arg8[%parallel_loop3A_394, %add3A_15], %parallel_loop3A_399 : memref<200x128xf32, #tpu.memory_space<vmem>>[vector<16xi32>, vector<16xi32>], vector<16xf32>,
      %parallel_loop3A_400 = tpu.vector_load_idx %arg5[%parallel_loop3A_395, %add3A_18] : memref<512x128xf32, #tpu.memory_space<vmem>>[vector<16xi32>, vector<16xi32>], vector<16xf32>,
      tpu.vector_store_idx %arg8[%parallel_loop3A_394, %add3A_18], %parallel_loop3A_400 : memref<200x128xf32, #tpu.memory_space<vmem>>[vector<16xi32>, vector<16xi32>], vector<16xf32>,
      %parallel_loop3A_401 = tpu.vector_load_idx %arg5[%parallel_loop3A_395, %add3A_21] : memref<512x128xf32, #tpu.memory_space<vmem>>[vector<16xi32>, vector<16xi32>], vector<16xf32>,
      tpu.vector_store_idx %arg8[%parallel_loop3A_394, %add3A_21], %parallel_loop3A_401 : memref<200x128xf32, #tpu.memory_space<vmem>>[vector<16xi32>, vector<16xi32>], vector<16xf32>,
      %parallel_loop3A_402 = tpu.vector_load_idx %arg5[%parallel_loop3A_395, %add3A_24] : memref<512x128xf32, #tpu.memory_space<vmem>>[vector<16xi32>, vector<16xi32>], vector<16xf32>,
      tpu.vector_store_idx %arg8[%parallel_loop3A_394, %add3A_24], %parallel_loop3A_402 : memref<200x128xf32, #tpu.memory_space<vmem>>[vector<16xi32>, vector<16xi32>], vector<16xf32>,
      %parallel_loop3A_403 = tpu.vector_load_idx %arg5[%parallel_loop3A_395, %add3A_27] : memref<512x128xf32, #tpu.memory_space<vmem>>[vector<16xi32>, vector<16xi32>], vector<16xf32>,
      tpu.vector_store_idx %arg8[%parallel_loop3A_394, %add3A_27], %parallel_loop3A_403 : memref<200x128xf32, #tpu.memory_space<vmem>>[vector<16xi32>, vector<16xi32>], vector<16xf32>,
    } {sc.loop_unroll_factor = 5 : i64, sc.parallel_access}
    %add3A_185 = arith.constant 0 : i32
    %add3A_186 = arith.addi %mul3A_2, %add3A_185 : i32
    %mul3A_187 = arith.constant 200 : i32
    %mul3A_188 = arith.muli %add3A_186, %mul3A_187 : i32
    %dma_start3A_189 = arith.constant 0 : i32
    %dma_start3A_190 = tpu.memref_slice %arg4[%mul3A_188, %dma_start3A_189] : memref<3276800x128xf32, #tpu.memory_space<hbm>> -> memref<200x128xf32, #tpu.memory_space<hbm>>
    %dma_start3A_191 = arith.constant 0 : i32
    %dma_start3A_192 = tpu.memref_slice %arg4[%mul3A_188, %dma_start3A_191] : memref<3276800x128xf32, #tpu.memory_space<hbm>> -> memref<200x128xf32, #tpu.memory_space<hbm>>
    tpu.enqueue_dma source(%arg8 : memref<200x128xf32, #tpu.memory_space<vmem>>) target(%dma_start3A_192 : memref<200x128xf32, #tpu.memory_space<hbm>>) target_semaphore(%arg13 : memref<!tpu.dma_semaphore, #tpu.memory_space<semaphore_mem>>)
    %add3A_193 = arith.constant 2 : i32
    %add3A_194 = arith.addi %mul3A_2, %add3A_193 : i32
    %mul3A_195 = arith.constant 200 : i32
    %mul3A_196 = arith.muli %add3A_194, %mul3A_195 : i32
    %dma_start3A_197 = tpu.memref_slice %arg2[%mul3A_196] : memref<3276800xi32, #tpu.memory_space<hbm>> -> memref<200xi32, #tpu.memory_space<hbm>>
    %dma_start3A_198 = tpu.memref_slice %arg2[%mul3A_196] : memref<3276800xi32, #tpu.memory_space<hbm>> -> memref<200xi32, #tpu.memory_space<hbm>>
    tpu.enqueue_dma source(%dma_start3A_198 : memref<200xi32, #tpu.memory_space<hbm>>) target(%arg6 : memref<200xi32, #tpu.memory_space<vmem>>) target_semaphore(%arg11 : memref<!tpu.dma_semaphore, #tpu.memory_space<semaphore_mem>>)
    %dma_wait3A_199 = arith.constant 0 : i32
    %dma_wait3A_200 = tpu.memref_slice %arg2[%dma_wait3A_199] : memref<3276800xi32, #tpu.memory_space<hbm>> -> memref<200xi32, #tpu.memory_space<hbm>>
    %dma_wait3A_201 = arith.constant 0 : i32
    %dma_wait3A_202 = tpu.memref_slice %arg2[%dma_wait3A_201] : memref<3276800xi32, #tpu.memory_space<hbm>> -> memref<200xi32, #tpu.memory_space<hbm>>
    tpu.wait_dma2 semaphore(%arg12 : memref<!tpu.dma_semaphore, #tpu.memory_space<semaphore_mem>>) src(%dma_wait3A_202 : memref<200xi32, #tpu.memory_space<hbm>>) dst(%arg7 : memref<200xi32, #tpu.memory_space<vmem>>)
    %get3A_203 = arith.constant 0 : index
    %get3A_204 = tpu.vector_load %arg7[%get3A_203] {strides = array<i32>} : memref<200xi32, #tpu.memory_space<vmem>>, vector<16xi32>,
    %broadcast_in_dim3A_205 = vector.shape_cast %broadcast_in_dim3A_3 : vector<16xi32> to vector<16x1xi32>
    %gather3A_206 = vector.shape_cast %broadcast_in_dim3A_205 : vector<16x1xi32> to vector<16xi32>
    %gather3A_207 = tpu.dynamic_gather %get3A_204[%gather3A_206] in [0] : vector<16xi32>, vector<16xi32> -> vector<16xi32>
    %get3A_208 = arith.constant 0 : index
    %get3A_209 = tpu.vector_load %arg7[%get3A_208] {strides = array<i32>} : memref<200xi32, #tpu.memory_space<vmem>>, vector<16xi32>,
    %sub3A_210 = arith.subi %get3A_209, %gather3A_207 : vector<16xi32>
    %jit3A_211 = arith.constant 0 : i32
    %jit3A_212 = arith.constant 511 : i32
    %max3A_213 = vector.broadcast %jit3A_211 : i32 to vector<16xi32>
    %max3A_214 = arith.maxsi %max3A_213, %sub3A_210 : vector<16xi32>
    %min3A_215 = vector.broadcast %jit3A_212 : i32 to vector<16xi32>
    %min3A_216 = arith.minsi %min3A_215, %max3A_214 : vector<16xi32>
    %swap3A_217 = arith.constant 0 : index
    %swap3A_218 = tpu.vector_load %arg10[%swap3A_217] {strides = array<i32>} : memref<200xi32, #tpu.memory_space<vmem>>, vector<16xi32>,
    tpu.vector_store %arg10[%swap3A_217], %min3A_216 {strides = array<i32>} : memref<200xi32, #tpu.memory_space<vmem>>, vector<16xi32>,
    %get3A_219 = arith.constant 16 : index
    %get3A_220 = tpu.vector_load %arg7[%get3A_219] {strides = array<i32>} : memref<200xi32, #tpu.memory_space<vmem>>, vector<16xi32>,
    %sub3A_221 = arith.subi %get3A_220, %gather3A_207 : vector<16xi32>
    %jit3A_222 = arith.constant 0 : i32
    %jit3A_223 = arith.constant 511 : i32
    %max3A_224 = vector.broadcast %jit3A_222 : i32 to vector<16xi32>
    %max3A_225 = arith.maxsi %max3A_224, %sub3A_221 : vector<16xi32>
    %min3A_226 = vector.broadcast %jit3A_223 : i32 to vector<16xi32>
    %min3A_227 = arith.minsi %min3A_226, %max3A_225 : vector<16xi32>
    %swap3A_228 = arith.constant 16 : index
    %swap3A_229 = tpu.vector_load %arg10[%swap3A_228] {strides = array<i32>} : memref<200xi32, #tpu.memory_space<vmem>>, vector<16xi32>,
    tpu.vector_store %arg10[%swap3A_228], %min3A_227 {strides = array<i32>} : memref<200xi32, #tpu.memory_space<vmem>>, vector<16xi32>,
    %get3A_230 = arith.constant 32 : index
    %get3A_231 = tpu.vector_load %arg7[%get3A_230] {strides = array<i32>} : memref<200xi32, #tpu.memory_space<vmem>>, vector<16xi32>,
    %sub3A_232 = arith.subi %get3A_231, %gather3A_207 : vector<16xi32>
    %jit3A_233 = arith.constant 0 : i32
    %jit3A_234 = arith.constant 511 : i32
    %max3A_235 = vector.broadcast %jit3A_233 : i32 to vector<16xi32>
    %max3A_236 = arith.maxsi %max3A_235, %sub3A_232 : vector<16xi32>
    %min3A_237 = vector.broadcast %jit3A_234 : i32 to vector<16xi32>
    %min3A_238 = arith.minsi %min3A_237, %max3A_236 : vector<16xi32>
    %swap3A_239 = arith.constant 32 : index
    %swap3A_240 = tpu.vector_load %arg10[%swap3A_239] {strides = array<i32>} : memref<200xi32, #tpu.memory_space<vmem>>, vector<16xi32>,
    tpu.vector_store %arg10[%swap3A_239], %min3A_238 {strides = array<i32>} : memref<200xi32, #tpu.memory_space<vmem>>, vector<16xi32>,
    %get3A_241 = arith.constant 48 : index
    %get3A_242 = tpu.vector_load %arg7[%get3A_241] {strides = array<i32>} : memref<200xi32, #tpu.memory_space<vmem>>, vector<16xi32>,
    %sub3A_243 = arith.subi %get3A_242, %gather3A_207 : vector<16xi32>
    %jit3A_244 = arith.constant 0 : i32
    %jit3A_245 = arith.constant 511 : i32
    %max3A_246 = vector.broadcast %jit3A_244 : i32 to vector<16xi32>
    %max3A_247 = arith.maxsi %max3A_246, %sub3A_243 : vector<16xi32>
    %min3A_248 = vector.broadcast %jit3A_245 : i32 to vector<16xi32>
    %min3A_249 = arith.minsi %min3A_248, %max3A_247 : vector<16xi32>
    %swap3A_250 = arith.constant 48 : index
    %swap3A_251 = tpu.vector_load %arg10[%swap3A_250] {strides = array<i32>} : memref<200xi32, #tpu.memory_space<vmem>>, vector<16xi32>,
    tpu.vector_store %arg10[%swap3A_250], %min3A_249 {strides = array<i32>} : memref<200xi32, #tpu.memory_space<vmem>>, vector<16xi32>,
    %get3A_252 = arith.constant 64 : index
    %get3A_253 = tpu.vector_load %arg7[%get3A_252] {strides = array<i32>} : memref<200xi32, #tpu.memory_space<vmem>>, vector<16xi32>,
    %sub3A_254 = arith.subi %get3A_253, %gather3A_207 : vector<16xi32>
    %jit3A_255 = arith.constant 0 : i32
    %jit3A_256 = arith.constant 511 : i32
    %max3A_257 = vector.broadcast %jit3A_255 : i32 to vector<16xi32>
    %max3A_258 = arith.maxsi %max3A_257, %sub3A_254 : vector<16xi32>
    %min3A_259 = vector.broadcast %jit3A_256 : i32 to vector<16xi32>
    %min3A_260 = arith.minsi %min3A_259, %max3A_258 : vector<16xi32>
    %swap3A_261 = arith.constant 64 : index
    %swap3A_262 = tpu.vector_load %arg10[%swap3A_261] {strides = array<i32>} : memref<200xi32, #tpu.memory_space<vmem>>, vector<16xi32>,
    tpu.vector_store %arg10[%swap3A_261], %min3A_260 {strides = array<i32>} : memref<200xi32, #tpu.memory_space<vmem>>, vector<16xi32>,
    %get3A_263 = arith.constant 80 : index
    %get3A_264 = tpu.vector_load %arg7[%get3A_263] {strides = array<i32>} : memref<200xi32, #tpu.memory_space<vmem>>, vector<16xi32>,
    %sub3A_265 = arith.subi %get3A_264, %gather3A_207 : vector<16xi32>
    %jit3A_266 = arith.constant 0 : i32
    %jit3A_267 = arith.constant 511 : i32
    %max3A_268 = vector.broadcast %jit3A_266 : i32 to vector<16xi32>
    %max3A_269 = arith.maxsi %max3A_268, %sub3A_265 : vector<16xi32>
    %min3A_270 = vector.broadcast %jit3A_267 : i32 to vector<16xi32>
    %min3A_271 = arith.minsi %min3A_270, %max3A_269 : vector<16xi32>
    %swap3A_272 = arith.constant 80 : index
    %swap3A_273 = tpu.vector_load %arg10[%swap3A_272] {strides = array<i32>} : memref<200xi32, #tpu.memory_space<vmem>>, vector<16xi32>,
    tpu.vector_store %arg10[%swap3A_272], %min3A_271 {strides = array<i32>} : memref<200xi32, #tpu.memory_space<vmem>>, vector<16xi32>,
    %get3A_274 = arith.constant 96 : index
    %get3A_275 = tpu.vector_load %arg7[%get3A_274] {strides = array<i32>} : memref<200xi32, #tpu.memory_space<vmem>>, vector<16xi32>,
    %sub3A_276 = arith.subi %get3A_275, %gather3A_207 : vector<16xi32>
    %jit3A_277 = arith.constant 0 : i32
    %jit3A_278 = arith.constant 511 : i32
    %max3A_279 = vector.broadcast %jit3A_277 : i32 to vector<16xi32>
    %max3A_280 = arith.maxsi %max3A_279, %sub3A_276 : vector<16xi32>
    %min3A_281 = vector.broadcast %jit3A_278 : i32 to vector<16xi32>
    %min3A_282 = arith.minsi %min3A_281, %max3A_280 : vector<16xi32>
    %swap3A_283 = arith.constant 96 : index
    %swap3A_284 = tpu.vector_load %arg10[%swap3A_283] {strides = array<i32>} : memref<200xi32, #tpu.memory_space<vmem>>, vector<16xi32>,
    tpu.vector_store %arg10[%swap3A_283], %min3A_282 {strides = array<i32>} : memref<200xi32, #tpu.memory_space<vmem>>, vector<16xi32>,
    %get3A_285 = arith.constant 112 : index
    %get3A_286 = tpu.vector_load %arg7[%get3A_285] {strides = array<i32>} : memref<200xi32, #tpu.memory_space<vmem>>, vector<16xi32>,
    %sub3A_287 = arith.subi %get3A_286, %gather3A_207 : vector<16xi32>
    %jit3A_288 = arith.constant 0 : i32
    %jit3A_289 = arith.constant 511 : i32
    %max3A_290 = vector.broadcast %jit3A_288 : i32 to vector<16xi32>
    %max3A_291 = arith.maxsi %max3A_290, %sub3A_287 : vector<16xi32>
    %min3A_292 = vector.broadcast %jit3A_289 : i32 to vector<16xi32>
    %min3A_293 = arith.minsi %min3A_292, %max3A_291 : vector<16xi32>
    %swap3A_294 = arith.constant 112 : index
    %swap3A_295 = tpu.vector_load %arg10[%swap3A_294] {strides = array<i32>} : memref<200xi32, #tpu.memory_space<vmem>>, vector<16xi32>,
    tpu.vector_store %arg10[%swap3A_294], %min3A_293 {strides = array<i32>} : memref<200xi32, #tpu.memory_space<vmem>>, vector<16xi32>,
    %get3A_296 = arith.constant 128 : index
    %get3A_297 = tpu.vector_load %arg7[%get3A_296] {strides = array<i32>} : memref<200xi32, #tpu.memory_space<vmem>>, vector<16xi32>,
    %sub3A_298 = arith.subi %get3A_297, %gather3A_207 : vector<16xi32>
    %jit3A_299 = arith.constant 0 : i32
    %jit3A_300 = arith.constant 511 : i32
    %max3A_301 = vector.broadcast %jit3A_299 : i32 to vector<16xi32>
    %max3A_302 = arith.maxsi %max3A_301, %sub3A_298 : vector<16xi32>
    %min3A_303 = vector.broadcast %jit3A_300 : i32 to vector<16xi32>
    %min3A_304 = arith.minsi %min3A_303, %max3A_302 : vector<16xi32>
    %swap3A_305 = arith.constant 128 : index
    %swap3A_306 = tpu.vector_load %arg10[%swap3A_305] {strides = array<i32>} : memref<200xi32, #tpu.memory_space<vmem>>, vector<16xi32>,
    tpu.vector_store %arg10[%swap3A_305], %min3A_304 {strides = array<i32>} : memref<200xi32, #tpu.memory_space<vmem>>, vector<16xi32>,
    %get3A_307 = arith.constant 144 : index
    %get3A_308 = tpu.vector_load %arg7[%get3A_307] {strides = array<i32>} : memref<200xi32, #tpu.memory_space<vmem>>, vector<16xi32>,
    %sub3A_309 = arith.subi %get3A_308, %gather3A_207 : vector<16xi32>
    %jit3A_310 = arith.constant 0 : i32
    %jit3A_311 = arith.constant 511 : i32
    %max3A_312 = vector.broadcast %jit3A_310 : i32 to vector<16xi32>
    %max3A_313 = arith.maxsi %max3A_312, %sub3A_309 : vector<16xi32>
    %min3A_314 = vector.broadcast %jit3A_311 : i32 to vector<16xi32>
    %min3A_315 = arith.minsi %min3A_314, %max3A_313 : vector<16xi32>
    %swap3A_316 = arith.constant 144 : index
    %swap3A_317 = tpu.vector_load %arg10[%swap3A_316] {strides = array<i32>} : memref<200xi32, #tpu.memory_space<vmem>>, vector<16xi32>,
    tpu.vector_store %arg10[%swap3A_316], %min3A_315 {strides = array<i32>} : memref<200xi32, #tpu.memory_space<vmem>>, vector<16xi32>,
    %get3A_318 = arith.constant 160 : index
    %get3A_319 = tpu.vector_load %arg7[%get3A_318] {strides = array<i32>} : memref<200xi32, #tpu.memory_space<vmem>>, vector<16xi32>,
    %sub3A_320 = arith.subi %get3A_319, %gather3A_207 : vector<16xi32>
    %jit3A_321 = arith.constant 0 : i32
    %jit3A_322 = arith.constant 511 : i32
    %max3A_323 = vector.broadcast %jit3A_321 : i32 to vector<16xi32>
    %max3A_324 = arith.maxsi %max3A_323, %sub3A_320 : vector<16xi32>
    %min3A_325 = vector.broadcast %jit3A_322 : i32 to vector<16xi32>
    %min3A_326 = arith.minsi %min3A_325, %max3A_324 : vector<16xi32>
    %swap3A_327 = arith.constant 160 : index
    %swap3A_328 = tpu.vector_load %arg10[%swap3A_327] {strides = array<i32>} : memref<200xi32, #tpu.memory_space<vmem>>, vector<16xi32>,
    tpu.vector_store %arg10[%swap3A_327], %min3A_326 {strides = array<i32>} : memref<200xi32, #tpu.memory_space<vmem>>, vector<16xi32>,
    %get3A_329 = arith.constant 176 : index
    %get3A_330 = tpu.vector_load %arg7[%get3A_329] {strides = array<i32>} : memref<200xi32, #tpu.memory_space<vmem>>, vector<16xi32>,
    %sub3A_331 = arith.subi %get3A_330, %gather3A_207 : vector<16xi32>
    %jit3A_332 = arith.constant 0 : i32
    %jit3A_333 = arith.constant 511 : i32
    %max3A_334 = vector.broadcast %jit3A_332 : i32 to vector<16xi32>
    %max3A_335 = arith.maxsi %max3A_334, %sub3A_331 : vector<16xi32>
    %min3A_336 = vector.broadcast %jit3A_333 : i32 to vector<16xi32>
    %min3A_337 = arith.minsi %min3A_336, %max3A_335 : vector<16xi32>
    %swap3A_338 = arith.constant 176 : index
    %swap3A_339 = tpu.vector_load %arg10[%swap3A_338] {strides = array<i32>} : memref<200xi32, #tpu.memory_space<vmem>>, vector<16xi32>,
    tpu.vector_store %arg10[%swap3A_338], %min3A_337 {strides = array<i32>} : memref<200xi32, #tpu.memory_space<vmem>>, vector<16xi32>,
    %get3A_340 = arith.constant 184 : index
    %get3A_341 = tpu.vector_load %arg7[%get3A_340] {strides = array<i32>} : memref<200xi32, #tpu.memory_space<vmem>>, vector<16xi32>,
    %sub3A_342 = arith.subi %get3A_341, %gather3A_207 : vector<16xi32>
    %jit3A_343 = arith.constant 0 : i32
    %jit3A_344 = arith.constant 511 : i32
    %max3A_345 = vector.broadcast %jit3A_343 : i32 to vector<16xi32>
    %max3A_346 = arith.maxsi %max3A_345, %sub3A_342 : vector<16xi32>
    %min3A_347 = vector.broadcast %jit3A_344 : i32 to vector<16xi32>
    %min3A_348 = arith.minsi %min3A_347, %max3A_346 : vector<16xi32>
    %swap3A_349 = arith.constant 184 : index
    %swap3A_350 = tpu.vector_load %arg10[%swap3A_349] {strides = array<i32>} : memref<200xi32, #tpu.memory_space<vmem>>, vector<16xi32>,
    tpu.vector_store %arg10[%swap3A_349], %min3A_348 {strides = array<i32>} : memref<200xi32, #tpu.memory_space<vmem>>, vector<16xi32>,
    %parallel_loop3A_351 = arith.constant 0 : i32
    %parallel_loop3A_352 = arith.constant 200 : i32
    %parallel_loop3A_353 = arith.constant 1 : i32
    scf.for %parallel_loop3A_393 = %parallel_loop3A_351 to %parallel_loop3A_352 step %parallel_loop3A_353  : i32 {
      %parallel_loop3A_394 = vector.broadcast %parallel_loop3A_393 : i32 to vector<16xi32>
      %parallel_loop3A_395 = tpu.vector_load_idx %arg10[%parallel_loop3A_394] : memref<200xi32, #tpu.memory_space<vmem>>[vector<16xi32>], vector<16xi32>,
      %parallel_loop3A_396 = tpu.vector_load_idx %arg5[%parallel_loop3A_395, %add3A_6] : memref<512x128xf32, #tpu.memory_space<vmem>>[vector<16xi32>, vector<16xi32>], vector<16xf32>,
      tpu.vector_store_idx %arg9[%parallel_loop3A_394, %add3A_6], %parallel_loop3A_396 : memref<200x128xf32, #tpu.memory_space<vmem>>[vector<16xi32>, vector<16xi32>], vector<16xf32>,
      %parallel_loop3A_397 = tpu.vector_load_idx %arg5[%parallel_loop3A_395, %add3A_9] : memref<512x128xf32, #tpu.memory_space<vmem>>[vector<16xi32>, vector<16xi32>], vector<16xf32>,
      tpu.vector_store_idx %arg9[%parallel_loop3A_394, %add3A_9], %parallel_loop3A_397 : memref<200x128xf32, #tpu.memory_space<vmem>>[vector<16xi32>, vector<16xi32>], vector<16xf32>,
      %parallel_loop3A_398 = tpu.vector_load_idx %arg5[%parallel_loop3A_395, %add3A_12] : memref<512x128xf32, #tpu.memory_space<vmem>>[vector<16xi32>, vector<16xi32>], vector<16xf32>,
      tpu.vector_store_idx %arg9[%parallel_loop3A_394, %add3A_12], %parallel_loop3A_398 : memref<200x128xf32, #tpu.memory_space<vmem>>[vector<16xi32>, vector<16xi32>], vector<16xf32>,
      %parallel_loop3A_399 = tpu.vector_load_idx %arg5[%parallel_loop3A_395, %add3A_15] : memref<512x128xf32, #tpu.memory_space<vmem>>[vector<16xi32>, vector<16xi32>], vector<16xf32>,
      tpu.vector_store_idx %arg9[%parallel_loop3A_394, %add3A_15], %parallel_loop3A_399 : memref<200x128xf32, #tpu.memory_space<vmem>>[vector<16xi32>, vector<16xi32>], vector<16xf32>,
      %parallel_loop3A_400 = tpu.vector_load_idx %arg5[%parallel_loop3A_395, %add3A_18] : memref<512x128xf32, #tpu.memory_space<vmem>>[vector<16xi32>, vector<16xi32>], vector<16xf32>,
      tpu.vector_store_idx %arg9[%parallel_loop3A_394, %add3A_18], %parallel_loop3A_400 : memref<200x128xf32, #tpu.memory_space<vmem>>[vector<16xi32>, vector<16xi32>], vector<16xf32>,
      %parallel_loop3A_401 = tpu.vector_load_idx %arg5[%parallel_loop3A_395, %add3A_21] : memref<512x128xf32, #tpu.memory_space<vmem>>[vector<16xi32>, vector<16xi32>], vector<16xf32>,
      tpu.vector_store_idx %arg9[%parallel_loop3A_394, %add3A_21], %parallel_loop3A_401 : memref<200x128xf32, #tpu.memory_space<vmem>>[vector<16xi32>, vector<16xi32>], vector<16xf32>,
      %parallel_loop3A_402 = tpu.vector_load_idx %arg5[%parallel_loop3A_395, %add3A_24] : memref<512x128xf32, #tpu.memory_space<vmem>>[vector<16xi32>, vector<16xi32>], vector<16xf32>,
      tpu.vector_store_idx %arg9[%parallel_loop3A_394, %add3A_24], %parallel_loop3A_402 : memref<200x128xf32, #tpu.memory_space<vmem>>[vector<16xi32>, vector<16xi32>], vector<16xf32>,
      %parallel_loop3A_403 = tpu.vector_load_idx %arg5[%parallel_loop3A_395, %add3A_27] : memref<512x128xf32, #tpu.memory_space<vmem>>[vector<16xi32>, vector<16xi32>], vector<16xf32>,
      tpu.vector_store_idx %arg9[%parallel_loop3A_394, %add3A_27], %parallel_loop3A_403 : memref<200x128xf32, #tpu.memory_space<vmem>>[vector<16xi32>, vector<16xi32>], vector<16xf32>,
    } {sc.loop_unroll_factor = 5 : i64, sc.parallel_access}
    %add3A_354 = arith.constant 1 : i32
    %add3A_355 = arith.addi %mul3A_2, %add3A_354 : i32
    %mul3A_356 = arith.constant 200 : i32
    %mul3A_357 = arith.muli %add3A_355, %mul3A_356 : i32
    %dma_start3A_358 = arith.constant 0 : i32
    %dma_start3A_359 = tpu.memref_slice %arg4[%mul3A_357, %dma_start3A_358] : memref<3276800x128xf32, #tpu.memory_space<hbm>> -> memref<200x128xf32, #tpu.memory_space<hbm>>
    %dma_start3A_360 = arith.constant 0 : i32
    %dma_start3A_361 = tpu.memref_slice %arg4[%mul3A_357, %dma_start3A_360] : memref<3276800x128xf32, #tpu.memory_space<hbm>> -> memref<200x128xf32, #tpu.memory_space<hbm>>
    tpu.enqueue_dma source(%arg9 : memref<200x128xf32, #tpu.memory_space<vmem>>) target(%dma_start3A_361 : memref<200x128xf32, #tpu.memory_space<hbm>>) target_semaphore(%arg14 : memref<!tpu.dma_semaphore, #tpu.memory_space<semaphore_mem>>)
    %add3A_362 = arith.constant 3 : i32
    %add3A_363 = arith.addi %mul3A_2, %add3A_362 : i32
    %mul3A_364 = arith.constant 200 : i32
    %mul3A_365 = arith.muli %add3A_363, %mul3A_364 : i32
    %dma_start3A_366 = tpu.memref_slice %arg2[%mul3A_365] : memref<3276800xi32, #tpu.memory_space<hbm>> -> memref<200xi32, #tpu.memory_space<hbm>>
    %dma_start3A_367 = tpu.memref_slice %arg2[%mul3A_365] : memref<3276800xi32, #tpu.memory_space<hbm>> -> memref<200xi32, #tpu.memory_space<hbm>>
    tpu.enqueue_dma source(%dma_start3A_367 : memref<200xi32, #tpu.memory_space<hbm>>) target(%arg7 : memref<200xi32, #tpu.memory_space<vmem>>) target_semaphore(%arg12 : memref<!tpu.dma_semaphore, #tpu.memory_space<semaphore_mem>>)
    %scan3A = arith.constant 0 : i32
    %scan3A_368 = arith.constant 1 : i32
    %scan3A_369 = arith.constant 255 : i32
    %scan3A_370 = arith.addi %scan3A_368, %scan3A_369 : i32
    %scan3A_371 = arith.constant 1 : i32
    scf.for %scan3A_393 = %scan3A_368 to %scan3A_370 step %scan3A_371  : i32 {
      %mul3A_394 = arith.constant 2 : i32
      %mul3A_395 = arith.muli %scan3A_393, %mul3A_394 : i32
      %add3A_396 = arith.constant 0 : i32
      %add3A_397 = arith.addi %mul3A_395, %add3A_396 : i32
      %dma_wait3A_398 = arith.constant 0 : i32
      %dma_wait3A_399 = tpu.memref_slice %arg2[%dma_wait3A_398] : memref<3276800xi32, #tpu.memory_space<hbm>> -> memref<200xi32, #tpu.memory_space<hbm>>
      %dma_wait3A_400 = arith.constant 0 : i32
      %dma_wait3A_401 = tpu.memref_slice %arg2[%dma_wait3A_400] : memref<3276800xi32, #tpu.memory_space<hbm>> -> memref<200xi32, #tpu.memory_space<hbm>>
      tpu.wait_dma2 semaphore(%arg11 : memref<!tpu.dma_semaphore, #tpu.memory_space<semaphore_mem>>) src(%dma_wait3A_401 : memref<200xi32, #tpu.memory_space<hbm>>) dst(%arg6 : memref<200xi32, #tpu.memory_space<vmem>>)
      %dma_wait3A_402 = arith.constant 0 : i32
      %dma_wait3A_403 = arith.constant 0 : i32
      %dma_wait3A_404 = tpu.memref_slice %arg4[%dma_wait3A_402, %dma_wait3A_403] : memref<3276800x128xf32, #tpu.memory_space<hbm>> -> memref<200x128xf32, #tpu.memory_space<hbm>>
      %dma_wait3A_405 = arith.constant 0 : i32
      %dma_wait3A_406 = arith.constant 0 : i32
      %dma_wait3A_407 = tpu.memref_slice %arg4[%dma_wait3A_405, %dma_wait3A_406] : memref<3276800x128xf32, #tpu.memory_space<hbm>> -> memref<200x128xf32, #tpu.memory_space<hbm>>
      tpu.wait_dma2 semaphore(%arg13 : memref<!tpu.dma_semaphore, #tpu.memory_space<semaphore_mem>>) src(%arg8 : memref<200x128xf32, #tpu.memory_space<vmem>>) dst(%dma_wait3A_407 : memref<200x128xf32, #tpu.memory_space<hbm>>)
      %get3A_408 = arith.constant 0 : index
      %get3A_409 = tpu.vector_load %arg6[%get3A_408] {strides = array<i32>} : memref<200xi32, #tpu.memory_space<vmem>>, vector<16xi32>,
      %broadcast_in_dim3A_410 = vector.shape_cast %broadcast_in_dim3A_3 : vector<16xi32> to vector<16x1xi32>
      %gather3A_411 = vector.shape_cast %broadcast_in_dim3A_410 : vector<16x1xi32> to vector<16xi32>
      %gather3A_412 = tpu.dynamic_gather %get3A_409[%gather3A_411] in [0] : vector<16xi32>, vector<16xi32> -> vector<16xi32>
      %get3A_413 = arith.constant 0 : index
      %get3A_414 = tpu.vector_load %arg6[%get3A_413] {strides = array<i32>} : memref<200xi32, #tpu.memory_space<vmem>>, vector<16xi32>,
      %sub3A_415 = arith.subi %get3A_414, %gather3A_412 : vector<16xi32>
      %jit3A_416 = arith.constant 0 : i32
      %jit3A_417 = arith.constant 511 : i32
      %max3A_418 = vector.broadcast %jit3A_416 : i32 to vector<16xi32>
      %max3A_419 = arith.maxsi %max3A_418, %sub3A_415 : vector<16xi32>
      %min3A_420 = vector.broadcast %jit3A_417 : i32 to vector<16xi32>
      %min3A_421 = arith.minsi %min3A_420, %max3A_419 : vector<16xi32>
      %swap3A_422 = arith.constant 0 : index
      %swap3A_423 = tpu.vector_load %arg10[%swap3A_422] {strides = array<i32>} : memref<200xi32, #tpu.memory_space<vmem>>, vector<16xi32>,
      tpu.vector_store %arg10[%swap3A_422], %min3A_421 {strides = array<i32>} : memref<200xi32, #tpu.memory_space<vmem>>, vector<16xi32>,
      %get3A_424 = arith.constant 16 : index
      %get3A_425 = tpu.vector_load %arg6[%get3A_424] {strides = array<i32>} : memref<200xi32, #tpu.memory_space<vmem>>, vector<16xi32>,
      %sub3A_426 = arith.subi %get3A_425, %gather3A_412 : vector<16xi32>
      %jit3A_427 = arith.constant 0 : i32
      %jit3A_428 = arith.constant 511 : i32
      %max3A_429 = vector.broadcast %jit3A_427 : i32 to vector<16xi32>
      %max3A_430 = arith.maxsi %max3A_429, %sub3A_426 : vector<16xi32>
      %min3A_431 = vector.broadcast %jit3A_428 : i32 to vector<16xi32>
      %min3A_432 = arith.minsi %min3A_431, %max3A_430 : vector<16xi32>
      %swap3A_433 = arith.constant 16 : index
      %swap3A_434 = tpu.vector_load %arg10[%swap3A_433] {strides = array<i32>} : memref<200xi32, #tpu.memory_space<vmem>>, vector<16xi32>,
      tpu.vector_store %arg10[%swap3A_433], %min3A_432 {strides = array<i32>} : memref<200xi32, #tpu.memory_space<vmem>>, vector<16xi32>,
      %get3A_435 = arith.constant 32 : index
      %get3A_436 = tpu.vector_load %arg6[%get3A_435] {strides = array<i32>} : memref<200xi32, #tpu.memory_space<vmem>>, vector<16xi32>,
      %sub3A_437 = arith.subi %get3A_436, %gather3A_412 : vector<16xi32>
      %jit3A_438 = arith.constant 0 : i32
      %jit3A_439 = arith.constant 511 : i32
      %max3A_440 = vector.broadcast %jit3A_438 : i32 to vector<16xi32>
      %max3A_441 = arith.maxsi %max3A_440, %sub3A_437 : vector<16xi32>
      %min3A_442 = vector.broadcast %jit3A_439 : i32 to vector<16xi32>
      %min3A_443 = arith.minsi %min3A_442, %max3A_441 : vector<16xi32>
      %swap3A_444 = arith.constant 32 : index
      %swap3A_445 = tpu.vector_load %arg10[%swap3A_444] {strides = array<i32>} : memref<200xi32, #tpu.memory_space<vmem>>, vector<16xi32>,
      tpu.vector_store %arg10[%swap3A_444], %min3A_443 {strides = array<i32>} : memref<200xi32, #tpu.memory_space<vmem>>, vector<16xi32>,
      %get3A_446 = arith.constant 48 : index
      %get3A_447 = tpu.vector_load %arg6[%get3A_446] {strides = array<i32>} : memref<200xi32, #tpu.memory_space<vmem>>, vector<16xi32>,
      %sub3A_448 = arith.subi %get3A_447, %gather3A_412 : vector<16xi32>
      %jit3A_449 = arith.constant 0 : i32
      %jit3A_450 = arith.constant 511 : i32
      %max3A_451 = vector.broadcast %jit3A_449 : i32 to vector<16xi32>
      %max3A_452 = arith.maxsi %max3A_451, %sub3A_448 : vector<16xi32>
      %min3A_453 = vector.broadcast %jit3A_450 : i32 to vector<16xi32>
      %min3A_454 = arith.minsi %min3A_453, %max3A_452 : vector<16xi32>
      %swap3A_455 = arith.constant 48 : index
      %swap3A_456 = tpu.vector_load %arg10[%swap3A_455] {strides = array<i32>} : memref<200xi32, #tpu.memory_space<vmem>>, vector<16xi32>,
      tpu.vector_store %arg10[%swap3A_455], %min3A_454 {strides = array<i32>} : memref<200xi32, #tpu.memory_space<vmem>>, vector<16xi32>,
      %get3A_457 = arith.constant 64 : index
      %get3A_458 = tpu.vector_load %arg6[%get3A_457] {strides = array<i32>} : memref<200xi32, #tpu.memory_space<vmem>>, vector<16xi32>,
      %sub3A_459 = arith.subi %get3A_458, %gather3A_412 : vector<16xi32>
      %jit3A_460 = arith.constant 0 : i32
      %jit3A_461 = arith.constant 511 : i32
      %max3A_462 = vector.broadcast %jit3A_460 : i32 to vector<16xi32>
      %max3A_463 = arith.maxsi %max3A_462, %sub3A_459 : vector<16xi32>
      %min3A_464 = vector.broadcast %jit3A_461 : i32 to vector<16xi32>
      %min3A_465 = arith.minsi %min3A_464, %max3A_463 : vector<16xi32>
      %swap3A_466 = arith.constant 64 : index
      %swap3A_467 = tpu.vector_load %arg10[%swap3A_466] {strides = array<i32>} : memref<200xi32, #tpu.memory_space<vmem>>, vector<16xi32>,
      tpu.vector_store %arg10[%swap3A_466], %min3A_465 {strides = array<i32>} : memref<200xi32, #tpu.memory_space<vmem>>, vector<16xi32>,
      %get3A_468 = arith.constant 80 : index
      %get3A_469 = tpu.vector_load %arg6[%get3A_468] {strides = array<i32>} : memref<200xi32, #tpu.memory_space<vmem>>, vector<16xi32>,
      %sub3A_470 = arith.subi %get3A_469, %gather3A_412 : vector<16xi32>
      %jit3A_471 = arith.constant 0 : i32
      %jit3A_472 = arith.constant 511 : i32
      %max3A_473 = vector.broadcast %jit3A_471 : i32 to vector<16xi32>
      %max3A_474 = arith.maxsi %max3A_473, %sub3A_470 : vector<16xi32>
      %min3A_475 = vector.broadcast %jit3A_472 : i32 to vector<16xi32>
      %min3A_476 = arith.minsi %min3A_475, %max3A_474 : vector<16xi32>
      %swap3A_477 = arith.constant 80 : index
      %swap3A_478 = tpu.vector_load %arg10[%swap3A_477] {strides = array<i32>} : memref<200xi32, #tpu.memory_space<vmem>>, vector<16xi32>,
      tpu.vector_store %arg10[%swap3A_477], %min3A_476 {strides = array<i32>} : memref<200xi32, #tpu.memory_space<vmem>>, vector<16xi32>,
      %get3A_479 = arith.constant 96 : index
      %get3A_480 = tpu.vector_load %arg6[%get3A_479] {strides = array<i32>} : memref<200xi32, #tpu.memory_space<vmem>>, vector<16xi32>,
      %sub3A_481 = arith.subi %get3A_480, %gather3A_412 : vector<16xi32>
      %jit3A_482 = arith.constant 0 : i32
      %jit3A_483 = arith.constant 511 : i32
      %max3A_484 = vector.broadcast %jit3A_482 : i32 to vector<16xi32>
      %max3A_485 = arith.maxsi %max3A_484, %sub3A_481 : vector<16xi32>
      %min3A_486 = vector.broadcast %jit3A_483 : i32 to vector<16xi32>
      %min3A_487 = arith.minsi %min3A_486, %max3A_485 : vector<16xi32>
      %swap3A_488 = arith.constant 96 : index
      %swap3A_489 = tpu.vector_load %arg10[%swap3A_488] {strides = array<i32>} : memref<200xi32, #tpu.memory_space<vmem>>, vector<16xi32>,
      tpu.vector_store %arg10[%swap3A_488], %min3A_487 {strides = array<i32>} : memref<200xi32, #tpu.memory_space<vmem>>, vector<16xi32>,
      %get3A_490 = arith.constant 112 : index
      %get3A_491 = tpu.vector_load %arg6[%get3A_490] {strides = array<i32>} : memref<200xi32, #tpu.memory_space<vmem>>, vector<16xi32>,
      %sub3A_492 = arith.subi %get3A_491, %gather3A_412 : vector<16xi32>
      %jit3A_493 = arith.constant 0 : i32
      %jit3A_494 = arith.constant 511 : i32
      %max3A_495 = vector.broadcast %jit3A_493 : i32 to vector<16xi32>
      %max3A_496 = arith.maxsi %max3A_495, %sub3A_492 : vector<16xi32>
      %min3A_497 = vector.broadcast %jit3A_494 : i32 to vector<16xi32>
      %min3A_498 = arith.minsi %min3A_497, %max3A_496 : vector<16xi32>
      %swap3A_499 = arith.constant 112 : index
      %swap3A_500 = tpu.vector_load %arg10[%swap3A_499] {strides = array<i32>} : memref<200xi32, #tpu.memory_space<vmem>>, vector<16xi32>,
      tpu.vector_store %arg10[%swap3A_499], %min3A_498 {strides = array<i32>} : memref<200xi32, #tpu.memory_space<vmem>>, vector<16xi32>,
      %get3A_501 = arith.constant 128 : index
      %get3A_502 = tpu.vector_load %arg6[%get3A_501] {strides = array<i32>} : memref<200xi32, #tpu.memory_space<vmem>>, vector<16xi32>,
      %sub3A_503 = arith.subi %get3A_502, %gather3A_412 : vector<16xi32>
      %jit3A_504 = arith.constant 0 : i32
      %jit3A_505 = arith.constant 511 : i32
      %max3A_506 = vector.broadcast %jit3A_504 : i32 to vector<16xi32>
      %max3A_507 = arith.maxsi %max3A_506, %sub3A_503 : vector<16xi32>
      %min3A_508 = vector.broadcast %jit3A_505 : i32 to vector<16xi32>
      %min3A_509 = arith.minsi %min3A_508, %max3A_507 : vector<16xi32>
      %swap3A_510 = arith.constant 128 : index
      %swap3A_511 = tpu.vector_load %arg10[%swap3A_510] {strides = array<i32>} : memref<200xi32, #tpu.memory_space<vmem>>, vector<16xi32>,
      tpu.vector_store %arg10[%swap3A_510], %min3A_509 {strides = array<i32>} : memref<200xi32, #tpu.memory_space<vmem>>, vector<16xi32>,
      %get3A_512 = arith.constant 144 : index
      %get3A_513 = tpu.vector_load %arg6[%get3A_512] {strides = array<i32>} : memref<200xi32, #tpu.memory_space<vmem>>, vector<16xi32>,
      %sub3A_514 = arith.subi %get3A_513, %gather3A_412 : vector<16xi32>
      %jit3A_515 = arith.constant 0 : i32
      %jit3A_516 = arith.constant 511 : i32
      %max3A_517 = vector.broadcast %jit3A_515 : i32 to vector<16xi32>
      %max3A_518 = arith.maxsi %max3A_517, %sub3A_514 : vector<16xi32>
      %min3A_519 = vector.broadcast %jit3A_516 : i32 to vector<16xi32>
      %min3A_520 = arith.minsi %min3A_519, %max3A_518 : vector<16xi32>
      %swap3A_521 = arith.constant 144 : index
      %swap3A_522 = tpu.vector_load %arg10[%swap3A_521] {strides = array<i32>} : memref<200xi32, #tpu.memory_space<vmem>>, vector<16xi32>,
      tpu.vector_store %arg10[%swap3A_521], %min3A_520 {strides = array<i32>} : memref<200xi32, #tpu.memory_space<vmem>>, vector<16xi32>,
      %get3A_523 = arith.constant 160 : index
      %get3A_524 = tpu.vector_load %arg6[%get3A_523] {strides = array<i32>} : memref<200xi32, #tpu.memory_space<vmem>>, vector<16xi32>,
      %sub3A_525 = arith.subi %get3A_524, %gather3A_412 : vector<16xi32>
      %jit3A_526 = arith.constant 0 : i32
      %jit3A_527 = arith.constant 511 : i32
      %max3A_528 = vector.broadcast %jit3A_526 : i32 to vector<16xi32>
      %max3A_529 = arith.maxsi %max3A_528, %sub3A_525 : vector<16xi32>
      %min3A_530 = vector.broadcast %jit3A_527 : i32 to vector<16xi32>
      %min3A_531 = arith.minsi %min3A_530, %max3A_529 : vector<16xi32>
      %swap3A_532 = arith.constant 160 : index
      %swap3A_533 = tpu.vector_load %arg10[%swap3A_532] {strides = array<i32>} : memref<200xi32, #tpu.memory_space<vmem>>, vector<16xi32>,
      tpu.vector_store %arg10[%swap3A_532], %min3A_531 {strides = array<i32>} : memref<200xi32, #tpu.memory_space<vmem>>, vector<16xi32>,
      %get3A_534 = arith.constant 176 : index
      %get3A_535 = tpu.vector_load %arg6[%get3A_534] {strides = array<i32>} : memref<200xi32, #tpu.memory_space<vmem>>, vector<16xi32>,
      %sub3A_536 = arith.subi %get3A_535, %gather3A_412 : vector<16xi32>
      %jit3A_537 = arith.constant 0 : i32
      %jit3A_538 = arith.constant 511 : i32
      %max3A_539 = vector.broadcast %jit3A_537 : i32 to vector<16xi32>
      %max3A_540 = arith.maxsi %max3A_539, %sub3A_536 : vector<16xi32>
      %min3A_541 = vector.broadcast %jit3A_538 : i32 to vector<16xi32>
      %min3A_542 = arith.minsi %min3A_541, %max3A_540 : vector<16xi32>
      %swap3A_543 = arith.constant 176 : index
      %swap3A_544 = tpu.vector_load %arg10[%swap3A_543] {strides = array<i32>} : memref<200xi32, #tpu.memory_space<vmem>>, vector<16xi32>,
      tpu.vector_store %arg10[%swap3A_543], %min3A_542 {strides = array<i32>} : memref<200xi32, #tpu.memory_space<vmem>>, vector<16xi32>,
      %get3A_545 = arith.constant 184 : index
      %get3A_546 = tpu.vector_load %arg6[%get3A_545] {strides = array<i32>} : memref<200xi32, #tpu.memory_space<vmem>>, vector<16xi32>,
      %sub3A_547 = arith.subi %get3A_546, %gather3A_412 : vector<16xi32>
      %jit3A_548 = arith.constant 0 : i32
      %jit3A_549 = arith.constant 511 : i32
      %max3A_550 = vector.broadcast %jit3A_548 : i32 to vector<16xi32>
      %max3A_551 = arith.maxsi %max3A_550, %sub3A_547 : vector<16xi32>
      %min3A_552 = vector.broadcast %jit3A_549 : i32 to vector<16xi32>
      %min3A_553 = arith.minsi %min3A_552, %max3A_551 : vector<16xi32>
      %swap3A_554 = arith.constant 184 : index
      %swap3A_555 = tpu.vector_load %arg10[%swap3A_554] {strides = array<i32>} : memref<200xi32, #tpu.memory_space<vmem>>, vector<16xi32>,
      tpu.vector_store %arg10[%swap3A_554], %min3A_553 {strides = array<i32>} : memref<200xi32, #tpu.memory_space<vmem>>, vector<16xi32>,
      %parallel_loop3A_556 = arith.constant 0 : i32
      %parallel_loop3A_557 = arith.constant 200 : i32
      %parallel_loop3A_558 = arith.constant 1 : i32
      scf.for %parallel_loop3A_756 = %parallel_loop3A_556 to %parallel_loop3A_557 step %parallel_loop3A_558  : i32 {
        %parallel_loop3A_757 = vector.broadcast %parallel_loop3A_756 : i32 to vector<16xi32>
        %parallel_loop3A_758 = tpu.vector_load_idx %arg10[%parallel_loop3A_757] : memref<200xi32, #tpu.memory_space<vmem>>[vector<16xi32>], vector<16xi32>,
        %parallel_loop3A_759 = tpu.vector_load_idx %arg5[%parallel_loop3A_758, %add3A_6] : memref<512x128xf32, #tpu.memory_space<vmem>>[vector<16xi32>, vector<16xi32>], vector<16xf32>,
        tpu.vector_store_idx %arg8[%parallel_loop3A_757, %add3A_6], %parallel_loop3A_759 : memref<200x128xf32, #tpu.memory_space<vmem>>[vector<16xi32>, vector<16xi32>], vector<16xf32>,
        %parallel_loop3A_760 = tpu.vector_load_idx %arg5[%parallel_loop3A_758, %add3A_9] : memref<512x128xf32, #tpu.memory_space<vmem>>[vector<16xi32>, vector<16xi32>], vector<16xf32>,
        tpu.vector_store_idx %arg8[%parallel_loop3A_757, %add3A_9], %parallel_loop3A_760 : memref<200x128xf32, #tpu.memory_space<vmem>>[vector<16xi32>, vector<16xi32>], vector<16xf32>,
        %parallel_loop3A_761 = tpu.vector_load_idx %arg5[%parallel_loop3A_758, %add3A_12] : memref<512x128xf32, #tpu.memory_space<vmem>>[vector<16xi32>, vector<16xi32>], vector<16xf32>,
        tpu.vector_store_idx %arg8[%parallel_loop3A_757, %add3A_12], %parallel_loop3A_761 : memref<200x128xf32, #tpu.memory_space<vmem>>[vector<16xi32>, vector<16xi32>], vector<16xf32>,
        %parallel_loop3A_762 = tpu.vector_load_idx %arg5[%parallel_loop3A_758, %add3A_15] : memref<512x128xf32, #tpu.memory_space<vmem>>[vector<16xi32>, vector<16xi32>], vector<16xf32>,
        tpu.vector_store_idx %arg8[%parallel_loop3A_757, %add3A_15], %parallel_loop3A_762 : memref<200x128xf32, #tpu.memory_space<vmem>>[vector<16xi32>, vector<16xi32>], vector<16xf32>,
        %parallel_loop3A_763 = tpu.vector_load_idx %arg5[%parallel_loop3A_758, %add3A_18] : memref<512x128xf32, #tpu.memory_space<vmem>>[vector<16xi32>, vector<16xi32>], vector<16xf32>,
        tpu.vector_store_idx %arg8[%parallel_loop3A_757, %add3A_18], %parallel_loop3A_763 : memref<200x128xf32, #tpu.memory_space<vmem>>[vector<16xi32>, vector<16xi32>], vector<16xf32>,
        %parallel_loop3A_764 = tpu.vector_load_idx %arg5[%parallel_loop3A_758, %add3A_21] : memref<512x128xf32, #tpu.memory_space<vmem>>[vector<16xi32>, vector<16xi32>], vector<16xf32>,
        tpu.vector_store_idx %arg8[%parallel_loop3A_757, %add3A_21], %parallel_loop3A_764 : memref<200x128xf32, #tpu.memory_space<vmem>>[vector<16xi32>, vector<16xi32>], vector<16xf32>,
        %parallel_loop3A_765 = tpu.vector_load_idx %arg5[%parallel_loop3A_758, %add3A_24] : memref<512x128xf32, #tpu.memory_space<vmem>>[vector<16xi32>, vector<16xi32>], vector<16xf32>,
        tpu.vector_store_idx %arg8[%parallel_loop3A_757, %add3A_24], %parallel_loop3A_765 : memref<200x128xf32, #tpu.memory_space<vmem>>[vector<16xi32>, vector<16xi32>], vector<16xf32>,
        %parallel_loop3A_766 = tpu.vector_load_idx %arg5[%parallel_loop3A_758, %add3A_27] : memref<512x128xf32, #tpu.memory_space<vmem>>[vector<16xi32>, vector<16xi32>], vector<16xf32>,
        tpu.vector_store_idx %arg8[%parallel_loop3A_757, %add3A_27], %parallel_loop3A_766 : memref<200x128xf32, #tpu.memory_space<vmem>>[vector<16xi32>, vector<16xi32>], vector<16xf32>,
      } {sc.loop_unroll_factor = 5 : i64, sc.parallel_access}
      %add3A_559 = arith.addi %mul3A_2, %add3A_397 : i32
      %mul3A_560 = arith.constant 200 : i32
      %mul3A_561 = arith.muli %add3A_559, %mul3A_560 : i32
      %dma_start3A_562 = arith.constant 0 : i32
      %dma_start3A_563 = tpu.memref_slice %arg4[%mul3A_561, %dma_start3A_562] : memref<3276800x128xf32, #tpu.memory_space<hbm>> -> memref<200x128xf32, #tpu.memory_space<hbm>>
      %dma_start3A_564 = arith.constant 0 : i32
      %dma_start3A_565 = tpu.memref_slice %arg4[%mul3A_561, %dma_start3A_564] : memref<3276800x128xf32, #tpu.memory_space<hbm>> -> memref<200x128xf32, #tpu.memory_space<hbm>>
      tpu.enqueue_dma source(%arg8 : memref<200x128xf32, #tpu.memory_space<vmem>>) target(%dma_start3A_565 : memref<200x128xf32, #tpu.memory_space<hbm>>) target_semaphore(%arg13 : memref<!tpu.dma_semaphore, #tpu.memory_space<semaphore_mem>>)
      %add3A_566 = arith.constant 2 : i32
      %add3A_567 = arith.addi %add3A_397, %add3A_566 : i32
      %min3A_568 = arith.constant 511 : i32
      %min3A_569 = arith.minsi %add3A_567, %min3A_568 : i32
      %add3A_570 = arith.addi %mul3A_2, %min3A_569 : i32
      %mul3A_571 = arith.constant 200 : i32
      %mul3A_572 = arith.muli %add3A_570, %mul3A_571 : i32
      %dma_start3A_573 = tpu.memref_slice %arg2[%mul3A_572] : memref<3276800xi32, #tpu.memory_space<hbm>> -> memref<200xi32, #tpu.memory_space<hbm>>
      %dma_start3A_574 = tpu.memref_slice %arg2[%mul3A_572] : memref<3276800xi32, #tpu.memory_space<hbm>> -> memref<200xi32, #tpu.memory_space<hbm>>
      tpu.enqueue_dma source(%dma_start3A_574 : memref<200xi32, #tpu.memory_space<hbm>>) target(%arg6 : memref<200xi32, #tpu.memory_space<vmem>>) target_semaphore(%arg11 : memref<!tpu.dma_semaphore, #tpu.memory_space<semaphore_mem>>)
      %mul3A_575 = arith.constant 2 : i32
      %mul3A_576 = arith.muli %scan3A_393, %mul3A_575 : i32
      %add3A_577 = arith.constant 1 : i32
      %add3A_578 = arith.addi %mul3A_576, %add3A_577 : i32
      %dma_wait3A_579 = arith.constant 0 : i32
      %dma_wait3A_580 = tpu.memref_slice %arg2[%dma_wait3A_579] : memref<3276800xi32, #tpu.memory_space<hbm>> -> memref<200xi32, #tpu.memory_space<hbm>>
      %dma_wait3A_581 = arith.constant 0 : i32
      %dma_wait3A_582 = tpu.memref_slice %arg2[%dma_wait3A_581] : memref<3276800xi32, #tpu.memory_space<hbm>> -> memref<200xi32, #tpu.memory_space<hbm>>
      tpu.wait_dma2 semaphore(%arg12 : memref<!tpu.dma_semaphore, #tpu.memory_space<semaphore_mem>>) src(%dma_wait3A_582 : memref<200xi32, #tpu.memory_space<hbm>>) dst(%arg7 : memref<200xi32, #tpu.memory_space<vmem>>)
      %dma_wait3A_583 = arith.constant 0 : i32
      %dma_wait3A_584 = arith.constant 0 : i32
      %dma_wait3A_585 = tpu.memref_slice %arg4[%dma_wait3A_583, %dma_wait3A_584] : memref<3276800x128xf32, #tpu.memory_space<hbm>> -> memref<200x128xf32, #tpu.memory_space<hbm>>
      %dma_wait3A_586 = arith.constant 0 : i32
      %dma_wait3A_587 = arith.constant 0 : i32
      %dma_wait3A_588 = tpu.memref_slice %arg4[%dma_wait3A_586, %dma_wait3A_587] : memref<3276800x128xf32, #tpu.memory_space<hbm>> -> memref<200x128xf32, #tpu.memory_space<hbm>>
      tpu.wait_dma2 semaphore(%arg14 : memref<!tpu.dma_semaphore, #tpu.memory_space<semaphore_mem>>) src(%arg9 : memref<200x128xf32, #tpu.memory_space<vmem>>) dst(%dma_wait3A_588 : memref<200x128xf32, #tpu.memory_space<hbm>>)
      %get3A_589 = arith.constant 0 : index
      %get3A_590 = tpu.vector_load %arg7[%get3A_589] {strides = array<i32>} : memref<200xi32, #tpu.memory_space<vmem>>, vector<16xi32>,
      %broadcast_in_dim3A_591 = vector.shape_cast %broadcast_in_dim3A_3 : vector<16xi32> to vector<16x1xi32>
      %gather3A_592 = vector.shape_cast %broadcast_in_dim3A_591 : vector<16x1xi32> to vector<16xi32>
      %gather3A_593 = tpu.dynamic_gather %get3A_590[%gather3A_592] in [0] : vector<16xi32>, vector<16xi32> -> vector<16xi32>
      %get3A_594 = arith.constant 0 : index
      %get3A_595 = tpu.vector_load %arg7[%get3A_594] {strides = array<i32>} : memref<200xi32, #tpu.memory_space<vmem>>, vector<16xi32>,
      %sub3A_596 = arith.subi %get3A_595, %gather3A_593 : vector<16xi32>
      %jit3A_597 = arith.constant 0 : i32
      %jit3A_598 = arith.constant 511 : i32
      %max3A_599 = vector.broadcast %jit3A_597 : i32 to vector<16xi32>
      %max3A_600 = arith.maxsi %max3A_599, %sub3A_596 : vector<16xi32>
      %min3A_601 = vector.broadcast %jit3A_598 : i32 to vector<16xi32>
      %min3A_602 = arith.minsi %min3A_601, %max3A_600 : vector<16xi32>
      %swap3A_603 = arith.constant 0 : index
      %swap3A_604 = tpu.vector_load %arg10[%swap3A_603] {strides = array<i32>} : memref<200xi32, #tpu.memory_space<vmem>>, vector<16xi32>,
      tpu.vector_store %arg10[%swap3A_603], %min3A_602 {strides = array<i32>} : memref<200xi32, #tpu.memory_space<vmem>>, vector<16xi32>,
      %get3A_605 = arith.constant 16 : index
      %get3A_606 = tpu.vector_load %arg7[%get3A_605] {strides = array<i32>} : memref<200xi32, #tpu.memory_space<vmem>>, vector<16xi32>,
      %sub3A_607 = arith.subi %get3A_606, %gather3A_593 : vector<16xi32>
      %jit3A_608 = arith.constant 0 : i32
      %jit3A_609 = arith.constant 511 : i32
      %max3A_610 = vector.broadcast %jit3A_608 : i32 to vector<16xi32>
      %max3A_611 = arith.maxsi %max3A_610, %sub3A_607 : vector<16xi32>
      %min3A_612 = vector.broadcast %jit3A_609 : i32 to vector<16xi32>
      %min3A_613 = arith.minsi %min3A_612, %max3A_611 : vector<16xi32>
      %swap3A_614 = arith.constant 16 : index
      %swap3A_615 = tpu.vector_load %arg10[%swap3A_614] {strides = array<i32>} : memref<200xi32, #tpu.memory_space<vmem>>, vector<16xi32>,
      tpu.vector_store %arg10[%swap3A_614], %min3A_613 {strides = array<i32>} : memref<200xi32, #tpu.memory_space<vmem>>, vector<16xi32>,
      %get3A_616 = arith.constant 32 : index
      %get3A_617 = tpu.vector_load %arg7[%get3A_616] {strides = array<i32>} : memref<200xi32, #tpu.memory_space<vmem>>, vector<16xi32>,
      %sub3A_618 = arith.subi %get3A_617, %gather3A_593 : vector<16xi32>
      %jit3A_619 = arith.constant 0 : i32
      %jit3A_620 = arith.constant 511 : i32
      %max3A_621 = vector.broadcast %jit3A_619 : i32 to vector<16xi32>
      %max3A_622 = arith.maxsi %max3A_621, %sub3A_618 : vector<16xi32>
      %min3A_623 = vector.broadcast %jit3A_620 : i32 to vector<16xi32>
      %min3A_624 = arith.minsi %min3A_623, %max3A_622 : vector<16xi32>
      %swap3A_625 = arith.constant 32 : index
      %swap3A_626 = tpu.vector_load %arg10[%swap3A_625] {strides = array<i32>} : memref<200xi32, #tpu.memory_space<vmem>>, vector<16xi32>,
      tpu.vector_store %arg10[%swap3A_625], %min3A_624 {strides = array<i32>} : memref<200xi32, #tpu.memory_space<vmem>>, vector<16xi32>,
      %get3A_627 = arith.constant 48 : index
      %get3A_628 = tpu.vector_load %arg7[%get3A_627] {strides = array<i32>} : memref<200xi32, #tpu.memory_space<vmem>>, vector<16xi32>,
      %sub3A_629 = arith.subi %get3A_628, %gather3A_593 : vector<16xi32>
      %jit3A_630 = arith.constant 0 : i32
      %jit3A_631 = arith.constant 511 : i32
      %max3A_632 = vector.broadcast %jit3A_630 : i32 to vector<16xi32>
      %max3A_633 = arith.maxsi %max3A_632, %sub3A_629 : vector<16xi32>
      %min3A_634 = vector.broadcast %jit3A_631 : i32 to vector<16xi32>
      %min3A_635 = arith.minsi %min3A_634, %max3A_633 : vector<16xi32>
      %swap3A_636 = arith.constant 48 : index
      %swap3A_637 = tpu.vector_load %arg10[%swap3A_636] {strides = array<i32>} : memref<200xi32, #tpu.memory_space<vmem>>, vector<16xi32>,
      tpu.vector_store %arg10[%swap3A_636], %min3A_635 {strides = array<i32>} : memref<200xi32, #tpu.memory_space<vmem>>, vector<16xi32>,
      %get3A_638 = arith.constant 64 : index
      %get3A_639 = tpu.vector_load %arg7[%get3A_638] {strides = array<i32>} : memref<200xi32, #tpu.memory_space<vmem>>, vector<16xi32>,
      %sub3A_640 = arith.subi %get3A_639, %gather3A_593 : vector<16xi32>
      %jit3A_641 = arith.constant 0 : i32
      %jit3A_642 = arith.constant 511 : i32
      %max3A_643 = vector.broadcast %jit3A_641 : i32 to vector<16xi32>
      %max3A_644 = arith.maxsi %max3A_643, %sub3A_640 : vector<16xi32>
      %min3A_645 = vector.broadcast %jit3A_642 : i32 to vector<16xi32>
      %min3A_646 = arith.minsi %min3A_645, %max3A_644 : vector<16xi32>
      %swap3A_647 = arith.constant 64 : index
      %swap3A_648 = tpu.vector_load %arg10[%swap3A_647] {strides = array<i32>} : memref<200xi32, #tpu.memory_space<vmem>>, vector<16xi32>,
      tpu.vector_store %arg10[%swap3A_647], %min3A_646 {strides = array<i32>} : memref<200xi32, #tpu.memory_space<vmem>>, vector<16xi32>,
      %get3A_649 = arith.constant 80 : index
      %get3A_650 = tpu.vector_load %arg7[%get3A_649] {strides = array<i32>} : memref<200xi32, #tpu.memory_space<vmem>>, vector<16xi32>,
      %sub3A_651 = arith.subi %get3A_650, %gather3A_593 : vector<16xi32>
      %jit3A_652 = arith.constant 0 : i32
      %jit3A_653 = arith.constant 511 : i32
      %max3A_654 = vector.broadcast %jit3A_652 : i32 to vector<16xi32>
      %max3A_655 = arith.maxsi %max3A_654, %sub3A_651 : vector<16xi32>
      %min3A_656 = vector.broadcast %jit3A_653 : i32 to vector<16xi32>
      %min3A_657 = arith.minsi %min3A_656, %max3A_655 : vector<16xi32>
      %swap3A_658 = arith.constant 80 : index
      %swap3A_659 = tpu.vector_load %arg10[%swap3A_658] {strides = array<i32>} : memref<200xi32, #tpu.memory_space<vmem>>, vector<16xi32>,
      tpu.vector_store %arg10[%swap3A_658], %min3A_657 {strides = array<i32>} : memref<200xi32, #tpu.memory_space<vmem>>, vector<16xi32>,
      %get3A_660 = arith.constant 96 : index
      %get3A_661 = tpu.vector_load %arg7[%get3A_660] {strides = array<i32>} : memref<200xi32, #tpu.memory_space<vmem>>, vector<16xi32>,
      %sub3A_662 = arith.subi %get3A_661, %gather3A_593 : vector<16xi32>
      %jit3A_663 = arith.constant 0 : i32
      %jit3A_664 = arith.constant 511 : i32
      %max3A_665 = vector.broadcast %jit3A_663 : i32 to vector<16xi32>
      %max3A_666 = arith.maxsi %max3A_665, %sub3A_662 : vector<16xi32>
      %min3A_667 = vector.broadcast %jit3A_664 : i32 to vector<16xi32>
      %min3A_668 = arith.minsi %min3A_667, %max3A_666 : vector<16xi32>
      %swap3A_669 = arith.constant 96 : index
      %swap3A_670 = tpu.vector_load %arg10[%swap3A_669] {strides = array<i32>} : memref<200xi32, #tpu.memory_space<vmem>>, vector<16xi32>,
      tpu.vector_store %arg10[%swap3A_669], %min3A_668 {strides = array<i32>} : memref<200xi32, #tpu.memory_space<vmem>>, vector<16xi32>,
      %get3A_671 = arith.constant 112 : index
      %get3A_672 = tpu.vector_load %arg7[%get3A_671] {strides = array<i32>} : memref<200xi32, #tpu.memory_space<vmem>>, vector<16xi32>,
      %sub3A_673 = arith.subi %get3A_672, %gather3A_593 : vector<16xi32>
      %jit3A_674 = arith.constant 0 : i32
      %jit3A_675 = arith.constant 511 : i32
      %max3A_676 = vector.broadcast %jit3A_674 : i32 to vector<16xi32>
      %max3A_677 = arith.maxsi %max3A_676, %sub3A_673 : vector<16xi32>
      %min3A_678 = vector.broadcast %jit3A_675 : i32 to vector<16xi32>
      %min3A_679 = arith.minsi %min3A_678, %max3A_677 : vector<16xi32>
      %swap3A_680 = arith.constant 112 : index
      %swap3A_681 = tpu.vector_load %arg10[%swap3A_680] {strides = array<i32>} : memref<200xi32, #tpu.memory_space<vmem>>, vector<16xi32>,
      tpu.vector_store %arg10[%swap3A_680], %min3A_679 {strides = array<i32>} : memref<200xi32, #tpu.memory_space<vmem>>, vector<16xi32>,
      %get3A_682 = arith.constant 128 : index
      %get3A_683 = tpu.vector_load %arg7[%get3A_682] {strides = array<i32>} : memref<200xi32, #tpu.memory_space<vmem>>, vector<16xi32>,
      %sub3A_684 = arith.subi %get3A_683, %gather3A_593 : vector<16xi32>
      %jit3A_685 = arith.constant 0 : i32
      %jit3A_686 = arith.constant 511 : i32
      %max3A_687 = vector.broadcast %jit3A_685 : i32 to vector<16xi32>
      %max3A_688 = arith.maxsi %max3A_687, %sub3A_684 : vector<16xi32>
      %min3A_689 = vector.broadcast %jit3A_686 : i32 to vector<16xi32>
      %min3A_690 = arith.minsi %min3A_689, %max3A_688 : vector<16xi32>
      %swap3A_691 = arith.constant 128 : index
      %swap3A_692 = tpu.vector_load %arg10[%swap3A_691] {strides = array<i32>} : memref<200xi32, #tpu.memory_space<vmem>>, vector<16xi32>,
      tpu.vector_store %arg10[%swap3A_691], %min3A_690 {strides = array<i32>} : memref<200xi32, #tpu.memory_space<vmem>>, vector<16xi32>,
      %get3A_693 = arith.constant 144 : index
      %get3A_694 = tpu.vector_load %arg7[%get3A_693] {strides = array<i32>} : memref<200xi32, #tpu.memory_space<vmem>>, vector<16xi32>,
      %sub3A_695 = arith.subi %get3A_694, %gather3A_593 : vector<16xi32>
      %jit3A_696 = arith.constant 0 : i32
      %jit3A_697 = arith.constant 511 : i32
      %max3A_698 = vector.broadcast %jit3A_696 : i32 to vector<16xi32>
      %max3A_699 = arith.maxsi %max3A_698, %sub3A_695 : vector<16xi32>
      %min3A_700 = vector.broadcast %jit3A_697 : i32 to vector<16xi32>
      %min3A_701 = arith.minsi %min3A_700, %max3A_699 : vector<16xi32>
      %swap3A_702 = arith.constant 144 : index
      %swap3A_703 = tpu.vector_load %arg10[%swap3A_702] {strides = array<i32>} : memref<200xi32, #tpu.memory_space<vmem>>, vector<16xi32>,
      tpu.vector_store %arg10[%swap3A_702], %min3A_701 {strides = array<i32>} : memref<200xi32, #tpu.memory_space<vmem>>, vector<16xi32>,
      %get3A_704 = arith.constant 160 : index
      %get3A_705 = tpu.vector_load %arg7[%get3A_704] {strides = array<i32>} : memref<200xi32, #tpu.memory_space<vmem>>, vector<16xi32>,
      %sub3A_706 = arith.subi %get3A_705, %gather3A_593 : vector<16xi32>
      %jit3A_707 = arith.constant 0 : i32
      %jit3A_708 = arith.constant 511 : i32
      %max3A_709 = vector.broadcast %jit3A_707 : i32 to vector<16xi32>
      %max3A_710 = arith.maxsi %max3A_709, %sub3A_706 : vector<16xi32>
      %min3A_711 = vector.broadcast %jit3A_708 : i32 to vector<16xi32>
      %min3A_712 = arith.minsi %min3A_711, %max3A_710 : vector<16xi32>
      %swap3A_713 = arith.constant 160 : index
      %swap3A_714 = tpu.vector_load %arg10[%swap3A_713] {strides = array<i32>} : memref<200xi32, #tpu.memory_space<vmem>>, vector<16xi32>,
      tpu.vector_store %arg10[%swap3A_713], %min3A_712 {strides = array<i32>} : memref<200xi32, #tpu.memory_space<vmem>>, vector<16xi32>,
      %get3A_715 = arith.constant 176 : index
      %get3A_716 = tpu.vector_load %arg7[%get3A_715] {strides = array<i32>} : memref<200xi32, #tpu.memory_space<vmem>>, vector<16xi32>,
      %sub3A_717 = arith.subi %get3A_716, %gather3A_593 : vector<16xi32>
      %jit3A_718 = arith.constant 0 : i32
      %jit3A_719 = arith.constant 511 : i32
      %max3A_720 = vector.broadcast %jit3A_718 : i32 to vector<16xi32>
      %max3A_721 = arith.maxsi %max3A_720, %sub3A_717 : vector<16xi32>
      %min3A_722 = vector.broadcast %jit3A_719 : i32 to vector<16xi32>
      %min3A_723 = arith.minsi %min3A_722, %max3A_721 : vector<16xi32>
      %swap3A_724 = arith.constant 176 : index
      %swap3A_725 = tpu.vector_load %arg10[%swap3A_724] {strides = array<i32>} : memref<200xi32, #tpu.memory_space<vmem>>, vector<16xi32>,
      tpu.vector_store %arg10[%swap3A_724], %min3A_723 {strides = array<i32>} : memref<200xi32, #tpu.memory_space<vmem>>, vector<16xi32>,
      %get3A_726 = arith.constant 184 : index
      %get3A_727 = tpu.vector_load %arg7[%get3A_726] {strides = array<i32>} : memref<200xi32, #tpu.memory_space<vmem>>, vector<16xi32>,
      %sub3A_728 = arith.subi %get3A_727, %gather3A_593 : vector<16xi32>
      %jit3A_729 = arith.constant 0 : i32
      %jit3A_730 = arith.constant 511 : i32
      %max3A_731 = vector.broadcast %jit3A_729 : i32 to vector<16xi32>
      %max3A_732 = arith.maxsi %max3A_731, %sub3A_728 : vector<16xi32>
      %min3A_733 = vector.broadcast %jit3A_730 : i32 to vector<16xi32>
      %min3A_734 = arith.minsi %min3A_733, %max3A_732 : vector<16xi32>
      %swap3A_735 = arith.constant 184 : index
      %swap3A_736 = tpu.vector_load %arg10[%swap3A_735] {strides = array<i32>} : memref<200xi32, #tpu.memory_space<vmem>>, vector<16xi32>,
      tpu.vector_store %arg10[%swap3A_735], %min3A_734 {strides = array<i32>} : memref<200xi32, #tpu.memory_space<vmem>>, vector<16xi32>,
      %parallel_loop3A_737 = arith.constant 0 : i32
      %parallel_loop3A_738 = arith.constant 200 : i32
      %parallel_loop3A_739 = arith.constant 1 : i32
      scf.for %parallel_loop3A_756 = %parallel_loop3A_737 to %parallel_loop3A_738 step %parallel_loop3A_739  : i32 {
        %parallel_loop3A_757 = vector.broadcast %parallel_loop3A_756 : i32 to vector<16xi32>
        %parallel_loop3A_758 = tpu.vector_load_idx %arg10[%parallel_loop3A_757] : memref<200xi32, #tpu.memory_space<vmem>>[vector<16xi32>], vector<16xi32>,
        %parallel_loop3A_759 = tpu.vector_load_idx %arg5[%parallel_loop3A_758, %add3A_6] : memref<512x128xf32, #tpu.memory_space<vmem>>[vector<16xi32>, vector<16xi32>], vector<16xf32>,
        tpu.vector_store_idx %arg9[%parallel_loop3A_757, %add3A_6], %parallel_loop3A_759 : memref<200x128xf32, #tpu.memory_space<vmem>>[vector<16xi32>, vector<16xi32>], vector<16xf32>,
        %parallel_loop3A_760 = tpu.vector_load_idx %arg5[%parallel_loop3A_758, %add3A_9] : memref<512x128xf32, #tpu.memory_space<vmem>>[vector<16xi32>, vector<16xi32>], vector<16xf32>,
        tpu.vector_store_idx %arg9[%parallel_loop3A_757, %add3A_9], %parallel_loop3A_760 : memref<200x128xf32, #tpu.memory_space<vmem>>[vector<16xi32>, vector<16xi32>], vector<16xf32>,
        %parallel_loop3A_761 = tpu.vector_load_idx %arg5[%parallel_loop3A_758, %add3A_12] : memref<512x128xf32, #tpu.memory_space<vmem>>[vector<16xi32>, vector<16xi32>], vector<16xf32>,
        tpu.vector_store_idx %arg9[%parallel_loop3A_757, %add3A_12], %parallel_loop3A_761 : memref<200x128xf32, #tpu.memory_space<vmem>>[vector<16xi32>, vector<16xi32>], vector<16xf32>,
        %parallel_loop3A_762 = tpu.vector_load_idx %arg5[%parallel_loop3A_758, %add3A_15] : memref<512x128xf32, #tpu.memory_space<vmem>>[vector<16xi32>, vector<16xi32>], vector<16xf32>,
        tpu.vector_store_idx %arg9[%parallel_loop3A_757, %add3A_15], %parallel_loop3A_762 : memref<200x128xf32, #tpu.memory_space<vmem>>[vector<16xi32>, vector<16xi32>], vector<16xf32>,
        %parallel_loop3A_763 = tpu.vector_load_idx %arg5[%parallel_loop3A_758, %add3A_18] : memref<512x128xf32, #tpu.memory_space<vmem>>[vector<16xi32>, vector<16xi32>], vector<16xf32>,
        tpu.vector_store_idx %arg9[%parallel_loop3A_757, %add3A_18], %parallel_loop3A_763 : memref<200x128xf32, #tpu.memory_space<vmem>>[vector<16xi32>, vector<16xi32>], vector<16xf32>,
        %parallel_loop3A_764 = tpu.vector_load_idx %arg5[%parallel_loop3A_758, %add3A_21] : memref<512x128xf32, #tpu.memory_space<vmem>>[vector<16xi32>, vector<16xi32>], vector<16xf32>,
        tpu.vector_store_idx %arg9[%parallel_loop3A_757, %add3A_21], %parallel_loop3A_764 : memref<200x128xf32, #tpu.memory_space<vmem>>[vector<16xi32>, vector<16xi32>], vector<16xf32>,
        %parallel_loop3A_765 = tpu.vector_load_idx %arg5[%parallel_loop3A_758, %add3A_24] : memref<512x128xf32, #tpu.memory_space<vmem>>[vector<16xi32>, vector<16xi32>], vector<16xf32>,
        tpu.vector_store_idx %arg9[%parallel_loop3A_757, %add3A_24], %parallel_loop3A_765 : memref<200x128xf32, #tpu.memory_space<vmem>>[vector<16xi32>, vector<16xi32>], vector<16xf32>,
        %parallel_loop3A_766 = tpu.vector_load_idx %arg5[%parallel_loop3A_758, %add3A_27] : memref<512x128xf32, #tpu.memory_space<vmem>>[vector<16xi32>, vector<16xi32>], vector<16xf32>,
        tpu.vector_store_idx %arg9[%parallel_loop3A_757, %add3A_27], %parallel_loop3A_766 : memref<200x128xf32, #tpu.memory_space<vmem>>[vector<16xi32>, vector<16xi32>], vector<16xf32>,
      } {sc.loop_unroll_factor = 5 : i64, sc.parallel_access}
      %add3A_740 = arith.addi %mul3A_2, %add3A_578 : i32
      %mul3A_741 = arith.constant 200 : i32
      %mul3A_742 = arith.muli %add3A_740, %mul3A_741 : i32
      %dma_start3A_743 = arith.constant 0 : i32
      %dma_start3A_744 = tpu.memref_slice %arg4[%mul3A_742, %dma_start3A_743] : memref<3276800x128xf32, #tpu.memory_space<hbm>> -> memref<200x128xf32, #tpu.memory_space<hbm>>
      %dma_start3A_745 = arith.constant 0 : i32
      %dma_start3A_746 = tpu.memref_slice %arg4[%mul3A_742, %dma_start3A_745] : memref<3276800x128xf32, #tpu.memory_space<hbm>> -> memref<200x128xf32, #tpu.memory_space<hbm>>
      tpu.enqueue_dma source(%arg9 : memref<200x128xf32, #tpu.memory_space<vmem>>) target(%dma_start3A_746 : memref<200x128xf32, #tpu.memory_space<hbm>>) target_semaphore(%arg14 : memref<!tpu.dma_semaphore, #tpu.memory_space<semaphore_mem>>)
      %add3A_747 = arith.constant 2 : i32
      %add3A_748 = arith.addi %add3A_578, %add3A_747 : i32
      %min3A_749 = arith.constant 511 : i32
      %min3A_750 = arith.minsi %add3A_748, %min3A_749 : i32
      %add3A_751 = arith.addi %mul3A_2, %min3A_750 : i32
      %mul3A_752 = arith.constant 200 : i32
      %mul3A_753 = arith.muli %add3A_751, %mul3A_752 : i32
      %dma_start3A_754 = tpu.memref_slice %arg2[%mul3A_753] : memref<3276800xi32, #tpu.memory_space<hbm>> -> memref<200xi32, #tpu.memory_space<hbm>>
      %dma_start3A_755 = tpu.memref_slice %arg2[%mul3A_753] : memref<3276800xi32, #tpu.memory_space<hbm>> -> memref<200xi32, #tpu.memory_space<hbm>>
      tpu.enqueue_dma source(%dma_start3A_755 : memref<200xi32, #tpu.memory_space<hbm>>) target(%arg7 : memref<200xi32, #tpu.memory_space<vmem>>) target_semaphore(%arg12 : memref<!tpu.dma_semaphore, #tpu.memory_space<semaphore_mem>>)
    }
    %scan3A_372 = arith.constant 255 : i32
    %dma_wait3A_373 = arith.constant 0 : i32
    %dma_wait3A_374 = tpu.memref_slice %arg2[%dma_wait3A_373] : memref<3276800xi32, #tpu.memory_space<hbm>> -> memref<200xi32, #tpu.memory_space<hbm>>
    %dma_wait3A_375 = arith.constant 0 : i32
    %dma_wait3A_376 = tpu.memref_slice %arg2[%dma_wait3A_375] : memref<3276800xi32, #tpu.memory_space<hbm>> -> memref<200xi32, #tpu.memory_space<hbm>>
    tpu.wait_dma2 semaphore(%arg11 : memref<!tpu.dma_semaphore, #tpu.memory_space<semaphore_mem>>) src(%dma_wait3A_376 : memref<200xi32, #tpu.memory_space<hbm>>) dst(%arg6 : memref<200xi32, #tpu.memory_space<vmem>>)
    %dma_wait3A_377 = arith.constant 0 : i32
    %dma_wait3A_378 = arith.constant 0 : i32
    %dma_wait3A_379 = tpu.memref_slice %arg4[%dma_wait3A_377, %dma_wait3A_378] : memref<3276800x128xf32, #tpu.memory_space<hbm>> -> memref<200x128xf32, #tpu.memory_space<hbm>>
    %dma_wait3A_380 = arith.constant 0 : i32
    %dma_wait3A_381 = arith.constant 0 : i32
    %dma_wait3A_382 = tpu.memref_slice %arg4[%dma_wait3A_380, %dma_wait3A_381] : memref<3276800x128xf32, #tpu.memory_space<hbm>> -> memref<200x128xf32, #tpu.memory_space<hbm>>
    tpu.wait_dma2 semaphore(%arg13 : memref<!tpu.dma_semaphore, #tpu.memory_space<semaphore_mem>>) src(%arg8 : memref<200x128xf32, #tpu.memory_space<vmem>>) dst(%dma_wait3A_382 : memref<200x128xf32, #tpu.memory_space<hbm>>)
    %dma_wait3A_383 = arith.constant 0 : i32
    %dma_wait3A_384 = tpu.memref_slice %arg2[%dma_wait3A_383] : memref<3276800xi32, #tpu.memory_space<hbm>> -> memref<200xi32, #tpu.memory_space<hbm>>
    %dma_wait3A_385 = arith.constant 0 : i32
    %dma_wait3A_386 = tpu.memref_slice %arg2[%dma_wait3A_385] : memref<3276800xi32, #tpu.memory_space<hbm>> -> memref<200xi32, #tpu.memory_space<hbm>>
    tpu.wait_dma2 semaphore(%arg12 : memref<!tpu.dma_semaphore, #tpu.memory_space<semaphore_mem>>) src(%dma_wait3A_386 : memref<200xi32, #tpu.memory_space<hbm>>) dst(%arg7 : memref<200xi32, #tpu.memory_space<vmem>>)
    %dma_wait3A_387 = arith.constant 0 : i32
    %dma_wait3A_388 = arith.constant 0 : i32
    %dma_wait3A_389 = tpu.memref_slice %arg4[%dma_wait3A_387, %dma_wait3A_388] : memref<3276800x128xf32, #tpu.memory_space<hbm>> -> memref<200x128xf32, #tpu.memory_space<hbm>>
    %dma_wait3A_390 = arith.constant 0 : i32
    %dma_wait3A_391 = arith.constant 0 : i32
    %dma_wait3A_392 = tpu.memref_slice %arg4[%dma_wait3A_390, %dma_wait3A_391] : memref<3276800x128xf32, #tpu.memory_space<hbm>> -> memref<200x128xf32, #tpu.memory_space<hbm>>
    tpu.wait_dma2 semaphore(%arg14 : memref<!tpu.dma_semaphore, #tpu.memory_space<semaphore_mem>>) src(%arg9 : memref<200x128xf32, #tpu.memory_space<vmem>>) dst(%dma_wait3A_392 : memref<200x128xf32, #tpu.memory_space<hbm>>)
    return
  }
}

</mosaic_0001>

<sc_bundles>
// kernel: kernel.3.cloned.1.call-start
scs
__scs_entry_jumppad:
0x0: {  	(pc) =	sbr.rel $0x88, $3  }
0x1: {  	(tag) =	ssettag $0x0;
	lr =	simm.s32 $0x1  }
0x2: {  	[smem:$0x3F9F] =	sst lr;
	_ =	strace $0xD0000000  }
0x3: {  	_ = 	snop  }
0x4: {  	_ = 	snop  }
0x5: {  	_ = 	snop  }
0x6: {  	_ = 	snop  }
0x7: {  	_ = 	snop  }
__scs_overlays_trampoline_lowered:
0x8: {  	[smem:$0x3FAE] =	sst s0  }
0x9: {  	[smem:$0x3FAF] =	sst s1  }
0xa: {  	[smem:$0x3FB0] =	sst s2  }
0xb: {  	[smem:$0x3FB1] =	sst s3  }
0xc: {  	[smem:$0x3FB2] =	sst s4  }
0xd: {  	[smem:$0x3FB3] =	sst s5  }
0xe: {  	[smem:$0x3FB4] =	sst s6  }
0xf: {  	[smem:$0x3FB5] =	sst s7  }
0x10: {  	[smem:$0x3FB6] =	sst s8  }
0x11: {  	[smem:$0x3FB7] =	sst s9;
	s0 =	simm.s32 @!p0 $0x0  }
0x12: {  	s1 =	sld [smem:$0x3F9D];
	s0 =	simm.s32 @p0 $0x1  }
0x13: {  	[smem:$0x3FB8] =	sst s0;
	s0 =	simm.s32 @!p1 $0x0  }
0x14: {  	s2 =	sld [smem:$0x3F9C];
	s0 =	simm.s32 @p1 $0x1  }
0x15: {  	[smem:$0x3FB9] =	sst s0;
	s0 =	simm.s32 @!p2 $0x0  }
0x16: {  	s3 =	sld [smem:$0x3FDB];
	s0 =	simm.s32 @p2 $0x1  }
0x17: {  	s4 =	simm.s32 $0x1BF5;
	[smem:$0x3FBB] =	sst s0  }
0x18: {  	s0 =	sld [smem:$0x3F9E];
	_ =	swait.ge [sflag:s4], $0x0  }
0x19: {  	s7 =	sld [smem:$0x3F9F]  }
0x1a: {  	s8 =	sadd.s32 $0xFFFFE003, lr  }
0x1b: {  	s9 =	sadd.s32 $0xFFFFFEF7, lr;
	s5 =	simm.s32 $0xFFFFFFFF;
	p2 =	slt.u32 s8, $0xFFFFF086  }
0x1c: {  	p1 =	slt.u32 s9, $0xF7A;
	s5 =	simm.s32 @!p2 $0x0  }
0x1d: {  	s5 =	simm.s32 @p1 $0x1;
	p0 =	seq.s32 s7, s2  }
0x1e: {  	s7 =	smul.u32 @!p0 $0xF7A, s2;
	p2 =	seq.s32 @!p0 s5, $0x0  }
0x1f: {  	s9 =	smul.u32 $0xF7A, s1;
	s8 =	simm.s32 @!p0 $0x1BF5;
	p2 =	por !p2, p0  }
0x20: {  	[sflag:s8] =	ssyncset.s32 @!p0 $0xFFFFF086;
	s6 =	sadd.s32 @!p0 s3, s7;
	s7 =	simm.s32 @!p0 $0x108  }
0x21: {  	s3 =	sadd.s32 s3, s9;
	s6 =	sadd.s32 @!p0 $0x88, s6;
	s7 =	simm.s32 @p2 $0x1082  }
0x22: {  	[simem:s7], [sflag:s8] =	dma.local @!p0 [hbm:s6], $0xF7A  }
0x23: {  	s9 =	sor.u32 $0xD0000000, s2;
	s6 =	simm.s32 $0x108;
	_ =	swait.ge @!p0 [sflag:s8], $0x0  }
0x24: {  	s3 =	sadd.s32 $0x88, s3;
	s6 =	simm.s32 @!p1 $0x1082;
	[sflag:s4] =	ssyncset.s32 $0xFFFFF086  }
0x25: {  	[simem:s6], [sflag:s4] =	dma.local [hbm:s3], $0xF7A  }
0x26: {  	[smem:$0x3F9F] =	sst s1;
	(tag) =	ssettag s2;
	_ =	strace s9  }
0x27: {  	s1 =	sld [smem:$0x3FAF]  }
0x28: {  	s2 =	sld [smem:$0x3FB0]  }
0x29: {  	s4 =	sld [smem:$0x3FB2]  }
0x2a: {  	p0 =	seq.s32 s5, $0x0;
	s5 =	sld [smem:$0x3FB3]  }
0x2b: {  	s6 =	sld [smem:$0x3FB4]  }
0x2c: {  	s7 =	sld [smem:$0x3FB5]  }
0x2d: {  	s3 =	simm.s32 $0x108;
	s8 =	sld [smem:$0x3FB6]  }
0x2e: {  	s3 =	simm.s32 @!p0 $0x1082;
	s9 =	sld [smem:$0x3FB7]  }
0x2f: {  	lr =	sadd.s32 s0, s3;
	s0 =	sld [smem:$0x3FAE]  }
0x30: {  	s3 =	sld [smem:$0x3FB1]  }
0x31: {  	[smem:$0x3FBA] =	sst s10  }
0x32: {  	s10 =	sld [smem:$0x3FB8];
	_ =	sdelay $0x3  }
0x33: {  	p0 =	seq.s32 s10, $0x1;
	s10 =	sld [smem:$0x3FBA];
	_ =	sdelay $0x3  }
0x34: {  	[smem:$0x3FBA] =	sst s10  }
0x35: {  	s10 =	sld [smem:$0x3FB9];
	_ =	sdelay $0x3  }
0x36: {  	p1 =	seq.s32 s10, $0x1;
	s10 =	sld [smem:$0x3FBA];
	_ =	sdelay $0x3  }
0x37: {  	[smem:$0x3FBA] =	sst s10  }
0x38: {  	s10 =	sld [smem:$0x3FBB]  }
0x39: {  	_ = 	snop;
	(pc) =	sbr.ind lr, $3  }
0x3a: {  	_ = 	snop  }
0x3b: {  	_ = 	snop  }
0x3c: {  	p2 =	seq.s32 s10, $0x1;
	s10 =	sld [smem:$0x3FBA]  }
0x3d: {  	_ =	shalt  }
0x3e: {  	_ =	shalt  }
0x3f: {  	_ =	shalt  }
0x40: {  	_ =	shalt  }
0x41: {  	_ =	shalt  }
0x42: {  	_ =	shalt  }
0x43: {  	_ =	shalt  }
0x44: {  	_ =	shalt  }
0x45: {  	_ =	shalt  }
0x46: {  	_ =	shalt  }
0x47: {  	_ =	shalt  }
0x48: {  	_ =	shalt  }
0x49: {  	_ =	shalt  }
0x4a: {  	_ =	shalt  }
0x4b: {  	_ =	shalt  }
0x4c: {  	_ =	shalt  }
0x4d: {  	_ =	shalt  }
0x4e: {  	_ =	shalt  }
0x4f: {  	_ =	shalt  }
0x50: {  	_ =	shalt  }
0x51: {  	_ =	shalt  }
0x52: {  	_ =	shalt  }
0x53: {  	_ =	shalt  }
0x54: {  	_ =	shalt  }
0x55: {  	_ =	shalt  }
0x56: {  	_ =	shalt  }
0x57: {  	_ =	shalt  }
0x58: {  	_ =	shalt  }
0x59: {  	_ =	shalt  }
0x5a: {  	_ =	shalt  }
0x5b: {  	_ =	shalt  }
0x5c: {  	_ =	shalt  }
0x5d: {  	_ =	shalt  }
0x5e: {  	_ =	shalt  }
0x5f: {  	_ =	shalt  }
0x60: {  	_ =	shalt  }
0x61: {  	_ =	shalt  }
0x62: {  	_ =	shalt  }
0x63: {  	_ =	shalt  }
0x64: {  	_ =	shalt  }
0x65: {  	_ =	shalt  }
0x66: {  	_ =	shalt  }
0x67: {  	_ =	shalt  }
0x68: {  	_ =	shalt  }
0x69: {  	_ =	shalt  }
0x6a: {  	_ =	shalt  }
0x6b: {  	_ =	shalt  }
0x6c: {  	_ =	shalt  }
0x6d: {  	_ =	shalt  }
0x6e: {  	_ =	shalt  }
0x6f: {  	_ =	shalt  }
0x70: {  	_ =	shalt  }
0x71: {  	_ =	shalt  }
0x72: {  	_ =	shalt  }
0x73: {  	_ =	shalt  }
0x74: {  	_ =	shalt  }
0x75: {  	_ =	shalt  }
0x76: {  	_ =	shalt  }
0x77: {  	_ =	shalt  }
0x78: {  	_ =	shalt  }
0x79: {  	_ =	shalt  }
0x7a: {  	_ =	shalt  }
0x7b: {  	_ =	shalt  }
0x7c: {  	_ =	shalt  }
0x7d: {  	_ =	shalt  }
0x7e: {  	_ =	shalt  }
0x7f: {  	_ =	shalt  }
0x80: {  	_ =	shalt  }
0x81: {  	_ =	shalt  }
0x82: {  	_ =	shalt  }
0x83: {  	_ =	shalt  }
0x84: {  	_ =	shalt  }
0x85: {  	_ =	shalt  }
0x86: {  	_ =	shalt  }
0x87: {  	_ =	shalt  }
.Lfunc_end0:
.L_simem_size_0:
called_computation_lowered:
.L_overlay_start_0:
0x88: {  	s2 =	sld [smem:$0x3FD9]  }
0x89: {  	s3 =	sld [smem:$0x3FFE];
	_ =	sdelay $0x1  }
0x8a: {  	s1 =	srdreg.scid  }
0x8b: {  	s0 =	sand.u32 $0x1, s1  }
0x8c: {  	s17 =	sshll.u32 s0, $0xA;
	s2 =	sadd.s32 s3, s2  }
0x8d: {  	s2 =	sadd.s32 s2, s17  }
0x8e: {  	[smem:$0x3FC6] =	sst s2  }
0x8f: {  	_ = 	snop  }
0x90: {  	s2 =	sld [smem:$0x3FC8]  }
0x91: {  	s18 =	sld [smem:$0x3FD0];
	(tm) =	ssettm $0x1  }
0x92: {  	s4 =	sld [smem:$0x3FFB];
	_ =	sdelay $0x3  }
0x93: {  	_ =	strace s4  }
0x94: {  	s4 =	sld [smem:$0x3FFC];
	_ =	sdelay $0x3  }
0x95: {  	_ =	strace s4  }
0x96: {  	s4 =	sld [smem:$0x3FFD];
	_ =	sdelay $0x3  }
0x97: {  	_ =	strace s4  }
0x98: {  	_ =	strace $0x8FFFFFFF  }
0x99: {  	s19 =	sld [smem:$0x3FDB];
	_ =	sdelay $0x1  }
0x9a: {  	s5 =	simm.s32 $_scs_section_size  }
0x9b: {  	s6 =	simm.s32 $_size__tile_overlayer_lowered;
	s7 =	simm.s32 $_tile_overlayer_lowered  }
0x9c: {  	s22 =	simm.s32 $0x1BFF;
	s21 =	sshll.u32 s7, $0x1;
	s4 =	sadd.s32 s5, s19  }
0x9d: {  	s8 =	simm.s32 $0x0;
	s20 =	sshll.u32 s6, $0x1;
	s6 =	sadd.s32 s21, s4  }
0x9e: {  	[timem:s8], [sflag:s22] =	dma.local [hbm:s6], s20  }
0x9f: {  	_ =	swait.ge [sflag:s22], s20  }
0xa0: {  	s5 =	ssub.s32 $0x0, s20;
	[sflag:s22] =	ssyncset.done $0x0  }
0xa1: {  	[sflag:s22] =	ssyncadd.s32 s5;
	_ =	sdelay $0x1  }
0xa2: {  	s23 =	simm.s32 $0x1B8B  }
0xa3: {  	_ =	swait.ge [sflag:s23], $0x1  }
0xa4: {  	[sflag:s23] =	ssyncset.done $0x0  }
0xa5: {  	s25 =	simm.s32 $0x1B8E;
	s24 =	sld [smem:$0x3FFE];
	[sflag:s23] =	ssyncadd.s32 $0xFFFFFFFF  }
0xa6: {  	s26 =	simm.s32 $execute0_lowered;
	[smem:$0x3FD2] =	sst s25  }
0xa7: {  	s6 =	sshll.u32 s26, $0x1;
	_ =	strace $0x80000046;
	[dreg:$0x1] =	wrdreg $0xFFFFFFFF  }
0xa8: {  	s28 =	simm.s32 $_size_execute0_lowered;
	s4 =	sadd.s32 s4, s6;
	[dreg:$0x0] =	wrdreg $0x0  }
0xa9: {  	s6 =	sshll.u32 s28, $0x1;
	[dreg:$0x2] =	wrdreg s4  }
0xaa: {  	[dreg:$0x3] =	wrdreg s6  }
0xab: {  	[dreg:$0x4] =	wrdreg $0xC0  }
0xac: {  	_ =	task [dreg:s8], $0x5FFFF  }
0xad: {  	[dreg:$0x1] =	wrdreg $0xFFFFFFFF  }
0xae: {  	[dreg:$0x0] =	wrdreg $0x60  }
0xaf: {  	[dreg:$0x2] =	wrdreg s24  }
0xb0: {  	[dreg:$0x3] =	wrdreg s2  }
0xb1: {  	[dreg:$0x4] =	wrdreg s18  }
0xb2: {  	[dreg:$0x5] =	wrdreg $0x9  }
0xb3: {  	_ =	task.clear_ibuf [dreg:s8], $0x6FFFF;
	_ =	strace $0x90000046  }
0xb4: {  	s29 =	simm.s32 $0x9;
	_ =	strace $0x80000048  }
0xb5: {  	_ =	swait.ge [sflag:s29], $0x1  }
0xb6: {  	[sflag:s29] =	ssyncadd.s32 $0xFFFFFFFF  }
0xb7: {  	_ =	strace $0x90000048  }
0xb8: {  	_ =	sfence  }
0xb9: {  	s30 =	sld [smem:$0x0];
	_ =	sdelay $0x2  }
0xba: {  	s31 =	sshll.u32 s1, $0xD;
	s1 =	sshrl.u32 s1, $0x2  }
0xbb: {  	s3 =	sand.u32 $0x4000, s31;
	s1 =	sadd.s32 s1, s30  }
0xbc: {  	s0 =	sor.u32 s3, s0;
	s1 =	sshll.u32 s1, $0x11  }
0xbd: {  	s0 =	sor.u32 s1, s0  }
0xbe: {  	s0 =	sadd.s32 $0x8F2B, s0  }
0xbf: {  	[sflag:s0] =	ssyncadd.remote.s32 $0x1  }
0xc0: {  	_ =	sfence.sel $0xFFFF  }
0xc1: {  	[dreg:$0x0] =	wrdreg $0xFFFFFFFF;
	(pc) =	sbr.abs _section_cstart, $3  }
0xc2: {  	[dreg:$0x1] =	wrdreg $0xFFFFFFFF  }
0xc3: {  	_ =	task.clear_ibuf [dreg:s8], $0x2FFFF;
	_ =	strace $0x9FFFFFFF  }
0xc4: {  	(tm) =	ssettm $0x7FFFFFFF  }
0xc5: {  	_ =	shalt  }
tec
execute0_lowered:
.L_overlay_start_1:
0x0: {  	(tag) =	ssettag $0x1  }
0x1: {  	s5 =	rddreg [dreg:$0x0]  }
0x2: {  	s2 =	rddreg [dreg:$0x1];
	s1 =	srdreg.scid  }
0x3: {  	s0 =	stileid.u32;
	s3 =	rddreg [dreg:$0x2];
	s4 =	simm.s32 $0x0  }
0x4: {  	s16 =	simm.s32 $0x5;
	s17 =	simm.s32 $0x10000;
	s18 =	simm.s32 $0x10100  }
0x5: {  	s19 =	simm.s32 $0x1;
	s20 =	simm.s32 $0x1CA00;
	s21 =	simm.s32 $0x10200  }
0x6: {  	s22 =	simm.s32 $0x2;
	s6 =	sand.u32 $0x1, s1;
	s7 =	sshll.u32 s0, $0x1  }
0x7: {  	s23 =	simm.s32 $0x16600;
	s24 =	simm.s32 $0x3;
	s7 =	sor.u32 s6, s7  }
0x8: {  	s25 =	simm.s32 $0x4;
	s26 =	simm.s32 $0x0;
	s8 =	smul.u32 $0x19000, s7  }
0x9: {  	[smem:$0x7FF] =	sst s4;
	s6 =	ssub.s32 $0x2, s6;
	s31 =	smul.u32 $0x3200, s7  }
0xa: {  	s5 =	sadd.s32 $0x400, s5;
	s9 =	sshrl.u32 s6, $0x1;
	s11 =	smul.u32 $0x190000, s7  }
0xb: {  	_ =	strace $0x80000047;
	s15 =	ssub.s32 s6, s9;
	s6 =	sshll.u32 s7, $0x9  }
0xc: {  	v0 =	vlaneseq.u32;
	s10 =	sor.u32 $0xC8, s8;
	s7 =	sadd.s32 s5, s31;
	s9 =	sadd.s32 s3, s11  }
0xd: {  	v1 =	vimm.s32 $0x0;
	v2 =	vor.u32 $0x10, v0;
	s13 =	sor.u32 $0x2, s6;
	s14 =	sor.u32 $0x3, s6;
	s15 =	smax.u32 s15, $0x1  }
0xe: {  	v3 =	vor.u32 $0x20, v0;
	v4 =	vor.u32 $0x30, v0;
	v5 =	vor.u32 $0x40, v0;
	s8 =	sshrl.u32 s10, $0x3;
	s12 =	sshll.u32 s10, $0x4;
	s10 =	sadd.s32 $0x32, s7  }
0xf: {  	v6 =	vor.u32 $0x50, v0;
	v7 =	vor.u32 $0x60, v0;
	v8 =	vor.u32 $0x70, v0;
	s8 =	sadd.s32 s5, s8;
	s11 =	sadd.s32 s3, s12;
	s12 =	sadd.s32 $0x4B, s7  }
.LBB2_1:
0x10: {  	[tilespmem:s4], [sflag:$0x5] =	stream.linear.gather [hbm4b:s2+s4], $0x10000, $0x38;
	[tilespmem:$0x1CB00] =	vst v63  }
0x11: {  	_ =	swait.ge [sflag:s16], $0x10000  }
0x12: {  	[sflag:s16] =	ssyncset.done $0x0  }
0x13: {  	[sflag:s16] =	ssyncadd.s32 $0xFFFF0000  }
0x14: {  	[tilespmem:s17], [sflag:$0x1] =	stream.linear.gather [hbm4b:s7+s4], $0xC8, $0x38;
	[tilespmem:$0x1CB00] =	vst v63  }
0x15: {  	_ = 	snop  }
0x16: {  	[tilespmem:s18], [sflag:$0x2] =	stream.linear.gather [hbm4b:s8+s4], $0xC8, $0x38;
	[tilespmem:$0x1CB00] =	vst v63  }
0x17: {  	_ =	swait.ge [sflag:s19], $0xC8  }
0x18: {  	[sflag:s19] =	ssyncset.done $0x0  }
0x19: {  	[sflag:s19] =	ssyncadd.s32 $0xFFFFFF38  }
0x1a: {  	v9 =	vld [tilespmem:$0x10000]  }
0x1b: {  	v10 =	vld [tilespmem:$0x10010]  }
0x1c: {  	v12 =	vld [tilespmem:$0x10020]  }
0x1d: {  	v13 =	vld [tilespmem:$0x10030]  }
0x1e: {  	v14 =	vld [tilespmem:$0x10040]  }
0x1f: {  	v15 =	vld [tilespmem:$0x10050]  }
0x20: {  	v11 =	vperm.xlane v9, v1;
	_ =	sdelay $0x1  }
0x21: {  	v9 =	vsub.s32 v9, v11;
	v10 =	vsub.s32 v10, v11  }
0x22: {  	v12 =	vsub.s32 v12, v11;
	v13 =	vsub.s32 v13, v11;
	v14 =	vsub.s32 v14, v11  }
0x23: {  	v16 =	vld [tilespmem:$0x10060];
	v15 =	vsub.s32 v15, v11;
	vm0 =	vgt.s32 v9, $0x0;
	vm4 =	vgt.s32 v10, $0x0  }
0x24: {  	v17 =	vld [tilespmem:$0x10070];
	vm5 =	vgt.s32 v12, $0x0;
	vm6 =	vgt.s32 v13, $0x0;
	vm7 =	vgt.s32 v14, $0x0  }
0x25: {  	vm8 =	vgt.s32 v15, $0x0;
	v9 =	vnsel vm0, $0x0, v9;
	v10 =	vnsel vm4, $0x0, v10  }
0x26: {  	v18 =	vld [tilespmem:$0x10080];
	v12 =	vnsel vm5, $0x0, v12;
	v13 =	vnsel vm6, $0x0, v13;
	v9 =	vmin.u32 v9, $0x1FF  }
0x27: {  	v19 =	vld [tilespmem:$0x10090];
	v14 =	vnsel vm7, $0x0, v14;
	v10 =	vmin.u32 v10, $0x1FF;
	v12 =	vmin.u32 v12, $0x1FF;
	[tilespmem:$0x1CA00] =	vst v9  }
0x28: {  	v13 =	vmin.u32 v13, $0x1FF;
	v9 =	vmin.u32 v14, $0x1FF;
	v14 =	vsub.s32 v16, v11;
	v16 =	vld [tilespmem:$0x100A0];
	[tilespmem:$0x1CA10] =	vst v10  }
0x29: {  	v10 =	vnsel vm8, $0x0, v15;
	v15 =	vsub.s32 v17, v11;
	[tilespmem:$0x1CA20] =	vst v12;
	v17 =	vld [tilespmem:$0x100B8];
	vm9 =	vgt.s32 v14, $0x0  }
0x2a: {  	[tilespmem:$0x1CA30] =	vst v13;
	v10 =	vmin.u32 v10, $0x1FF;
	vm10 =	vgt.s32 v15, $0x0;
	v12 =	vnsel vm9, $0x0, v14;
	v14 =	vld [tilespmem:$0x100B0]  }
0x2b: {  	[tilespmem:$0x1CA40] =	vst v9;
	v13 =	vnsel vm10, $0x0, v15;
	v15 =	vsub.s32 v18, v11;
	v12 =	vmin.u32 v12, $0x1FF  }
0x2c: {  	[tilespmem:$0x1CA50] =	vst v10;
	v9 =	vmin.u32 v13, $0x1FF;
	vm11 =	vgt.s32 v15, $0x0;
	v13 =	vsub.s32 v19, v11  }
0x2d: {  	v10 =	vnsel vm11, $0x0, v15;
	vm12 =	vgt.s32 v13, $0x0;
	[tilespmem:$0x1CA60] =	vst v12;
	v15 =	vsub.s32 v16, v11  }
0x2e: {  	[tilespmem:$0x1CA70] =	vst v9;
	v10 =	vmin.u32 v10, $0x1FF;
	v12 =	vnsel vm12, $0x0, v13;
	vm13 =	vgt.s32 v15, $0x0  }
0x2f: {  	v9 =	vmin.u32 v12, $0x1FF;
	[tilespmem:$0x1CA80] =	vst v10;
	v10 =	vsub.s32 v17, v11;
	v13 =	vsub.s32 v14, v11  }
0x30: {  	v12 =	vnsel vm13, $0x0, v15;
	v11 =	vmov s4;
	vm14 =	vgt.s32 v13, $0x0  }
0x31: {  	[tilespmem:$0x1CA90] =	vst v9;
	vm15 =	vgt.s32 v10, $0x0;
	v9 =	vmin.u32 v12, $0x1FF;
	v12 =	vnsel vm14, $0x0, v13  }
0x32: {  	v10 =	vnsel vm15, $0x0, v10;
	[tilespmem:$0x1CAA0] =	vst v9;
	v9 =	vmin.u32 v12, $0x1FF  }
0x33: {  	s28 =	simm.s32 $0x4;
	[tilespmem:$0x1CAB0] =	vst v9;
	v9 =	vmin.u32 v10, $0x1FF  }
0x34: {  	v10 =	vmov s28;
	[tilespmem:$0x1CAB8] =	vst v9  }
0x35: {  	v9 =	vld.idx.msk [tilespmem:v11+s20+$0x0], $0xffff  }
0x36: {  	s28 =	simm.s32 $0x2  }
0x37: {  	v12 =	vmov s28;
	s28 =	simm.s32 $0x1  }
0x38: {  	v14 =	vmov s28  }
0x39: {  	v13 =	vld.idx.msk [tilespmem:v10+s20+$0x0], $0xffff  }
0x3a: {  	v18 =	vshll.u32 v9, $0x7  }
0x3b: {  	s28 =	simm.s32 $0x3;
	v9 =	vor.u32 v0, v18  }
0x3c: {  	v15 =	vmov s28;
	v17 =	vld.idx.msk [tilespmem:v12+s20+$0x0], $0xffff  }
0x3d: {  	v19 =	vld.idx.msk [tilespmem:v14+s20+$0x0], $0xffff  }
0x3e: {  	v22 =	vshll.u32 v13, $0x7  }
0x3f: {  	v16 =	vshll.u32 v11, $0x7;
	v13 =	vor.u32 v0, v22  }
0x40: {  	v20 =	vor.u32 v0, v16;
	v9 =	vld.idx.msk [tilespmem:v9+s4+$0x0], $0xffff  }
0x41: {  	v23 =	vor.u32 v2, v18;
	v24 =	vld.idx.msk [tilespmem:v15+s20+$0x0], $0xffff;
	v11 =	vshll.u32 v17, $0x7  }
0x42: {  	v21 =	vshll.u32 v10, $0x7;
	v17 =	vor.u32 v0, v11;
	v10 =	vshll.u32 v19, $0x7  }
0x43: {  	v19 =	vor.u32 v0, v10  }
0x44: {  	v25 =	vor.u32 v0, v21;
	v13 =	vld.idx.msk [tilespmem:v13+s4+$0x0], $0xffff  }
0x45: {  	v26 =	vor.u32 v2, v22;
	[tilespmem:v20+s21+$0x0] =	vst.idx.msk $0xffff, v9  }
0x46: {  	v27 =	vor.u32 v2, v16;
	v9 =	vshll.u32 v12, $0x7;
	v20 =	vshll.u32 v24, $0x7;
	v23 =	vld.idx.msk [tilespmem:v23+s4+$0x0], $0xffff  }
0x47: {  	v17 =	vld.idx.msk [tilespmem:v17+s4+$0x0], $0xffff;
	v24 =	vor.u32 v3, v18;
	v12 =	vshll.u32 v14, $0x7;
	v29 =	vor.u32 v0, v9  }
0x48: {  	v19 =	vld.idx.msk [tilespmem:v19+s4+$0x0], $0xffff;
	v28 =	vor.u32 v0, v20;
	v31 =	vor.u32 v0, v12  }
0x49: {  	v14 =	vshll.u32 v15, $0x7;
	v15 =	vor.u32 v2, v10;
	[tilespmem:v25+s21+$0x0] =	vst.idx.msk $0xffff, v13  }
0x4a: {  	v13 =	vor.u32 v2, v11;
	v25 =	vld.idx.msk [tilespmem:v26+s4+$0x0], $0xffff;
	v26 =	vor.u32 v2, v21  }
0x4b: {  	v30 =	vor.u32 v3, v22;
	[tilespmem:v27+s21+$0x0] =	vst.idx.msk $0xffff, v23  }
0x4c: {  	[tilespmem:v29+s21+$0x0] =	vst.idx.msk $0xffff, v17;
	v23 =	vld.idx.msk [tilespmem:v24+s4+$0x0], $0xffff;
	v24 =	vor.u32 v3, v16  }
0x4d: {  	v17 =	vld.idx.msk [tilespmem:v28+s4+$0x0], $0xffff;
	v27 =	vor.u32 v4, v18;
	v28 =	vor.u32 v0, v14;
	[tilespmem:v31+s21+$0x0] =	vst.idx.msk $0xffff, v19  }
0x4e: {  	v43 =	vor.u32 v2, v12;
	v29 =	vor.u32 v2, v20;
	v31 =	vld.idx.msk [tilespmem:v15+s4+$0x0], $0xffff  }
0x4f: {  	v44 =	vor.u32 v3, v10;
	v32 =	vor.u32 v2, v9;
	v13 =	vld.idx.msk [tilespmem:v13+s4+$0x0], $0xffff;
	[tilespmem:v26+s21+$0x0] =	vst.idx.msk $0xffff, v25  }
0x50: {  	s29 =	simm.s32 $0x5;
	v25 =	vor.u32 v3, v21;
	v26 =	vld.idx.msk [tilespmem:v30+s4+$0x0], $0xffff;
	v30 =	vor.u32 v3, v11  }
0x51: {  	v15 =	vmov s29;
	[tilespmem:v24+s21+$0x0] =	vst.idx.msk $0xffff, v23  }
0x52: {  	s28 =	simm.s32 $0x6;
	v19 =	vor.u32 v4, v22;
	[tilespmem:v28+s21+$0x0] =	vst.idx.msk $0xffff, v17;
	v23 =	vld.idx.msk [tilespmem:v27+s4+$0x0], $0xffff  }
0x53: {  	s31 =	simm.s32 $0x7;
	v33 =	vmov s28;
	v39 =	vor.u32 v2, v14;
	[tilespmem:v43+s21+$0x0] =	vst.idx.msk $0xffff, v31;
	v27 =	vld.idx.msk [tilespmem:v29+s4+$0x0], $0xffff  }
0x54: {  	s28 =	simm.s32 $0x9;
	v62 =	vor.u32 v3, v12;
	v17 =	vmov s31;
	[tilespmem:v32+s21+$0x0] =	vst.idx.msk $0xffff, v13;
	v60 =	vld.idx.msk [tilespmem:v44+s4+$0x0], $0xffff  }
0x55: {  	v24 =	vmov s28;
	v29 =	vor.u32 v3, v9;
	[tilespmem:v25+s21+$0x0] =	vst.idx.msk $0xffff, v26;
	v25 =	vld.idx.msk [tilespmem:v30+s4+$0x0], $0xffff  }
0x56: {  	v34 =	vor.u32 v4, v11;
	v36 =	vld.idx.msk [tilespmem:v15+s20+$0x0], $0xffff;
	v30 =	vor.u32 v4, v16  }
0x57: {  	v35 =	vor.u32 v4, v21;
	v37 =	vor.u32 v3, v20;
	v28 =	vld.idx.msk [tilespmem:v19+s4+$0x0], $0xffff  }
0x58: {  	v57 =	vor.u32 v5, v21;
	v51 =	vld.idx.msk [tilespmem:v33+s20+$0x0], $0xffff;
	v45 =	vor.u32 v4, v10;
	s28 =	simm.s32 $0x8;
	[tilespmem:v39+s21+$0x0] =	vst.idx.msk $0xffff, v27  }
0x59: {  	v41 =	vor.u32 v5, v18;
	v40 =	vor.u32 v5, v22;
	v26 =	vmov s28;
	v52 =	vld.idx.msk [tilespmem:v17+s20+$0x0], $0xffff;
	[tilespmem:v62+s21+$0x0] =	vst.idx.msk $0xffff, v60  }
0x5a: {  	v54 =	vor.u32 v5, v11;
	v49 =	vor.u32 v6, v11;
	v38 =	vld.idx.msk [tilespmem:v24+s20+$0x0], $0xffff;
	[tilespmem:v29+s21+$0x0] =	vst.idx.msk $0xffff, v25  }
0x5b: {  	v53 =	vor.u32 v4, v9;
	v61 =	vor.u32 v3, v14;
	[tilespmem:v30+s21+$0x0] =	vst.idx.msk $0xffff, v23;
	v30 =	vld.idx.msk [tilespmem:v34+s4+$0x0], $0xffff  }
0x5c: {  	v63 =	vor.u32 v4, v20;
	v58 =	vld.idx.msk [tilespmem:v37+s4+$0x0], $0xffff;
	[tilespmem:v35+s21+$0x0] =	vst.idx.msk $0xffff, v28;
	v28 =	vshll.u32 v36, $0x7  }
0x5d: {  	v46 =	vor.u32 v5, v9;
	v15 =	vshll.u32 v15, $0x7;
	v44 =	vld.idx.msk [tilespmem:v45+s4+$0x0], $0xffff;
	v36 =	vor.u32 v0, v28  }
0x5e: {  	v43 =	vor.u32 v6, v18;
	v13 =	vshll.u32 v33, $0x7;
	v42 =	vld.idx.msk [tilespmem:v26+s20+$0x0], $0xffff;
	v25 =	vshll.u32 v52, $0x7  }
0x5f: {  	v19 =	vshll.u32 v24, $0x7;
	v24 =	vshll.u32 v38, $0x7;
	v55 =	vld.idx.msk [tilespmem:v40+s4+$0x0], $0xffff;
	v31 =	vor.u32 v0, v25  }
0x60: {  	v23 =	vshll.u32 v26, $0x7;
	v26 =	vshll.u32 v51, $0x7;
	v39 =	vld.idx.msk [tilespmem:v41+s4+$0x0], $0xffff;
	v56 =	vor.u32 v0, v24;
	[tilespmem:v53+s21+$0x0] =	vst.idx.msk $0xffff, v30  }
0x61: {  	v47 =	vor.u32 v0, v15;
	v17 =	vshll.u32 v17, $0x7;
	v59 =	vor.u32 v0, v26;
	v35 =	vld.idx.msk [tilespmem:v54+s4+$0x0], $0xffff  }
0x62: {  	v60 =	vor.u32 v0, v17;
	v29 =	vor.u32 v3, v19;
	[tilespmem:v61+s21+$0x0] =	vst.idx.msk $0xffff, v58;
	v36 =	vld.idx.msk [tilespmem:v36+s4+$0x0], $0xffff  }
0x63: {  	v51 =	vor.u32 v5, v16;
	v52 =	vor.u32 v2, v15;
	v34 =	vld.idx.msk [tilespmem:v63+s4+$0x0], $0xffff;
	v54 =	vor.u32 v2, v28  }
0x64: {  	v41 =	vor.u32 v3, v15;
	[tilespmem:v57+s21+$0x0] =	vst.idx.msk $0xffff, v55;
	v31 =	vld.idx.msk [tilespmem:v31+s4+$0x0], $0xffff;
	v57 =	vor.u32 v6, v22  }
0x65: {  	v50 =	vor.u32 v2, v24;
	v53 =	vor.u32 v2, v25;
	v55 =	vor.u32 v0, v19;
	v48 =	vld.idx.msk [tilespmem:v56+s4+$0x0], $0xffff  }
0x66: {  	v58 =	vor.u32 v2, v26;
	v37 =	vld.idx.msk [tilespmem:v59+s4+$0x0], $0xffff;
	v56 =	vor.u32 v0, v13;
	[tilespmem:v46+s21+$0x0] =	vst.idx.msk $0xffff, v35  }
0x67: {  	v27 =	vshll.u32 v42, $0x7;
	v59 =	vor.u32 v4, v14;
	[tilespmem:v47+s21+$0x0] =	vst.idx.msk $0xffff, v36;
	v45 =	vld.idx.msk [tilespmem:v49+s4+$0x0], $0xffff  }
0x68: {  	[tilespmem:v51+s21+$0x0] =	vst.idx.msk $0xffff, v39;
	v36 =	vor.u32 v4, v12;
	v46 =	vor.u32 v5, v20;
	v38 =	vld.idx.msk [tilespmem:v54+s4+$0x0], $0xffff  }
0x69: {  	v62 =	vor.u32 v3, v28;
	v42 =	vor.u32 v0, v27;
	[tilespmem:v60+s21+$0x0] =	vst.idx.msk $0xffff, v31;
	v54 =	vld.idx.msk [tilespmem:v57+s4+$0x0], $0xffff  }
0x6a: {  	v61 =	vor.u32 v5, v10;
	v63 =	vor.u32 v6, v9;
	[tilespmem:v55+s21+$0x0] =	vst.idx.msk $0xffff, v48;
	v39 =	vld.idx.msk [tilespmem:v53+s4+$0x0], $0xffff  }
0x6b: {  	v30 =	vor.u32 v6, v16;
	[tilespmem:v56+s21+$0x0] =	vst.idx.msk $0xffff, v37;
	v55 =	vor.u32 v2, v19;
	v50 =	vld.idx.msk [tilespmem:v50+s4+$0x0], $0xffff  }
0x6c: {  	[tilespmem:v59+s21+$0x0] =	vst.idx.msk $0xffff, v34;
	v56 =	vor.u32 v3, v24;
	v57 =	vor.u32 v6, v21;
	v32 =	vld.idx.msk [tilespmem:v58+s4+$0x0], $0xffff  }
0x6d: {  	v33 =	vor.u32 v2, v27;
	v34 =	vor.u32 v5, v14;
	[tilespmem:v36+s21+$0x0] =	vst.idx.msk $0xffff, v44;
	v48 =	vld.idx.msk [tilespmem:v46+s4+$0x0], $0xffff  }
0x6e: {  	v31 =	vor.u32 v3, v27;
	v49 =	vor.u32 v7, v22;
	v36 =	vld.idx.msk [tilespmem:v42+s4+$0x0], $0xffff;
	[tilespmem:v52+s21+$0x0] =	vst.idx.msk $0xffff, v38  }
0x6f: {  	v47 =	vor.u32 v5, v12;
	v46 =	vor.u32 v6, v20;
	v40 =	vld.idx.msk [tilespmem:v61+s4+$0x0], $0xffff;
	[tilespmem:v63+s21+$0x0] =	vst.idx.msk $0xffff, v45  }
0x70: {  	v44 =	vor.u32 v2, v17;
	v42 =	vor.u32 v0, v23;
	v35 =	vld.idx.msk [tilespmem:v62+s4+$0x0], $0xffff;
	[tilespmem:v55+s21+$0x0] =	vst.idx.msk $0xffff, v50  }
0x71: {  	s28 =	simm.s32 $0xA;
	v45 =	vor.u32 v6, v10;
	v38 =	vor.u32 v4, v28;
	[tilespmem:v57+s21+$0x0] =	vst.idx.msk $0xffff, v54;
	v37 =	vld.idx.msk [tilespmem:v56+s4+$0x0], $0xffff  }
.LBB2_2:
0x72: {  	v50 =	vmov s28;
	s29 =	sadd.s32 $0x1, s28;
	[tilespmem:v34+s21+$0x0] =	vst.idx.msk $0xffff, v48;
	v48 =	vor.u32 v6, v14;
	v51 =	vor.u32 v7, v21  }
0x73: {  	p0 =	slt.u32 s28, $0xC3;
	v49 =	vld.idx.msk [tilespmem:v49+s4+$0x0], $0xffff;
	v34 =	vmovc v13;
	v52 =	vmovc v9;
	v9 =	vmov v17;
	v53 =	vmov v14;
	v14 =	vmov v23;
	s30 =	smov.u32 s28;
	s28 =	sadd.s32 $0x5, s28  }
0x74: {  	v56 =	vor.u32 v3, v25;
	v54 =	vshll.u32 v50, $0x7;
	v55 =	vmov s29;
	s29 =	sadd.s32 $0x2, s30;
	[tilespmem:v47+s21+$0x0] =	vst.idx.msk $0xffff, v40;
	v40 =	vld.idx.msk [tilespmem:v46+s4+$0x0], $0xffff;
	v46 =	vmovc v21  }
0x75: {  	v21 =	vmovc v19;
	v13 =	vshll.u32 v55, $0x7;
	v47 =	vmov s29;
	s29 =	sadd.s32 $0x3, s30;
	[tilespmem:v44+s21+$0x0] =	vst.idx.msk $0xffff, v39;
	v39 =	vor.u32 v4, v24;
	v43 =	vld.idx.msk [tilespmem:v43+s4+$0x0], $0xffff  }
0x76: {  	v17 =	vshll.u32 v47, $0x7;
	v44 =	vmov s29;
	s29 =	sadd.s32 $0x4, s30;
	[tilespmem:v41+s21+$0x0] =	vst.idx.msk $0xffff, v35;
	v35 =	vld.idx.msk [tilespmem:v45+s4+$0x0], $0xffff;
	v41 =	vor.u32 v7, v11;
	v45 =	vmovc v18  }
0x77: {  	v18 =	vmovc v28;
	v23 =	vshll.u32 v44, $0x7;
	v57 =	vmov s29;
	v38 =	vld.idx.msk [tilespmem:v38+s4+$0x0], $0xffff;
	[tilespmem:v42+s21+$0x0] =	vst.idx.msk $0xffff, v36;
	v36 =	vor.u32 v6, v12  }
0x78: {  	v28 =	vor.u32 v4, v15;
	v19 =	vshll.u32 v57, $0x7;
	v33 =	vld.idx.msk [tilespmem:v33+s4+$0x0], $0xffff;
	[tilespmem:v29+s21+$0x0] =	vst.idx.msk $0xffff, v37;
	v37 =	vmov v10  }
0x79: {  	v29 =	vor.u32 v3, v19;
	v42 =	vld.idx.msk [tilespmem:v56+s4+$0x0], $0xffff;
	v56 =	vor.u32 v7, v45;
	[tilespmem:v51+s21+$0x0] =	vst.idx.msk $0xffff, v49  }
0x7a: {  	v10 =	vmov v26;
	v26 =	vmov v20;
	v39 =	vld.idx.msk [tilespmem:v39+s4+$0x0], $0xffff;
	[tilespmem:v48+s21+$0x0] =	vst.idx.msk $0xffff, v40;
	v40 =	vor.u32 v7, v20  }
0x7b: {  	v48 =	vor.u32 v4, v21;
	[tilespmem:v30+s21+$0x0] =	vst.idx.msk $0xffff, v43;
	v30 =	vor.u32 v7, v37;
	v41 =	vld.idx.msk [tilespmem:v41+s4+$0x0], $0xffff  }
0x7c: {  	v20 =	vmov v27;
	v27 =	vmov v11;
	v43 =	vld.idx.msk [tilespmem:v55+s20+$0x0], $0xffff;
	[tilespmem:v36+s21+$0x0] =	vst.idx.msk $0xffff, v35;
	v35 =	vor.u32 v7, v52  }
0x7d: {  	v11 =	vmov v25;
	v36 =	vld.idx.msk [tilespmem:v44+s20+$0x0], $0xffff;
	[tilespmem:v28+s21+$0x0] =	vst.idx.msk $0xffff, v38  }
0x7e: {  	v25 =	vor.u32 v3, v9;
	v38 =	vor.u32 v8, v22;
	v22 =	vmov v24;
	v28 =	vld.idx.msk [tilespmem:v56+s4+$0x0], $0xffff  }
0x7f: {  	v24 =	vor.u32 v7, v16;
	v44 =	vor.u32 v8, v12;
	v40 =	vld.idx.msk [tilespmem:v40+s4+$0x0], $0xffff  }
0x80: {  	[tilespmem:v48+s21+$0x0] =	vst.idx.msk $0xffff, v39;
	v39 =	vor.u32 v8, v45;
	v30 =	vld.idx.msk [tilespmem:v30+s4+$0x0], $0xffff;
	v45 =	vor.u32 v7, v53  }
0x81: {  	v26 =	vor.u32 v8, v26;
	v12 =	vor.u32 v7, v12;
	v48 =	vld.idx.msk [tilespmem:v50+s20+$0x0], $0xffff;
	[tilespmem:v35+s21+$0x0] =	vst.idx.msk $0xffff, v41  }
0x82: {  	v49 =	vor.u32 v4, v11;
	v37 =	vor.u32 v8, v37;
	v41 =	vor.u32 v2, v34;
	v35 =	vld.idx.msk [tilespmem:v57+s20+$0x0], $0xffff  }
0x83: {  	v27 =	vor.u32 v8, v27;
	[tilespmem:v25+s21+$0x0] =	vst.idx.msk $0xffff, v42;
	v25 =	vor.u32 v2, v14;
	v38 =	vld.idx.msk [tilespmem:v38+s4+$0x0], $0xffff  }
0x84: {  	v46 =	vor.u32 v8, v46;
	v42 =	vld.idx.msk [tilespmem:v47+s20+$0x0], $0xffff;
	[tilespmem:v24+s21+$0x0] =	vst.idx.msk $0xffff, v28;
	v47 =	vor.u32 v8, v52  }
0x85: {  	v51 =	vor.u32 v8, v16;
	v50 =	vor.u32 v5, v22;
	v39 =	vld.idx.msk [tilespmem:v39+s4+$0x0], $0xffff;
	[tilespmem:v45+s21+$0x0] =	vst.idx.msk $0xffff, v40  }
0x86: {  	v52 =	vor.u32 v8, v53;
	v40 =	vor.u32 v5, v18;
	[tilespmem:v12+s21+$0x0] =	vst.idx.msk $0xffff, v30;
	v45 =	vld.idx.msk [tilespmem:v26+s4+$0x0], $0xffff  }
0x87: {  	v16 =	vmov v15;
	v28 =	vshll.u32 v48, $0x7;
	[tilespmem:v41+s21+$0x0] =	vst.idx.msk $0xffff, v32;
	v32 =	vld.idx.msk [tilespmem:v49+s4+$0x0], $0xffff;
	v41 =	vor.u32 v4, v9  }
0x88: {  	v26 =	vshll.u32 v43, $0x7;
	v24 =	vshll.u32 v35, $0x7;
	v35 =	vor.u32 v3, v10;
	[tilespmem:v25+s21+$0x0] =	vst.idx.msk $0xffff, v33;
	v33 =	vld.idx.msk [tilespmem:v27+s4+$0x0], $0xffff  }
0x89: {  	v15 =	vmov v54;
	v27 =	vshll.u32 v36, $0x7;
	v36 =	vor.u32 v5, v11;
	v37 =	vld.idx.msk [tilespmem:v37+s4+$0x0], $0xffff;
	[tilespmem:v46+s21+$0x0] =	vst.idx.msk $0xffff, v38  }
0x8a: {  	v12 =	vmovc v34;
	v38 =	vor.u32 v0, v28;
	v25 =	vshll.u32 v42, $0x7;
	v42 =	vor.u32 v0, v27;
	v43 =	vld.idx.msk [tilespmem:v50+s4+$0x0], $0xffff  }
0x8b: {  	v34 =	vor.u32 v0, v24;
	v46 =	vor.u32 v5, v21;
	v40 =	vld.idx.msk [tilespmem:v40+s4+$0x0], $0xffff;
	[tilespmem:v51+s21+$0x0] =	vst.idx.msk $0xffff, v39  }
0x8c: {  	v30 =	vor.u32 v6, v16;
	v39 =	vor.u32 v0, v25;
	v31 =	vld.idx.msk [tilespmem:v31+s4+$0x0], $0xffff;
	[tilespmem:v52+s21+$0x0] =	vst.idx.msk $0xffff, v45  }
0x8d: {  	v45 =	vor.u32 v0, v26;
	v35 =	vld.idx.msk [tilespmem:v35+s4+$0x0], $0xffff;
	[tilespmem:v41+s21+$0x0] =	vst.idx.msk $0xffff, v32;
	v32 =	vor.u32 v3, v14  }
0x8e: {  	v48 =	vor.u32 v4, v20;
	v41 =	vor.u32 v3, v12;
	v36 =	vld.idx.msk [tilespmem:v36+s4+$0x0], $0xffff;
	[tilespmem:v47+s21+$0x0] =	vst.idx.msk $0xffff, v33  }
0x8f: {  	v49 =	vor.u32 v5, v9;
	v47 =	vor.u32 v4, v10;
	v38 =	vld.idx.msk [tilespmem:v38+s4+$0x0], $0xffff;
	[tilespmem:v44+s21+$0x0] =	vst.idx.msk $0xffff, v37  }
0x90: {  	v37 =	vor.u32 v0, v15;
	v44 =	vor.u32 v6, v11;
	v34 =	vld.idx.msk [tilespmem:v34+s4+$0x0], $0xffff;
	[tilespmem:v46+s21+$0x0] =	vst.idx.msk $0xffff, v43  }
0x91: {  	v33 =	vor.u32 v2, v27;
	v43 =	vor.u32 v2, v28;
	v46 =	vor.u32 v0, v19;
	v39 =	vld.idx.msk [tilespmem:v39+s4+$0x0], $0xffff  }
0x92: {  	v50 =	vor.u32 v2, v24;
	v51 =	vor.u32 v5, v16;
	v45 =	vld.idx.msk [tilespmem:v45+s4+$0x0], $0xffff;
	[tilespmem:v32+s21+$0x0] =	vst.idx.msk $0xffff, v31  }
0x93: {  	v31 =	vor.u32 v0, v13;
	v32 =	vor.u32 v6, v22;
	[tilespmem:v41+s21+$0x0] =	vst.idx.msk $0xffff, v35;
	v35 =	vld.idx.msk [tilespmem:v48+s4+$0x0], $0xffff  }
0x94: {  	v41 =	vor.u32 v2, v26;
	v47 =	vld.idx.msk [tilespmem:v47+s4+$0x0], $0xffff;
	[tilespmem:v49+s21+$0x0] =	vst.idx.msk $0xffff, v36;
	v36 =	vor.u32 v4, v14  }
0x95: {  	[tilespmem:v37+s21+$0x0] =	vst.idx.msk $0xffff, v38;
	v37 =	vor.u32 v4, v12;
	v38 =	vld.idx.msk [tilespmem:v44+s4+$0x0], $0xffff;
	v44 =	vor.u32 v5, v20  }
0x96: {  	v49 =	vor.u32 v0, v17;
	v43 =	vld.idx.msk [tilespmem:v43+s4+$0x0], $0xffff;
	[tilespmem:v46+s21+$0x0] =	vst.idx.msk $0xffff, v34;
	v46 =	vor.u32 v5, v10  }
0x97: {  	v53 =	vor.u32 v2, v25;
	v52 =	vor.u32 v2, v15;
	v50 =	vld.idx.msk [tilespmem:v50+s4+$0x0], $0xffff;
	[tilespmem:v51+s21+$0x0] =	vst.idx.msk $0xffff, v40  }
0x98: {  	v51 =	vor.u32 v3, v28;
	[tilespmem:v31+s21+$0x0] =	vst.idx.msk $0xffff, v45;
	v45 =	vor.u32 v6, v9;
	v54 =	vld.idx.msk [tilespmem:v32+s4+$0x0], $0xffff  }
0x99: {  	v55 =	vor.u32 v2, v19;
	v34 =	vor.u32 v5, v14;
	v32 =	vld.idx.msk [tilespmem:v41+s4+$0x0], $0xffff;
	[tilespmem:v36+s21+$0x0] =	vst.idx.msk $0xffff, v35  }
0x9a: {  	v57 =	vor.u32 v6, v21;
	v56 =	vor.u32 v3, v24;
	[tilespmem:v37+s21+$0x0] =	vst.idx.msk $0xffff, v47;
	v48 =	vld.idx.msk [tilespmem:v44+s4+$0x0], $0xffff  }
.Ltmp0:
0x9b: {  	v31 =	vor.u32 v3, v27;
	[tilespmem:v49+s21+$0x0] =	vst.idx.msk $0xffff, v39;
	v40 =	vld.idx.msk [tilespmem:v46+s4+$0x0], $0xffff;
	v49 =	vor.u32 v7, v22;
	(pc) =	sbr.rel @p0 .LBB2_2-.Ltmp0, $4  }
0x9c: {  	v47 =	vor.u32 v5, v12;
	v46 =	vor.u32 v6, v20;
	[tilespmem:v52+s21+$0x0] =	vst.idx.msk $0xffff, v43;
	v39 =	vld.idx.msk [tilespmem:v53+s4+$0x0], $0xffff  }
0x9d: {  	v44 =	vor.u32 v2, v17;
	v43 =	vor.u32 v6, v18;
	v35 =	vld.idx.msk [tilespmem:v51+s4+$0x0], $0xffff;
	[tilespmem:v45+s21+$0x0] =	vst.idx.msk $0xffff, v38  }
0x9e: {  	v41 =	vor.u32 v3, v15;
	v45 =	vor.u32 v6, v10;
	v36 =	vld.idx.msk [tilespmem:v42+s4+$0x0], $0xffff;
	[tilespmem:v55+s21+$0x0] =	vst.idx.msk $0xffff, v50  }
0x9f: {  	v38 =	vor.u32 v4, v28;
	v42 =	vor.u32 v0, v23;
	v37 =	vld.idx.msk [tilespmem:v56+s4+$0x0], $0xffff;
	[tilespmem:v57+s21+$0x0] =	vst.idx.msk $0xffff, v54  }
0xa0: {  	_ =	sdelay $0x3  }
0xa1: {  	[tilespmem:v34+s21+$0x0] =	vst.idx.msk $0xffff, v48  }
0xa2: {  	v61 =	vld.idx.msk [tilespmem:v49+s4+$0x0], $0xffff;
	v62 =	vor.u32 v7, v21;
	[tilespmem:v47+s21+$0x0] =	vst.idx.msk $0xffff, v40  }
0xa3: {  	v43 =	vld.idx.msk [tilespmem:v43+s4+$0x0], $0xffff;
	[tilespmem:v44+s21+$0x0] =	vst.idx.msk $0xffff, v39  }
0xa4: {  	v47 =	vor.u32 v4, v24;
	v56 =	vor.u32 v2, v13;
	[tilespmem:v41+s21+$0x0] =	vst.idx.msk $0xffff, v35  }
0xa5: {  	v63 =	vor.u32 v6, v14;
	v50 =	vor.u32 v7, v11;
	v46 =	vld.idx.msk [tilespmem:v46+s4+$0x0], $0xffff;
	[tilespmem:v42+s21+$0x0] =	vst.idx.msk $0xffff, v36  }
0xa6: {  	v52 =	vor.u32 v3, v25;
	v33 =	vld.idx.msk [tilespmem:v33+s4+$0x0], $0xffff;
	[tilespmem:v29+s21+$0x0] =	vst.idx.msk $0xffff, v37;
	v29 =	vor.u32 v2, v23  }
0xa7: {  	v51 =	vor.u32 v6, v12;
	v49 =	vld.idx.msk [tilespmem:v45+s4+$0x0], $0xffff;
	[tilespmem:v62+s21+$0x0] =	vst.idx.msk $0xffff, v61  }
0xa8: {  	v54 =	vor.u32 v4, v15;
	v55 =	vor.u32 v7, v18;
	v53 =	vld.idx.msk [tilespmem:v38+s4+$0x0], $0xffff;
	[tilespmem:v30+s21+$0x0] =	vst.idx.msk $0xffff, v43  }
0xa9: {  	v57 =	vor.u32 v4, v19;
	v39 =	vld.idx.msk [tilespmem:v47+s4+$0x0], $0xffff;
	v30 =	vor.u32 v3, v26;
	[tilespmem:v56+s21+$0x0] =	vst.idx.msk $0xffff, v32  }
0xaa: {  	v59 =	vor.u32 v7, v9;
	v22 =	vor.u32 v8, v22;
	v41 =	vld.idx.msk [tilespmem:v50+s4+$0x0], $0xffff;
	[tilespmem:v63+s21+$0x0] =	vst.idx.msk $0xffff, v46  }
0xab: {  	v58 =	vor.u32 v7, v20;
	v60 =	vld.idx.msk [tilespmem:v52+s4+$0x0], $0xffff;
	v62 =	vor.u32 v3, v17;
	[tilespmem:v29+s21+$0x0] =	vst.idx.msk $0xffff, v33  }
0xac: {  	v61 =	vor.u32 v7, v10;
	[tilespmem:v51+s21+$0x0] =	vst.idx.msk $0xffff, v49;
	v29 =	vld.idx.msk [tilespmem:v31+s4+$0x0], $0xffff;
	v31 =	vor.u32 v3, v23  }
0xad: {  	v47 =	vor.u32 v4, v27;
	v63 =	vld.idx.msk [tilespmem:v55+s4+$0x0], $0xffff;
	v46 =	vor.u32 v7, v16;
	[tilespmem:v54+s21+$0x0] =	vst.idx.msk $0xffff, v53  }
0xae: {  	v48 =	vor.u32 v4, v25;
	v49 =	vor.u32 v3, v13;
	[tilespmem:v57+s21+$0x0] =	vst.idx.msk $0xffff, v39;
	v30 =	vld.idx.msk [tilespmem:v30+s4+$0x0], $0xffff  }
0xaf: {  	v21 =	vor.u32 v8, v21;
	v52 =	vor.u32 v4, v26;
	v22 =	vld.idx.msk [tilespmem:v22+s4+$0x0], $0xffff;
	[tilespmem:v59+s21+$0x0] =	vst.idx.msk $0xffff, v41  }
0xb0: {  	v18 =	vor.u32 v8, v18;
	v51 =	vor.u32 v7, v14;
	v50 =	vld.idx.msk [tilespmem:v58+s4+$0x0], $0xffff;
	[tilespmem:v62+s21+$0x0] =	vst.idx.msk $0xffff, v60  }
0xb1: {  	v55 =	vor.u32 v5, v24;
	v54 =	vor.u32 v7, v12;
	v53 =	vld.idx.msk [tilespmem:v61+s4+$0x0], $0xffff;
	[tilespmem:v31+s21+$0x0] =	vst.idx.msk $0xffff, v29  }
0xb2: {  	v56 =	vor.u32 v4, v23;
	[tilespmem:v46+s21+$0x0] =	vst.idx.msk $0xffff, v63;
	v29 =	vor.u32 v5, v28;
	v31 =	vld.idx.msk [tilespmem:v47+s4+$0x0], $0xffff  }
0xb3: {  	v58 =	vor.u32 v4, v17;
	v57 =	vld.idx.msk [tilespmem:v48+s4+$0x0], $0xffff;
	[tilespmem:v49+s21+$0x0] =	vst.idx.msk $0xffff, v30;
	v30 =	vor.u32 v5, v27  }
0xb4: {  	v59 =	vor.u32 v5, v25;
	v60 =	vor.u32 v4, v13;
	[tilespmem:v21+s21+$0x0] =	vst.idx.msk $0xffff, v22;
	v35 =	vld.idx.msk [tilespmem:v52+s4+$0x0], $0xffff  }
0xb5: {  	v16 =	vor.u32 v8, v16;
	v61 =	vor.u32 v5, v26;
	[tilespmem:v51+s21+$0x0] =	vst.idx.msk $0xffff, v50;
	v18 =	vld.idx.msk [tilespmem:v18+s4+$0x0], $0xffff  }
0xb6: {  	v20 =	vor.u32 v8, v20;
	v21 =	vld.idx.msk [tilespmem:v55+s4+$0x0], $0xffff;
	v22 =	vor.u32 v5, v19;
	[tilespmem:v54+s21+$0x0] =	vst.idx.msk $0xffff, v53  }
0xb7: {  	v62 =	vor.u32 v5, v15;
	v63 =	vor.u32 v6, v24;
	v29 =	vld.idx.msk [tilespmem:v29+s4+$0x0], $0xffff;
	[tilespmem:v56+s21+$0x0] =	vst.idx.msk $0xffff, v31  }
0xb8: {  	v41 =	vor.u32 v6, v28;
	[tilespmem:v58+s21+$0x0] =	vst.idx.msk $0xffff, v57;
	v31 =	vor.u32 v5, v23;
	v30 =	vld.idx.msk [tilespmem:v30+s4+$0x0], $0xffff  }
0xb9: {  	v42 =	vor.u32 v5, v17;
	v43 =	vor.u32 v6, v27;
	v33 =	vld.idx.msk [tilespmem:v59+s4+$0x0], $0xffff;
	[tilespmem:v60+s21+$0x0] =	vst.idx.msk $0xffff, v35  }
0xba: {  	v44 =	vor.u32 v5, v13;
	[tilespmem:v16+s21+$0x0] =	vst.idx.msk $0xffff, v18;
	v16 =	vor.u32 v6, v25;
	v18 =	vld.idx.msk [tilespmem:v61+s4+$0x0], $0xffff  }
0xbb: {  	v14 =	vor.u32 v8, v14;
	v20 =	vld.idx.msk [tilespmem:v20+s4+$0x0], $0xffff;
	[tilespmem:v22+s21+$0x0] =	vst.idx.msk $0xffff, v21;
	v21 =	vor.u32 v6, v26  }
0xbc: {  	v11 =	vor.u32 v8, v11;
	v22 =	vld.idx.msk [tilespmem:v63+s4+$0x0], $0xffff;
	[tilespmem:v62+s21+$0x0] =	vst.idx.msk $0xffff, v29;
	v29 =	vor.u32 v6, v19  }
0xbd: {  	v45 =	vor.u32 v6, v15;
	v46 =	vor.u32 v7, v24;
	[tilespmem:v31+s21+$0x0] =	vst.idx.msk $0xffff, v30;
	v30 =	vld.idx.msk [tilespmem:v41+s4+$0x0], $0xffff  }
0xbe: {  	v48 =	vor.u32 v7, v28;
	[tilespmem:v42+s21+$0x0] =	vst.idx.msk $0xffff, v33;
	v31 =	vor.u32 v6, v23;
	v47 =	vld.idx.msk [tilespmem:v43+s4+$0x0], $0xffff  }
0xbf: {  	v49 =	vor.u32 v6, v17;
	v16 =	vld.idx.msk [tilespmem:v16+s4+$0x0], $0xffff;
	[tilespmem:v44+s21+$0x0] =	vst.idx.msk $0xffff, v18;
	v18 =	vor.u32 v7, v27  }
0xc0: {  	[tilespmem:v14+s21+$0x0] =	vst.idx.msk $0xffff, v20;
	v20 =	vor.u32 v7, v25;
	v14 =	vld.idx.msk [tilespmem:v21+s4+$0x0], $0xffff;
	v21 =	vor.u32 v6, v13  }
0xc1: {  	v9 =	vor.u32 v8, v9;
	v11 =	vld.idx.msk [tilespmem:v11+s4+$0x0], $0xffff;
	[tilespmem:v29+s21+$0x0] =	vst.idx.msk $0xffff, v22;
	v22 =	vor.u32 v7, v26  }
0xc2: {  	v10 =	vor.u32 v8, v10;
	v50 =	vor.u32 v7, v19;
	v29 =	vld.idx.msk [tilespmem:v46+s4+$0x0], $0xffff;
	[tilespmem:v45+s21+$0x0] =	vst.idx.msk $0xffff, v30  }
0xc3: {  	v24 =	vor.u32 v8, v24;
	[tilespmem:v31+s21+$0x0] =	vst.idx.msk $0xffff, v47;
	v30 =	vld.idx.msk [tilespmem:v48+s4+$0x0], $0xffff;
	v31 =	vor.u32 v7, v15  }
0xc4: {  	[tilespmem:v49+s21+$0x0] =	vst.idx.msk $0xffff, v16;
	v16 =	vld.idx.msk [tilespmem:v18+s4+$0x0], $0xffff;
	v18 =	vor.u32 v8, v28;
	v28 =	vor.u32 v7, v23  }
0xc5: {  	v20 =	vld.idx.msk [tilespmem:v20+s4+$0x0], $0xffff;
	[tilespmem:v21+s21+$0x0] =	vst.idx.msk $0xffff, v14;
	v14 =	vor.u32 v7, v17;
	v21 =	vor.u32 v8, v27  }
0xc6: {  	[tilespmem:v9+s21+$0x0] =	vst.idx.msk $0xffff, v11;
	v11 =	vor.u32 v7, v13;
	v9 =	vld.idx.msk [tilespmem:v22+s4+$0x0], $0xffff;
	v22 =	vor.u32 v8, v25  }
0xc7: {  	v12 =	vor.u32 v8, v12;
	v10 =	vld.idx.msk [tilespmem:v10+s4+$0x0], $0xffff;
	v25 =	vor.u32 v8, v26;
	[tilespmem:v50+s21+$0x0] =	vst.idx.msk $0xffff, v29  }
0xc8: {  	v19 =	vor.u32 v8, v19;
	v24 =	vld.idx.msk [tilespmem:v24+s4+$0x0], $0xffff;
	[tilespmem:v31+s21+$0x0] =	vst.idx.msk $0xffff, v30  }
0xc9: {  	v15 =	vor.u32 v8, v15;
	v18 =	vld.idx.msk [tilespmem:v18+s4+$0x0], $0xffff;
	[tilespmem:v28+s21+$0x0] =	vst.idx.msk $0xffff, v16  }
0xca: {  	[tilespmem:v14+s21+$0x0] =	vst.idx.msk $0xffff, v20;
	v16 =	vor.u32 v8, v23;
	v14 =	vld.idx.msk [tilespmem:v21+s4+$0x0], $0xffff  }
0xcb: {  	v17 =	vor.u32 v8, v17;
	[tilespmem:v11+s21+$0x0] =	vst.idx.msk $0xffff, v9;
	v9 =	vld.idx.msk [tilespmem:v22+s4+$0x0], $0xffff  }
0xcc: {  	[tilespmem:v12+s21+$0x0] =	vst.idx.msk $0xffff, v10;
	v10 =	vor.u32 v8, v13;
	v11 =	vld.idx.msk [tilespmem:v25+s4+$0x0], $0xffff  }
0xcd: {  	[tilespmem:v19+s21+$0x0] =	vst.idx.msk $0xffff, v24  }
0xce: {  	[tilespmem:v15+s21+$0x0] =	vst.idx.msk $0xffff, v18  }
0xcf: {  	[tilespmem:v16+s21+$0x0] =	vst.idx.msk $0xffff, v14  }
0xd0: {  	[tilespmem:v17+s21+$0x0] =	vst.idx.msk $0xffff, v9  }
0xd1: {  	s28 =	simm.s32 $0x0;
	[tilespmem:v10+s21+$0x0] =	vst.idx.msk $0xffff, v11  }
0xd2: {  	[hbm4b:s9+s28] =	stream.linear.scatter [tilespmem:s21], [sflag:$0x3], $0x6400, $0x38;
	[tilespmem:$0x1CB00] =	vst v63  }
0xd3: {  	_ = 	snop  }
0xd4: {  	[tilespmem:s17], [sflag:$0x1] =	stream.linear.gather [hbm4b:s10+s28], $0xC8, $0x38;
	[tilespmem:$0x1CB00] =	vst v63  }
0xd5: {  	_ =	swait.ge [sflag:s22], $0xC8  }
0xd6: {  	[sflag:s22] =	ssyncset.done $0x0  }
0xd7: {  	[sflag:s22] =	ssyncadd.s32 $0xFFFFFF38  }
0xd8: {  	v9 =	vld [tilespmem:$0x10100]  }
0xd9: {  	v10 =	vld [tilespmem:$0x10110]  }
0xda: {  	v12 =	vld [tilespmem:$0x10120]  }
0xdb: {  	v13 =	vld [tilespmem:$0x10130]  }
0xdc: {  	v14 =	vld [tilespmem:$0x10140]  }
0xdd: {  	v15 =	vld [tilespmem:$0x10150]  }
0xde: {  	v11 =	vperm.xlane v9, v1;
	_ =	sdelay $0x1  }
0xdf: {  	v9 =	vsub.s32 v9, v11;
	v10 =	vsub.s32 v10, v11  }
0xe0: {  	v12 =	vsub.s32 v12, v11;
	v13 =	vsub.s32 v13, v11;
	v14 =	vsub.s32 v14, v11  }
0xe1: {  	v16 =	vld [tilespmem:$0x10160];
	v15 =	vsub.s32 v15, v11;
	vm0 =	vgt.s32 v9, $0x0;
	vm4 =	vgt.s32 v10, $0x0  }
0xe2: {  	v17 =	vld [tilespmem:$0x10170];
	vm5 =	vgt.s32 v12, $0x0;
	vm6 =	vgt.s32 v13, $0x0;
	vm7 =	vgt.s32 v14, $0x0  }
0xe3: {  	vm8 =	vgt.s32 v15, $0x0;
	v9 =	vnsel vm0, $0x0, v9;
	v10 =	vnsel vm4, $0x0, v10  }
0xe4: {  	v18 =	vld [tilespmem:$0x10180];
	v12 =	vnsel vm5, $0x0, v12;
	v13 =	vnsel vm6, $0x0, v13;
	v9 =	vmin.u32 v9, $0x1FF  }
0xe5: {  	v19 =	vld [tilespmem:$0x10190];
	v14 =	vnsel vm7, $0x0, v14;
	v10 =	vmin.u32 v10, $0x1FF;
	v12 =	vmin.u32 v12, $0x1FF;
	[tilespmem:$0x1CA00] =	vst v9  }
0xe6: {  	v13 =	vmin.u32 v13, $0x1FF;
	v9 =	vmin.u32 v14, $0x1FF;
	v14 =	vsub.s32 v16, v11;
	v16 =	vld [tilespmem:$0x101A0];
	[tilespmem:$0x1CA10] =	vst v10  }
0xe7: {  	v10 =	vnsel vm8, $0x0, v15;
	v15 =	vsub.s32 v17, v11;
	[tilespmem:$0x1CA20] =	vst v12;
	v17 =	vld [tilespmem:$0x101B8];
	vm9 =	vgt.s32 v14, $0x0  }
0xe8: {  	[tilespmem:$0x1CA30] =	vst v13;
	v10 =	vmin.u32 v10, $0x1FF;
	vm10 =	vgt.s32 v15, $0x0;
	v12 =	vnsel vm9, $0x0, v14;
	v14 =	vld [tilespmem:$0x101B0]  }
0xe9: {  	[tilespmem:$0x1CA40] =	vst v9;
	v13 =	vnsel vm10, $0x0, v15;
	v15 =	vsub.s32 v18, v11;
	v12 =	vmin.u32 v12, $0x1FF  }
0xea: {  	[tilespmem:$0x1CA50] =	vst v10;
	v9 =	vmin.u32 v13, $0x1FF;
	vm11 =	vgt.s32 v15, $0x0;
	v13 =	vsub.s32 v19, v11  }
0xeb: {  	v10 =	vnsel vm11, $0x0, v15;
	vm12 =	vgt.s32 v13, $0x0;
	[tilespmem:$0x1CA60] =	vst v12;
	v15 =	vsub.s32 v16, v11  }
0xec: {  	[tilespmem:$0x1CA70] =	vst v9;
	v10 =	vmin.u32 v10, $0x1FF;
	v12 =	vnsel vm12, $0x0, v13;
	vm13 =	vgt.s32 v15, $0x0  }
0xed: {  	v9 =	vmin.u32 v12, $0x1FF;
	[tilespmem:$0x1CA80] =	vst v10;
	v10 =	vsub.s32 v17, v11;
	v13 =	vsub.s32 v14, v11  }
0xee: {  	v12 =	vnsel vm13, $0x0, v15;
	v11 =	vmov s28;
	vm14 =	vgt.s32 v13, $0x0  }
0xef: {  	[tilespmem:$0x1CA90] =	vst v9;
	vm15 =	vgt.s32 v10, $0x0;
	v9 =	vmin.u32 v12, $0x1FF;
	v12 =	vnsel vm14, $0x0, v13  }
0xf0: {  	s28 =	simm.s32 $0x4;
	v10 =	vnsel vm15, $0x0, v10;
	[tilespmem:$0x1CAA0] =	vst v9;
	v9 =	vmin.u32 v12, $0x1FF  }
0xf1: {  	[tilespmem:$0x1CAB0] =	vst v9;
	v9 =	vmin.u32 v10, $0x1FF;
	v10 =	vmov s28  }
0xf2: {  	[tilespmem:$0x1CAB8] =	vst v9  }
0xf3: {  	v9 =	vld.idx.msk [tilespmem:v11+s20+$0x0], $0xffff;
	_ =	sdelay $0x1  }
0xf4: {  	s28 =	simm.s32 $0x2  }
0xf5: {  	v12 =	vmov s28;
	v13 =	vld.idx.msk [tilespmem:v10+s20+$0x0], $0xffff  }
0xf6: {  	s28 =	simm.s32 $0x1  }
0xf7: {  	v14 =	vmov s28;
	v18 =	vshll.u32 v9, $0x7  }
0xf8: {  	v9 =	vor.u32 v0, v18  }
0xf9: {  	s28 =	simm.s32 $0x3  }
0xfa: {  	v15 =	vmov s28;
	v17 =	vld.idx.msk [tilespmem:v12+s20+$0x0], $0xffff;
	v22 =	vshll.u32 v13, $0x7  }
0xfb: {  	v13 =	vor.u32 v0, v22  }
0xfc: {  	v16 =	vshll.u32 v11, $0x7;
	v19 =	vld.idx.msk [tilespmem:v14+s20+$0x0], $0xffff  }
0xfd: {  	v20 =	vor.u32 v0, v16;
	v9 =	vld.idx.msk [tilespmem:v9+s4+$0x0], $0xffff  }
0xfe: {  	v23 =	vor.u32 v2, v18  }
0xff: {  	v21 =	vshll.u32 v10, $0x7;
	v24 =	vld.idx.msk [tilespmem:v15+s20+$0x0], $0xffff;
	v11 =	vshll.u32 v17, $0x7  }
0x100: {  	v25 =	vor.u32 v0, v21;
	v17 =	vor.u32 v0, v11;
	v13 =	vld.idx.msk [tilespmem:v13+s4+$0x0], $0xffff  }
0x101: {  	v26 =	vor.u32 v2, v22;
	v10 =	vshll.u32 v19, $0x7  }
0x102: {  	v19 =	vor.u32 v0, v10;
	[tilespmem:v20+s23+$0x0] =	vst.idx.msk $0xffff, v9  }
0x103: {  	v27 =	vor.u32 v2, v16;
	v23 =	vld.idx.msk [tilespmem:v23+s4+$0x0], $0xffff  }
0x104: {  	v9 =	vshll.u32 v12, $0x7;
	v20 =	vshll.u32 v24, $0x7;
	v24 =	vor.u32 v3, v18  }
0x105: {  	v17 =	vld.idx.msk [tilespmem:v17+s4+$0x0], $0xffff;
	v28 =	vor.u32 v0, v20;
	v29 =	vor.u32 v0, v9;
	[tilespmem:v25+s23+$0x0] =	vst.idx.msk $0xffff, v13  }
0x106: {  	v12 =	vshll.u32 v14, $0x7;
	v13 =	vor.u32 v2, v11;
	v25 =	vld.idx.msk [tilespmem:v26+s4+$0x0], $0xffff;
	v26 =	vor.u32 v2, v21  }
0x107: {  	v30 =	vor.u32 v3, v22;
	v19 =	vld.idx.msk [tilespmem:v19+s4+$0x0], $0xffff;
	v31 =	vor.u32 v0, v12  }
0x108: {  	s28 =	simm.s32 $0x6;
	v14 =	vshll.u32 v15, $0x7;
	v15 =	vor.u32 v2, v10;
	[tilespmem:v27+s23+$0x0] =	vst.idx.msk $0xffff, v23  }
0x109: {  	v52 =	vmov s28;
	v23 =	vld.idx.msk [tilespmem:v24+s4+$0x0], $0xffff;
	v24 =	vor.u32 v3, v16  }
0x10a: {  	[tilespmem:v29+s23+$0x0] =	vst.idx.msk $0xffff, v17;
	v17 =	vld.idx.msk [tilespmem:v28+s4+$0x0], $0xffff;
	v27 =	vor.u32 v4, v18;
	v28 =	vor.u32 v0, v14  }
0x10b: {  	v51 =	vor.u32 v2, v9;
	v29 =	vor.u32 v2, v20;
	v13 =	vld.idx.msk [tilespmem:v13+s4+$0x0], $0xffff;
	[tilespmem:v26+s23+$0x0] =	vst.idx.msk $0xffff, v25  }
0x10c: {  	s29 =	simm.s32 $0x5;
	[tilespmem:v31+s23+$0x0] =	vst.idx.msk $0xffff, v19;
	v25 =	vor.u32 v3, v21;
	v26 =	vld.idx.msk [tilespmem:v30+s4+$0x0], $0xffff;
	v30 =	vor.u32 v3, v11  }
0x10d: {  	v31 =	vld.idx.msk [tilespmem:v15+s4+$0x0], $0xffff;
	v15 =	vmov s29  }
0x10e: {  	s31 =	simm.s32 $0x7;
	v53 =	vld.idx.msk [tilespmem:v52+s20+$0x0], $0xffff;
	v19 =	vor.u32 v4, v22;
	[tilespmem:v24+s23+$0x0] =	vst.idx.msk $0xffff, v23  }
0x10f: {  	s28 =	simm.s32 $0x9;
	[tilespmem:v28+s23+$0x0] =	vst.idx.msk $0xffff, v17;
	v17 =	vmov s31;
	v23 =	vld.idx.msk [tilespmem:v27+s4+$0x0], $0xffff  }
0x110: {  	v59 =	vor.u32 v2, v14;
	v24 =	vmov s28;
	[tilespmem:v51+s23+$0x0] =	vst.idx.msk $0xffff, v13;
	v27 =	vld.idx.msk [tilespmem:v29+s4+$0x0], $0xffff  }
0x111: {  	v57 =	vor.u32 v3, v20;
	s28 =	simm.s32 $0x8;
	v29 =	vor.u32 v3, v9;
	[tilespmem:v25+s23+$0x0] =	vst.idx.msk $0xffff, v26;
	v25 =	vld.idx.msk [tilespmem:v30+s4+$0x0], $0xffff  }
0x112: {  	v56 =	vld.idx.msk [tilespmem:v15+s20+$0x0], $0xffff;
	v26 =	vmov s28;
	v30 =	vor.u32 v4, v16  }
0x113: {  	v54 =	vor.u32 v4, v11;
	v28 =	vld.idx.msk [tilespmem:v19+s4+$0x0], $0xffff  }
0x114: {  	v55 =	vor.u32 v4, v21;
	v61 =	vld.idx.msk [tilespmem:v17+s20+$0x0], $0xffff  }
0x115: {  	v48 =	vor.u32 v2, v12;
	v58 =	vld.idx.msk [tilespmem:v24+s20+$0x0], $0xffff;
	[tilespmem:v59+s23+$0x0] =	vst.idx.msk $0xffff, v27  }
0x116: {  	v62 =	vor.u32 v5, v18;
	v50 =	vor.u32 v3, v10;
	v32 =	vld.idx.msk [tilespmem:v57+s4+$0x0], $0xffff;
	[tilespmem:v29+s23+$0x0] =	vst.idx.msk $0xffff, v25  }
0x117: {  	v60 =	vor.u32 v5, v22;
	v63 =	vld.idx.msk [tilespmem:v26+s20+$0x0], $0xffff;
	[tilespmem:v30+s23+$0x0] =	vst.idx.msk $0xffff, v23;
	v23 =	vshll.u32 v26, $0x7;
	v26 =	vshll.u32 v53, $0x7  }
0x118: {  	v43 =	vor.u32 v6, v18;
	v49 =	vor.u32 v4, v9;
	v30 =	vld.idx.msk [tilespmem:v54+s4+$0x0], $0xffff;
	v53 =	vor.u32 v0, v26  }
0x119: {  	[tilespmem:v55+s23+$0x0] =	vst.idx.msk $0xffff, v28;
	v28 =	vshll.u32 v56, $0x7;
	v54 =	vor.u32 v5, v11;
	v56 =	vor.u32 v3, v14  }
0x11a: {  	v46 =	vor.u32 v5, v20;
	[tilespmem:v48+s23+$0x0] =	vst.idx.msk $0xffff, v31;
	v36 =	vor.u32 v0, v28  }
0x11b: {  	v41 =	vld.idx.msk [tilespmem:v50+s4+$0x0], $0xffff;
	v19 =	vshll.u32 v24, $0x7;
	v24 =	vshll.u32 v58, $0x7;
	v58 =	vor.u32 v4, v20  }
0x11c: {  	v13 =	vshll.u32 v52, $0x7;
	v52 =	vor.u32 v5, v21;
	v57 =	vor.u32 v3, v12;
	v55 =	vld.idx.msk [tilespmem:v60+s4+$0x0], $0xffff  }
0x11d: {  	v59 =	vor.u32 v4, v10;
	v25 =	vshll.u32 v61, $0x7;
	[tilespmem:v49+s23+$0x0] =	vst.idx.msk $0xffff, v30;
	v37 =	vld.idx.msk [tilespmem:v53+s4+$0x0], $0xffff  }
0x11e: {  	v51 =	vor.u32 v0, v24;
	[tilespmem:v56+s23+$0x0] =	vst.idx.msk $0xffff, v32;
	v56 =	vor.u32 v0, v13;
	v35 =	vld.idx.msk [tilespmem:v54+s4+$0x0], $0xffff  }
0x11f: {  	v15 =	vshll.u32 v15, $0x7;
	v31 =	vor.u32 v0, v25;
	v60 =	vor.u32 v5, v9;
	v36 =	vld.idx.msk [tilespmem:v36+s4+$0x0], $0xffff  }
0x120: {  	v47 =	vor.u32 v5, v12;
	v61 =	vor.u32 v0, v15;
	v34 =	vld.idx.msk [tilespmem:v58+s4+$0x0], $0xffff;
	v58 =	vor.u32 v2, v26  }
0x121: {  	v17 =	vshll.u32 v17, $0x7;
	v39 =	vld.idx.msk [tilespmem:v62+s4+$0x0], $0xffff;
	[tilespmem:v57+s23+$0x0] =	vst.idx.msk $0xffff, v41;
	v27 =	vshll.u32 v63, $0x7;
	v63 =	vor.u32 v6, v11  }
0x122: {  	v44 =	vld.idx.msk [tilespmem:v59+s4+$0x0], $0xffff;
	v59 =	vor.u32 v4, v14;
	[tilespmem:v52+s23+$0x0] =	vst.idx.msk $0xffff, v55;
	v54 =	vor.u32 v2, v28  }
0x123: {  	v57 =	vor.u32 v6, v22;
	v55 =	vor.u32 v0, v19;
	v62 =	vld.idx.msk [tilespmem:v51+s4+$0x0], $0xffff;
	[tilespmem:v56+s23+$0x0] =	vst.idx.msk $0xffff, v37  }
0x124: {  	v50 =	vor.u32 v2, v24;
	v31 =	vld.idx.msk [tilespmem:v31+s4+$0x0], $0xffff;
	v51 =	vor.u32 v5, v16;
	[tilespmem:v60+s23+$0x0] =	vst.idx.msk $0xffff, v35  }
0x125: {  	v29 =	vor.u32 v3, v19;
	[tilespmem:v61+s23+$0x0] =	vst.idx.msk $0xffff, v36;
	v36 =	vor.u32 v4, v12;
	v32 =	vld.idx.msk [tilespmem:v58+s4+$0x0], $0xffff  }
0x126: {  	v41 =	vor.u32 v3, v15;
	v42 =	vor.u32 v0, v27;
	v60 =	vor.u32 v0, v17;
	v45 =	vld.idx.msk [tilespmem:v63+s4+$0x0], $0xffff  }
0x127: {  	v52 =	vor.u32 v2, v15;
	v61 =	vor.u32 v5, v10;
	[tilespmem:v59+s23+$0x0] =	vst.idx.msk $0xffff, v34;
	v38 =	vld.idx.msk [tilespmem:v54+s4+$0x0], $0xffff  }
0x128: {  	v53 =	vor.u32 v2, v25;
	[tilespmem:v55+s23+$0x0] =	vst.idx.msk $0xffff, v62;
	v63 =	vor.u32 v6, v9;
	v54 =	vld.idx.msk [tilespmem:v57+s4+$0x0], $0xffff  }
0x129: {  	[tilespmem:v51+s23+$0x0] =	vst.idx.msk $0xffff, v39;
	v62 =	vor.u32 v3, v28;
	v55 =	vor.u32 v2, v19;
	v50 =	vld.idx.msk [tilespmem:v50+s4+$0x0], $0xffff  }
0x12a: {  	v56 =	vor.u32 v3, v24;
	v48 =	vld.idx.msk [tilespmem:v46+s4+$0x0], $0xffff;
	v57 =	vor.u32 v6, v21;
	[tilespmem:v36+s23+$0x0] =	vst.idx.msk $0xffff, v44  }
0x12b: {  	v30 =	vor.u32 v6, v16;
	v34 =	vor.u32 v5, v14;
	[tilespmem:v60+s23+$0x0] =	vst.idx.msk $0xffff, v31;
	v36 =	vld.idx.msk [tilespmem:v42+s4+$0x0], $0xffff  }
0x12c: {  	v33 =	vor.u32 v2, v27;
	v49 =	vor.u32 v7, v22;
	v40 =	vld.idx.msk [tilespmem:v61+s4+$0x0], $0xffff;
	[tilespmem:v52+s23+$0x0] =	vst.idx.msk $0xffff, v38  }
0x12d: {  	v46 =	vor.u32 v6, v20;
	v31 =	vor.u32 v3, v27;
	v39 =	vld.idx.msk [tilespmem:v53+s4+$0x0], $0xffff;
	[tilespmem:v63+s23+$0x0] =	vst.idx.msk $0xffff, v45  }
0x12e: {  	v44 =	vor.u32 v2, v17;
	v42 =	vor.u32 v0, v23;
	v35 =	vld.idx.msk [tilespmem:v62+s4+$0x0], $0xffff;
	[tilespmem:v55+s23+$0x0] =	vst.idx.msk $0xffff, v50  }
0x12f: {  	s28 =	simm.s32 $0xA;
	v45 =	vor.u32 v6, v10;
	v38 =	vor.u32 v4, v28;
	[tilespmem:v57+s23+$0x0] =	vst.idx.msk $0xffff, v54;
	v37 =	vld.idx.msk [tilespmem:v56+s4+$0x0], $0xffff  }
.LBB2_4:
0x130: {  	v50 =	vmov s28;
	s29 =	sadd.s32 $0x1, s28;
	[tilespmem:v34+s23+$0x0] =	vst.idx.msk $0xffff, v48;
	v48 =	vor.u32 v6, v14;
	v51 =	vor.u32 v7, v21  }
0x131: {  	p0 =	slt.u32 s28, $0xC3;
	v49 =	vld.idx.msk [tilespmem:v49+s4+$0x0], $0xffff;
	v34 =	vmovc v13;
	v52 =	vmovc v9;
	v9 =	vmov v17;
	v53 =	vmov v14;
	v14 =	vmov v23;
	s30 =	smov.u32 s28;
	s28 =	sadd.s32 $0x5, s28  }
0x132: {  	v56 =	vor.u32 v3, v25;
	v54 =	vshll.u32 v50, $0x7;
	v55 =	vmov s29;
	s29 =	sadd.s32 $0x2, s30;
	[tilespmem:v47+s23+$0x0] =	vst.idx.msk $0xffff, v40;
	v40 =	vld.idx.msk [tilespmem:v46+s4+$0x0], $0xffff;
	v46 =	vmovc v21  }
0x133: {  	v21 =	vmovc v19;
	v13 =	vshll.u32 v55, $0x7;
	v47 =	vmov s29;
	s29 =	sadd.s32 $0x3, s30;
	[tilespmem:v44+s23+$0x0] =	vst.idx.msk $0xffff, v39;
	v39 =	vor.u32 v4, v24;
	v43 =	vld.idx.msk [tilespmem:v43+s4+$0x0], $0xffff  }
0x134: {  	v17 =	vshll.u32 v47, $0x7;
	v44 =	vmov s29;
	s29 =	sadd.s32 $0x4, s30;
	[tilespmem:v41+s23+$0x0] =	vst.idx.msk $0xffff, v35;
	v35 =	vld.idx.msk [tilespmem:v45+s4+$0x0], $0xffff;
	v41 =	vor.u32 v7, v11;
	v45 =	vmovc v18  }
0x135: {  	v18 =	vmovc v28;
	v23 =	vshll.u32 v44, $0x7;
	v57 =	vmov s29;
	v38 =	vld.idx.msk [tilespmem:v38+s4+$0x0], $0xffff;
	[tilespmem:v42+s23+$0x0] =	vst.idx.msk $0xffff, v36;
	v36 =	vor.u32 v6, v12  }
0x136: {  	v28 =	vor.u32 v4, v15;
	v19 =	vshll.u32 v57, $0x7;
	v33 =	vld.idx.msk [tilespmem:v33+s4+$0x0], $0xffff;
	[tilespmem:v29+s23+$0x0] =	vst.idx.msk $0xffff, v37;
	v37 =	vmov v10  }
0x137: {  	v29 =	vor.u32 v3, v19;
	v42 =	vld.idx.msk [tilespmem:v56+s4+$0x0], $0xffff;
	v56 =	vor.u32 v7, v45;
	[tilespmem:v51+s23+$0x0] =	vst.idx.msk $0xffff, v49  }
0x138: {  	v10 =	vmov v26;
	v26 =	vmov v20;
	v39 =	vld.idx.msk [tilespmem:v39+s4+$0x0], $0xffff;
	[tilespmem:v48+s23+$0x0] =	vst.idx.msk $0xffff, v40;
	v40 =	vor.u32 v7, v20  }
0x139: {  	v48 =	vor.u32 v4, v21;
	[tilespmem:v30+s23+$0x0] =	vst.idx.msk $0xffff, v43;
	v30 =	vor.u32 v7, v37;
	v41 =	vld.idx.msk [tilespmem:v41+s4+$0x0], $0xffff  }
0x13a: {  	v20 =	vmov v27;
	v27 =	vmov v11;
	v43 =	vld.idx.msk [tilespmem:v55+s20+$0x0], $0xffff;
	[tilespmem:v36+s23+$0x0] =	vst.idx.msk $0xffff, v35;
	v35 =	vor.u32 v7, v52  }
0x13b: {  	v11 =	vmov v25;
	v36 =	vld.idx.msk [tilespmem:v44+s20+$0x0], $0xffff;
	[tilespmem:v28+s23+$0x0] =	vst.idx.msk $0xffff, v38  }
0x13c: {  	v25 =	vor.u32 v3, v9;
	v38 =	vor.u32 v8, v22;
	v22 =	vmov v24;
	v28 =	vld.idx.msk [tilespmem:v56+s4+$0x0], $0xffff  }
0x13d: {  	v24 =	vor.u32 v7, v16;
	v44 =	vor.u32 v8, v12;
	v40 =	vld.idx.msk [tilespmem:v40+s4+$0x0], $0xffff  }
0x13e: {  	[tilespmem:v48+s23+$0x0] =	vst.idx.msk $0xffff, v39;
	v39 =	vor.u32 v8, v45;
	v30 =	vld.idx.msk [tilespmem:v30+s4+$0x0], $0xffff;
	v45 =	vor.u32 v7, v53  }
0x13f: {  	v26 =	vor.u32 v8, v26;
	v12 =	vor.u32 v7, v12;
	v48 =	vld.idx.msk [tilespmem:v50+s20+$0x0], $0xffff;
	[tilespmem:v35+s23+$0x0] =	vst.idx.msk $0xffff, v41  }
0x140: {  	v49 =	vor.u32 v4, v11;
	v37 =	vor.u32 v8, v37;
	v41 =	vor.u32 v2, v34;
	v35 =	vld.idx.msk [tilespmem:v57+s20+$0x0], $0xffff  }
0x141: {  	v27 =	vor.u32 v8, v27;
	[tilespmem:v25+s23+$0x0] =	vst.idx.msk $0xffff, v42;
	v25 =	vor.u32 v2, v14;
	v38 =	vld.idx.msk [tilespmem:v38+s4+$0x0], $0xffff  }
0x142: {  	v46 =	vor.u32 v8, v46;
	v42 =	vld.idx.msk [tilespmem:v47+s20+$0x0], $0xffff;
	[tilespmem:v24+s23+$0x0] =	vst.idx.msk $0xffff, v28;
	v47 =	vor.u32 v8, v52  }
0x143: {  	v51 =	vor.u32 v8, v16;
	v50 =	vor.u32 v5, v22;
	v39 =	vld.idx.msk [tilespmem:v39+s4+$0x0], $0xffff;
	[tilespmem:v45+s23+$0x0] =	vst.idx.msk $0xffff, v40  }
0x144: {  	v52 =	vor.u32 v8, v53;
	v40 =	vor.u32 v5, v18;
	[tilespmem:v12+s23+$0x0] =	vst.idx.msk $0xffff, v30;
	v45 =	vld.idx.msk [tilespmem:v26+s4+$0x0], $0xffff  }
0x145: {  	v16 =	vmov v15;
	v28 =	vshll.u32 v48, $0x7;
	[tilespmem:v41+s23+$0x0] =	vst.idx.msk $0xffff, v32;
	v32 =	vld.idx.msk [tilespmem:v49+s4+$0x0], $0xffff;
	v41 =	vor.u32 v4, v9  }
0x146: {  	v26 =	vshll.u32 v43, $0x7;
	v24 =	vshll.u32 v35, $0x7;
	v35 =	vor.u32 v3, v10;
	[tilespmem:v25+s23+$0x0] =	vst.idx.msk $0xffff, v33;
	v33 =	vld.idx.msk [tilespmem:v27+s4+$0x0], $0xffff  }
0x147: {  	v15 =	vmov v54;
	v27 =	vshll.u32 v36, $0x7;
	v36 =	vor.u32 v5, v11;
	v37 =	vld.idx.msk [tilespmem:v37+s4+$0x0], $0xffff;
	[tilespmem:v46+s23+$0x0] =	vst.idx.msk $0xffff, v38  }
0x148: {  	v12 =	vmovc v34;
	v38 =	vor.u32 v0, v28;
	v25 =	vshll.u32 v42, $0x7;
	v42 =	vor.u32 v0, v27;
	v43 =	vld.idx.msk [tilespmem:v50+s4+$0x0], $0xffff  }
0x149: {  	v34 =	vor.u32 v0, v24;
	v46 =	vor.u32 v5, v21;
	v40 =	vld.idx.msk [tilespmem:v40+s4+$0x0], $0xffff;
	[tilespmem:v51+s23+$0x0] =	vst.idx.msk $0xffff, v39  }
0x14a: {  	v30 =	vor.u32 v6, v16;
	v39 =	vor.u32 v0, v25;
	v31 =	vld.idx.msk [tilespmem:v31+s4+$0x0], $0xffff;
	[tilespmem:v52+s23+$0x0] =	vst.idx.msk $0xffff, v45  }
0x14b: {  	v45 =	vor.u32 v0, v26;
	v35 =	vld.idx.msk [tilespmem:v35+s4+$0x0], $0xffff;
	[tilespmem:v41+s23+$0x0] =	vst.idx.msk $0xffff, v32;
	v32 =	vor.u32 v3, v14  }
0x14c: {  	v48 =	vor.u32 v4, v20;
	v41 =	vor.u32 v3, v12;
	v36 =	vld.idx.msk [tilespmem:v36+s4+$0x0], $0xffff;
	[tilespmem:v47+s23+$0x0] =	vst.idx.msk $0xffff, v33  }
0x14d: {  	v49 =	vor.u32 v5, v9;
	v47 =	vor.u32 v4, v10;
	v38 =	vld.idx.msk [tilespmem:v38+s4+$0x0], $0xffff;
	[tilespmem:v44+s23+$0x0] =	vst.idx.msk $0xffff, v37  }
0x14e: {  	v37 =	vor.u32 v0, v15;
	v44 =	vor.u32 v6, v11;
	v34 =	vld.idx.msk [tilespmem:v34+s4+$0x0], $0xffff;
	[tilespmem:v46+s23+$0x0] =	vst.idx.msk $0xffff, v43  }
0x14f: {  	v33 =	vor.u32 v2, v27;
	v43 =	vor.u32 v2, v28;
	v46 =	vor.u32 v0, v19;
	v39 =	vld.idx.msk [tilespmem:v39+s4+$0x0], $0xffff  }
0x150: {  	v50 =	vor.u32 v2, v24;
	v51 =	vor.u32 v5, v16;
	v45 =	vld.idx.msk [tilespmem:v45+s4+$0x0], $0xffff;
	[tilespmem:v32+s23+$0x0] =	vst.idx.msk $0xffff, v31  }
0x151: {  	v31 =	vor.u32 v0, v13;
	v32 =	vor.u32 v6, v22;
	[tilespmem:v41+s23+$0x0] =	vst.idx.msk $0xffff, v35;
	v35 =	vld.idx.msk [tilespmem:v48+s4+$0x0], $0xffff  }
0x152: {  	v41 =	vor.u32 v2, v26;
	v47 =	vld.idx.msk [tilespmem:v47+s4+$0x0], $0xffff;
	[tilespmem:v49+s23+$0x0] =	vst.idx.msk $0xffff, v36;
	v36 =	vor.u32 v4, v14  }
0x153: {  	[tilespmem:v37+s23+$0x0] =	vst.idx.msk $0xffff, v38;
	v37 =	vor.u32 v4, v12;
	v38 =	vld.idx.msk [tilespmem:v44+s4+$0x0], $0xffff;
	v44 =	vor.u32 v5, v20  }
0x154: {  	v49 =	vor.u32 v0, v17;
	v43 =	vld.idx.msk [tilespmem:v43+s4+$0x0], $0xffff;
	[tilespmem:v46+s23+$0x0] =	vst.idx.msk $0xffff, v34;
	v46 =	vor.u32 v5, v10  }
0x155: {  	v53 =	vor.u32 v2, v25;
	v52 =	vor.u32 v2, v15;
	v50 =	vld.idx.msk [tilespmem:v50+s4+$0x0], $0xffff;
	[tilespmem:v51+s23+$0x0] =	vst.idx.msk $0xffff, v40  }
0x156: {  	v51 =	vor.u32 v3, v28;
	[tilespmem:v31+s23+$0x0] =	vst.idx.msk $0xffff, v45;
	v45 =	vor.u32 v6, v9;
	v54 =	vld.idx.msk [tilespmem:v32+s4+$0x0], $0xffff  }
0x157: {  	v55 =	vor.u32 v2, v19;
	v34 =	vor.u32 v5, v14;
	v32 =	vld.idx.msk [tilespmem:v41+s4+$0x0], $0xffff;
	[tilespmem:v36+s23+$0x0] =	vst.idx.msk $0xffff, v35  }
0x158: {  	v57 =	vor.u32 v6, v21;
	v56 =	vor.u32 v3, v24;
	[tilespmem:v37+s23+$0x0] =	vst.idx.msk $0xffff, v47;
	v48 =	vld.idx.msk [tilespmem:v44+s4+$0x0], $0xffff  }
.Ltmp1:
0x159: {  	v31 =	vor.u32 v3, v27;
	[tilespmem:v49+s23+$0x0] =	vst.idx.msk $0xffff, v39;
	v40 =	vld.idx.msk [tilespmem:v46+s4+$0x0], $0xffff;
	v49 =	vor.u32 v7, v22;
	(pc) =	sbr.rel @p0 .LBB2_4-.Ltmp1, $4  }
0x15a: {  	v47 =	vor.u32 v5, v12;
	v46 =	vor.u32 v6, v20;
	[tilespmem:v52+s23+$0x0] =	vst.idx.msk $0xffff, v43;
	v39 =	vld.idx.msk [tilespmem:v53+s4+$0x0], $0xffff  }
0x15b: {  	v44 =	vor.u32 v2, v17;
	v43 =	vor.u32 v6, v18;
	v35 =	vld.idx.msk [tilespmem:v51+s4+$0x0], $0xffff;
	[tilespmem:v45+s23+$0x0] =	vst.idx.msk $0xffff, v38  }
0x15c: {  	v41 =	vor.u32 v3, v15;
	v45 =	vor.u32 v6, v10;
	v36 =	vld.idx.msk [tilespmem:v42+s4+$0x0], $0xffff;
	[tilespmem:v55+s23+$0x0] =	vst.idx.msk $0xffff, v50  }
0x15d: {  	v38 =	vor.u32 v4, v28;
	v42 =	vor.u32 v0, v23;
	v37 =	vld.idx.msk [tilespmem:v56+s4+$0x0], $0xffff;
	[tilespmem:v57+s23+$0x0] =	vst.idx.msk $0xffff, v54  }
0x15e: {  	_ =	sdelay $0x3  }
0x15f: {  	[tilespmem:v34+s23+$0x0] =	vst.idx.msk $0xffff, v48  }
0x160: {  	v56 =	vld.idx.msk [tilespmem:v49+s4+$0x0], $0xffff;
	v57 =	vor.u32 v7, v21;
	[tilespmem:v47+s23+$0x0] =	vst.idx.msk $0xffff, v40  }
0x161: {  	v43 =	vld.idx.msk [tilespmem:v43+s4+$0x0], $0xffff;
	[tilespmem:v44+s23+$0x0] =	vst.idx.msk $0xffff, v39  }
0x162: {  	v59 =	vor.u32 v4, v24;
	v53 =	vor.u32 v2, v13;
	[tilespmem:v41+s23+$0x0] =	vst.idx.msk $0xffff, v35  }
0x163: {  	v58 =	vor.u32 v6, v14;
	v61 =	vor.u32 v7, v11;
	v46 =	vld.idx.msk [tilespmem:v46+s4+$0x0], $0xffff;
	[tilespmem:v42+s23+$0x0] =	vst.idx.msk $0xffff, v36  }
0x164: {  	v62 =	vor.u32 v6, v12;
	v63 =	vor.u32 v3, v25;
	v60 =	vld.idx.msk [tilespmem:v45+s4+$0x0], $0xffff;
	[tilespmem:v29+s23+$0x0] =	vst.idx.msk $0xffff, v37  }
0x165: {  	v51 =	vor.u32 v4, v15;
	v52 =	vor.u32 v7, v18;
	v50 =	vld.idx.msk [tilespmem:v38+s4+$0x0], $0xffff;
	[tilespmem:v57+s23+$0x0] =	vst.idx.msk $0xffff, v56  }
0x166: {  	v49 =	vor.u32 v2, v23;
	v55 =	vor.u32 v3, v26;
	v33 =	vld.idx.msk [tilespmem:v33+s4+$0x0], $0xffff;
	[tilespmem:v30+s23+$0x0] =	vst.idx.msk $0xffff, v43  }
0x167: {  	v54 =	vor.u32 v4, v19;
	v22 =	vor.u32 v8, v22;
	v39 =	vld.idx.msk [tilespmem:v59+s4+$0x0], $0xffff;
	[tilespmem:v53+s23+$0x0] =	vst.idx.msk $0xffff, v32  }
0x168: {  	v41 =	vld.idx.msk [tilespmem:v61+s4+$0x0], $0xffff;
	v57 =	vor.u32 v7, v9;
	[tilespmem:v58+s23+$0x0] =	vst.idx.msk $0xffff, v46  }
0x169: {  	v56 =	vor.u32 v7, v20;
	[tilespmem:v62+s23+$0x0] =	vst.idx.msk $0xffff, v60;
	v58 =	vld.idx.msk [tilespmem:v63+s4+$0x0], $0xffff;
	v60 =	vor.u32 v3, v17  }
0x16a: {  	v59 =	vor.u32 v7, v10;
	v62 =	vld.idx.msk [tilespmem:v52+s4+$0x0], $0xffff;
	v63 =	vor.u32 v7, v16;
	[tilespmem:v51+s23+$0x0] =	vst.idx.msk $0xffff, v50  }
0x16b: {  	v48 =	vor.u32 v3, v13;
	v11 =	vor.u32 v8, v11;
	v30 =	vld.idx.msk [tilespmem:v55+s4+$0x0], $0xffff;
	[tilespmem:v49+s23+$0x0] =	vst.idx.msk $0xffff, v33  }
0x16c: {  	v47 =	vor.u32 v4, v25;
	v22 =	vld.idx.msk [tilespmem:v22+s4+$0x0], $0xffff;
	v55 =	vor.u32 v8, v21;
	[tilespmem:v54+s23+$0x0] =	vst.idx.msk $0xffff, v39  }
0x16d: {  	v61 =	vor.u32 v3, v23;
	v51 =	vor.u32 v4, v26;
	v29 =	vld.idx.msk [tilespmem:v31+s4+$0x0], $0xffff;
	[tilespmem:v57+s23+$0x0] =	vst.idx.msk $0xffff, v41  }
0x16e: {  	v46 =	vor.u32 v4, v27;
	v50 =	vor.u32 v7, v14;
	v49 =	vld.idx.msk [tilespmem:v56+s4+$0x0], $0xffff;
	[tilespmem:v60+s23+$0x0] =	vst.idx.msk $0xffff, v58  }
0x16f: {  	v52 =	vor.u32 v8, v18;
	v53 =	vld.idx.msk [tilespmem:v59+s4+$0x0], $0xffff;
	v54 =	vor.u32 v7, v12;
	[tilespmem:v63+s23+$0x0] =	vst.idx.msk $0xffff, v62  }
0x170: {  	v9 =	vor.u32 v8, v9;
	v56 =	vor.u32 v5, v24;
	[tilespmem:v48+s23+$0x0] =	vst.idx.msk $0xffff, v30;
	v11 =	vld.idx.msk [tilespmem:v11+s4+$0x0], $0xffff  }
0x171: {  	v57 =	vor.u32 v5, v28;
	v60 =	vor.u32 v4, v17;
	[tilespmem:v55+s23+$0x0] =	vst.idx.msk $0xffff, v22;
	v59 =	vld.idx.msk [tilespmem:v47+s4+$0x0], $0xffff  }
0x172: {  	v62 =	vor.u32 v5, v25;
	v63 =	vor.u32 v4, v13;
	v35 =	vld.idx.msk [tilespmem:v51+s4+$0x0], $0xffff;
	[tilespmem:v61+s23+$0x0] =	vst.idx.msk $0xffff, v29  }
0x173: {  	v45 =	vor.u32 v5, v26;
	v58 =	vor.u32 v4, v23;
	[tilespmem:v50+s23+$0x0] =	vst.idx.msk $0xffff, v49;
	v31 =	vld.idx.msk [tilespmem:v46+s4+$0x0], $0xffff  }
0x174: {  	v44 =	vor.u32 v8, v16;
	v18 =	vld.idx.msk [tilespmem:v52+s4+$0x0], $0xffff;
	v61 =	vor.u32 v5, v27;
	[tilespmem:v54+s23+$0x0] =	vst.idx.msk $0xffff, v53  }
0x175: {  	v48 =	vor.u32 v5, v19;
	v47 =	vld.idx.msk [tilespmem:v56+s4+$0x0], $0xffff;
	v46 =	vor.u32 v8, v20;
	[tilespmem:v9+s23+$0x0] =	vst.idx.msk $0xffff, v11  }
0x176: {  	v29 =	vld.idx.msk [tilespmem:v57+s4+$0x0], $0xffff;
	v49 =	vor.u32 v5, v15;
	v50 =	vor.u32 v6, v24;
	[tilespmem:v60+s23+$0x0] =	vst.idx.msk $0xffff, v59  }
0x177: {  	v52 =	vor.u32 v6, v28;
	v53 =	vor.u32 v5, v17;
	v33 =	vld.idx.msk [tilespmem:v62+s4+$0x0], $0xffff;
	[tilespmem:v63+s23+$0x0] =	vst.idx.msk $0xffff, v35  }
0x178: {  	v55 =	vor.u32 v6, v25;
	v57 =	vor.u32 v5, v13;
	v56 =	vld.idx.msk [tilespmem:v45+s4+$0x0], $0xffff;
	[tilespmem:v58+s23+$0x0] =	vst.idx.msk $0xffff, v31  }
0x179: {  	v51 =	vor.u32 v5, v23;
	[tilespmem:v44+s23+$0x0] =	vst.idx.msk $0xffff, v18;
	v59 =	vor.u32 v6, v26;
	v30 =	vld.idx.msk [tilespmem:v61+s4+$0x0], $0xffff  }
0x17a: {  	v54 =	vor.u32 v6, v27;
	[tilespmem:v48+s23+$0x0] =	vst.idx.msk $0xffff, v47;
	v20 =	vld.idx.msk [tilespmem:v46+s4+$0x0], $0xffff;
	v58 =	vor.u32 v8, v14  }
0x17b: {  	v10 =	vor.u32 v8, v10;
	v60 =	vor.u32 v6, v19;
	[tilespmem:v49+s23+$0x0] =	vst.idx.msk $0xffff, v29;
	v22 =	vld.idx.msk [tilespmem:v50+s4+$0x0], $0xffff  }
0x17c: {  	v62 =	vor.u32 v7, v24;
	v63 =	vld.idx.msk [tilespmem:v52+s4+$0x0], $0xffff;
	v61 =	vor.u32 v6, v15;
	[tilespmem:v53+s23+$0x0] =	vst.idx.msk $0xffff, v33  }
0x17d: {  	v42 =	vor.u32 v6, v17;
	v41 =	vor.u32 v7, v28;
	v16 =	vld.idx.msk [tilespmem:v55+s4+$0x0], $0xffff;
	[tilespmem:v57+s23+$0x0] =	vst.idx.msk $0xffff, v56  }
0x17e: {  	v45 =	vor.u32 v7, v25;
	v46 =	vor.u32 v6, v13;
	v44 =	vld.idx.msk [tilespmem:v59+s4+$0x0], $0xffff;
	[tilespmem:v51+s23+$0x0] =	vst.idx.msk $0xffff, v30  }
0x17f: {  	v39 =	vor.u32 v6, v23;
	v47 =	vor.u32 v7, v26;
	[tilespmem:v58+s23+$0x0] =	vst.idx.msk $0xffff, v20;
	v40 =	vld.idx.msk [tilespmem:v54+s4+$0x0], $0xffff  }
0x180: {  	v43 =	vor.u32 v7, v27;
	v10 =	vld.idx.msk [tilespmem:v10+s4+$0x0], $0xffff;
	v57 =	vor.u32 v8, v12;
	[tilespmem:v60+s23+$0x0] =	vst.idx.msk $0xffff, v22  }
0x181: {  	v48 =	vor.u32 v7, v19;
	v29 =	vld.idx.msk [tilespmem:v62+s4+$0x0], $0xffff;
	[tilespmem:v61+s23+$0x0] =	vst.idx.msk $0xffff, v63  }
0x182: {  	v49 =	vor.u32 v8, v24;
	v50 =	vor.u32 v7, v15;
	v30 =	vld.idx.msk [tilespmem:v41+s4+$0x0], $0xffff;
	[tilespmem:v42+s23+$0x0] =	vst.idx.msk $0xffff, v16  }
0x183: {  	v52 =	vor.u32 v8, v28;
	v54 =	vor.u32 v7, v17;
	v20 =	vld.idx.msk [tilespmem:v45+s4+$0x0], $0xffff;
	[tilespmem:v46+s23+$0x0] =	vst.idx.msk $0xffff, v44  }
0x184: {  	v11 =	vor.u32 v7, v13;
	v56 =	vor.u32 v8, v25;
	v9 =	vld.idx.msk [tilespmem:v47+s4+$0x0], $0xffff;
	[tilespmem:v39+s23+$0x0] =	vst.idx.msk $0xffff, v40  }
0x185: {  	v53 =	vor.u32 v7, v23;
	v58 =	vor.u32 v8, v26;
	[tilespmem:v57+s23+$0x0] =	vst.idx.msk $0xffff, v10;
	v51 =	vld.idx.msk [tilespmem:v43+s4+$0x0], $0xffff  }
0x186: {  	v55 =	vor.u32 v8, v27;
	[tilespmem:v48+s23+$0x0] =	vst.idx.msk $0xffff, v29  }
0x187: {  	v59 =	vor.u32 v8, v19;
	v24 =	vld.idx.msk [tilespmem:v49+s4+$0x0], $0xffff;
	[tilespmem:v50+s23+$0x0] =	vst.idx.msk $0xffff, v30  }
0x188: {  	v60 =	vor.u32 v8, v15;
	v18 =	vld.idx.msk [tilespmem:v52+s4+$0x0], $0xffff;
	[tilespmem:v54+s23+$0x0] =	vst.idx.msk $0xffff, v20  }
0x189: {  	v63 =	vor.u32 v8, v17;
	[tilespmem:v11+s23+$0x0] =	vst.idx.msk $0xffff, v9;
	v9 =	vld.idx.msk [tilespmem:v56+s4+$0x0], $0xffff  }
0x18a: {  	v10 =	vor.u32 v8, v13;
	v11 =	vld.idx.msk [tilespmem:v58+s4+$0x0], $0xffff;
	[tilespmem:v53+s23+$0x0] =	vst.idx.msk $0xffff, v51  }
0x18b: {  	v62 =	vor.u32 v8, v23;
	v61 =	vld.idx.msk [tilespmem:v55+s4+$0x0], $0xffff  }
0x18c: {  	[tilespmem:v59+s23+$0x0] =	vst.idx.msk $0xffff, v24  }
0x18d: {  	[tilespmem:v60+s23+$0x0] =	vst.idx.msk $0xffff, v18  }
0x18e: {  	[tilespmem:v63+s23+$0x0] =	vst.idx.msk $0xffff, v9  }
0x18f: {  	[tilespmem:v10+s23+$0x0] =	vst.idx.msk $0xffff, v11  }
0x190: {  	[tilespmem:v62+s23+$0x0] =	vst.idx.msk $0xffff, v61  }
0x191: {  	[hbm4b:s11+s4] =	stream.linear.scatter [tilespmem:s23], [sflag:$0x4], $0x6400, $0x38;
	[tilespmem:$0x1CB00] =	vst v63  }
0x192: {  	s28 =	simm.s32 $0x1  }
0x193: {  	[tilespmem:s18], [sflag:$0x2] =	stream.linear.gather [hbm4b:s12+s4], $0xC8, $0x38;
	[tilespmem:$0x1CB00] =	vst v63  }
.LBB2_6:
0x194: {  	_ =	swait.ge [sflag:s19], $0xC8  }
0x195: {  	[sflag:s19] =	ssyncset.done $0x0  }
0x196: {  	[sflag:s19] =	ssyncadd.s32 $0xFFFFFF38  }
0x197: {  	_ =	swait.ge [sflag:s24], $0x6400  }
0x198: {  	[sflag:s24] =	ssyncset.done $0x0  }
0x199: {  	[sflag:s24] =	ssyncadd.s32 $0xFFFF9C00  }
0x19a: {  	v9 =	vld [tilespmem:$0x10000]  }
0x19b: {  	v10 =	vld [tilespmem:$0x10010]  }
0x19c: {  	v12 =	vld [tilespmem:$0x10020]  }
0x19d: {  	v13 =	vld [tilespmem:$0x10030]  }
0x19e: {  	v14 =	vld [tilespmem:$0x10040]  }
0x19f: {  	v15 =	vld [tilespmem:$0x10050]  }
0x1a0: {  	v11 =	vperm.xlane v9, v1;
	_ =	sdelay $0x1  }
0x1a1: {  	v9 =	vsub.s32 v9, v11;
	v10 =	vsub.s32 v10, v11  }
0x1a2: {  	v12 =	vsub.s32 v12, v11;
	v13 =	vsub.s32 v13, v11;
	v14 =	vsub.s32 v14, v11  }
0x1a3: {  	v16 =	vld [tilespmem:$0x10060];
	v15 =	vsub.s32 v15, v11;
	vm0 =	vgt.s32 v9, $0x0;
	vm4 =	vgt.s32 v10, $0x0  }
0x1a4: {  	v17 =	vld [tilespmem:$0x10070];
	vm5 =	vgt.s32 v12, $0x0;
	vm6 =	vgt.s32 v13, $0x0;
	vm7 =	vgt.s32 v14, $0x0  }
0x1a5: {  	vm8 =	vgt.s32 v15, $0x0;
	v9 =	vnsel vm0, $0x0, v9;
	v10 =	vnsel vm4, $0x0, v10  }
0x1a6: {  	v18 =	vld [tilespmem:$0x10080];
	v12 =	vnsel vm5, $0x0, v12;
	v13 =	vnsel vm6, $0x0, v13;
	v9 =	vmin.u32 v9, $0x1FF  }
0x1a7: {  	v19 =	vld [tilespmem:$0x10090];
	v14 =	vnsel vm7, $0x0, v14;
	v10 =	vmin.u32 v10, $0x1FF;
	v12 =	vmin.u32 v12, $0x1FF;
	[tilespmem:$0x1CA00] =	vst v9  }
0x1a8: {  	v13 =	vmin.u32 v13, $0x1FF;
	v9 =	vmin.u32 v14, $0x1FF;
	v14 =	vsub.s32 v16, v11;
	v16 =	vld [tilespmem:$0x100A0];
	[tilespmem:$0x1CA10] =	vst v10  }
0x1a9: {  	v10 =	vnsel vm8, $0x0, v15;
	v15 =	vsub.s32 v17, v11;
	[tilespmem:$0x1CA20] =	vst v12;
	v17 =	vld [tilespmem:$0x100B8];
	vm9 =	vgt.s32 v14, $0x0  }
0x1aa: {  	[tilespmem:$0x1CA30] =	vst v13;
	v10 =	vmin.u32 v10, $0x1FF;
	vm10 =	vgt.s32 v15, $0x0;
	v12 =	vnsel vm9, $0x0, v14;
	v14 =	vld [tilespmem:$0x100B0]  }
0x1ab: {  	[tilespmem:$0x1CA40] =	vst v9;
	v13 =	vnsel vm10, $0x0, v15;
	v15 =	vsub.s32 v18, v11;
	v12 =	vmin.u32 v12, $0x1FF  }
0x1ac: {  	[tilespmem:$0x1CA50] =	vst v10;
	v9 =	vmin.u32 v13, $0x1FF;
	vm11 =	vgt.s32 v15, $0x0;
	v13 =	vsub.s32 v19, v11  }
0x1ad: {  	v10 =	vnsel vm11, $0x0, v15;
	vm12 =	vgt.s32 v13, $0x0;
	[tilespmem:$0x1CA60] =	vst v12;
	v15 =	vsub.s32 v16, v11  }
0x1ae: {  	[tilespmem:$0x1CA70] =	vst v9;
	v10 =	vmin.u32 v10, $0x1FF;
	v12 =	vnsel vm12, $0x0, v13;
	vm13 =	vgt.s32 v15, $0x0  }
0x1af: {  	s29 =	simm.s32 $0x0;
	v9 =	vmin.u32 v12, $0x1FF;
	[tilespmem:$0x1CA80] =	vst v10;
	v10 =	vsub.s32 v17, v11;
	v13 =	vsub.s32 v14, v11  }
0x1b0: {  	v12 =	vnsel vm13, $0x0, v15;
	v11 =	vmov s29;
	vm14 =	vgt.s32 v13, $0x0  }
0x1b1: {  	[tilespmem:$0x1CA90] =	vst v9;
	vm15 =	vgt.s32 v10, $0x0;
	v9 =	vmin.u32 v12, $0x1FF;
	v12 =	vnsel vm14, $0x0, v13  }
0x1b2: {  	v10 =	vnsel vm15, $0x0, v10;
	[tilespmem:$0x1CAA0] =	vst v9;
	v9 =	vmin.u32 v12, $0x1FF  }
0x1b3: {  	s29 =	simm.s32 $0x4;
	[tilespmem:$0x1CAB0] =	vst v9;
	v9 =	vmin.u32 v10, $0x1FF  }
0x1b4: {  	v10 =	vmov s29;
	[tilespmem:$0x1CAB8] =	vst v9  }
0x1b5: {  	v9 =	vld.idx.msk [tilespmem:v11+s20+$0x0], $0xffff  }
0x1b6: {  	s29 =	simm.s32 $0x2  }
0x1b7: {  	v12 =	vmov s29;
	s29 =	simm.s32 $0x1  }
0x1b8: {  	v14 =	vmov s29  }
0x1b9: {  	v13 =	vld.idx.msk [tilespmem:v10+s20+$0x0], $0xffff  }
0x1ba: {  	v18 =	vshll.u32 v9, $0x7  }
0x1bb: {  	s29 =	simm.s32 $0x3;
	v9 =	vor.u32 v0, v18  }
0x1bc: {  	v15 =	vmov s29;
	v17 =	vld.idx.msk [tilespmem:v12+s20+$0x0], $0xffff  }
0x1bd: {  	v19 =	vld.idx.msk [tilespmem:v14+s20+$0x0], $0xffff  }
0x1be: {  	v22 =	vshll.u32 v13, $0x7  }
0x1bf: {  	v16 =	vshll.u32 v11, $0x7;
	v13 =	vor.u32 v0, v22  }
0x1c0: {  	v20 =	vor.u32 v0, v16;
	v9 =	vld.idx.msk [tilespmem:v9+s4+$0x0], $0xffff  }
0x1c1: {  	v23 =	vor.u32 v2, v18;
	v24 =	vld.idx.msk [tilespmem:v15+s20+$0x0], $0xffff;
	v11 =	vshll.u32 v17, $0x7  }
0x1c2: {  	v21 =	vshll.u32 v10, $0x7;
	v17 =	vor.u32 v0, v11;
	v10 =	vshll.u32 v19, $0x7  }
0x1c3: {  	v19 =	vor.u32 v0, v10  }
0x1c4: {  	v25 =	vor.u32 v0, v21;
	v13 =	vld.idx.msk [tilespmem:v13+s4+$0x0], $0xffff  }
0x1c5: {  	v26 =	vor.u32 v2, v22;
	[tilespmem:v20+s21+$0x0] =	vst.idx.msk $0xffff, v9  }
0x1c6: {  	v27 =	vor.u32 v2, v16;
	v9 =	vshll.u32 v12, $0x7;
	v20 =	vshll.u32 v24, $0x7;
	v23 =	vld.idx.msk [tilespmem:v23+s4+$0x0], $0xffff  }
0x1c7: {  	v17 =	vld.idx.msk [tilespmem:v17+s4+$0x0], $0xffff;
	v24 =	vor.u32 v3, v18;
	v12 =	vshll.u32 v14, $0x7;
	v29 =	vor.u32 v0, v9  }
0x1c8: {  	v19 =	vld.idx.msk [tilespmem:v19+s4+$0x0], $0xffff;
	v28 =	vor.u32 v0, v20;
	v31 =	vor.u32 v0, v12  }
0x1c9: {  	v14 =	vshll.u32 v15, $0x7;
	v15 =	vor.u32 v2, v10;
	[tilespmem:v25+s21+$0x0] =	vst.idx.msk $0xffff, v13  }
0x1ca: {  	v13 =	vor.u32 v2, v11;
	v25 =	vld.idx.msk [tilespmem:v26+s4+$0x0], $0xffff;
	v26 =	vor.u32 v2, v21  }
0x1cb: {  	v30 =	vor.u32 v3, v22;
	[tilespmem:v27+s21+$0x0] =	vst.idx.msk $0xffff, v23  }
0x1cc: {  	[tilespmem:v29+s21+$0x0] =	vst.idx.msk $0xffff, v17;
	v23 =	vld.idx.msk [tilespmem:v24+s4+$0x0], $0xffff;
	v24 =	vor.u32 v3, v16  }
0x1cd: {  	v17 =	vld.idx.msk [tilespmem:v28+s4+$0x0], $0xffff;
	v27 =	vor.u32 v4, v18;
	v28 =	vor.u32 v0, v14;
	[tilespmem:v31+s21+$0x0] =	vst.idx.msk $0xffff, v19  }
0x1ce: {  	v43 =	vor.u32 v2, v12;
	v29 =	vor.u32 v2, v20;
	v31 =	vld.idx.msk [tilespmem:v15+s4+$0x0], $0xffff  }
0x1cf: {  	v44 =	vor.u32 v3, v10;
	v32 =	vor.u32 v2, v9;
	v13 =	vld.idx.msk [tilespmem:v13+s4+$0x0], $0xffff;
	[tilespmem:v26+s21+$0x0] =	vst.idx.msk $0xffff, v25  }
0x1d0: {  	s30 =	simm.s32 $0x5;
	v25 =	vor.u32 v3, v21;
	v26 =	vld.idx.msk [tilespmem:v30+s4+$0x0], $0xffff;
	v30 =	vor.u32 v3, v11  }
0x1d1: {  	v15 =	vmov s30;
	[tilespmem:v24+s21+$0x0] =	vst.idx.msk $0xffff, v23  }
0x1d2: {  	s29 =	simm.s32 $0x6;
	v19 =	vor.u32 v4, v22;
	[tilespmem:v28+s21+$0x0] =	vst.idx.msk $0xffff, v17;
	v23 =	vld.idx.msk [tilespmem:v27+s4+$0x0], $0xffff  }
0x1d3: {  	s31 =	simm.s32 $0x7;
	v33 =	vmov s29;
	v39 =	vor.u32 v2, v14;
	[tilespmem:v43+s21+$0x0] =	vst.idx.msk $0xffff, v31;
	v27 =	vld.idx.msk [tilespmem:v29+s4+$0x0], $0xffff  }
0x1d4: {  	s29 =	simm.s32 $0x9;
	v62 =	vor.u32 v3, v12;
	v17 =	vmov s31;
	[tilespmem:v32+s21+$0x0] =	vst.idx.msk $0xffff, v13;
	v60 =	vld.idx.msk [tilespmem:v44+s4+$0x0], $0xffff  }
0x1d5: {  	v24 =	vmov s29;
	v29 =	vor.u32 v3, v9;
	[tilespmem:v25+s21+$0x0] =	vst.idx.msk $0xffff, v26;
	v25 =	vld.idx.msk [tilespmem:v30+s4+$0x0], $0xffff  }
0x1d6: {  	v34 =	vor.u32 v4, v11;
	v36 =	vld.idx.msk [tilespmem:v15+s20+$0x0], $0xffff;
	v30 =	vor.u32 v4, v16  }
0x1d7: {  	v35 =	vor.u32 v4, v21;
	v37 =	vor.u32 v3, v20;
	v28 =	vld.idx.msk [tilespmem:v19+s4+$0x0], $0xffff  }
0x1d8: {  	v57 =	vor.u32 v5, v21;
	v51 =	vld.idx.msk [tilespmem:v33+s20+$0x0], $0xffff;
	v45 =	vor.u32 v4, v10;
	s29 =	simm.s32 $0x8;
	[tilespmem:v39+s21+$0x0] =	vst.idx.msk $0xffff, v27  }
0x1d9: {  	v41 =	vor.u32 v5, v18;
	v40 =	vor.u32 v5, v22;
	v26 =	vmov s29;
	v52 =	vld.idx.msk [tilespmem:v17+s20+$0x0], $0xffff;
	[tilespmem:v62+s21+$0x0] =	vst.idx.msk $0xffff, v60  }
0x1da: {  	v54 =	vor.u32 v5, v11;
	v49 =	vor.u32 v6, v11;
	v38 =	vld.idx.msk [tilespmem:v24+s20+$0x0], $0xffff;
	[tilespmem:v29+s21+$0x0] =	vst.idx.msk $0xffff, v25  }
0x1db: {  	v53 =	vor.u32 v4, v9;
	v61 =	vor.u32 v3, v14;
	[tilespmem:v30+s21+$0x0] =	vst.idx.msk $0xffff, v23;
	v30 =	vld.idx.msk [tilespmem:v34+s4+$0x0], $0xffff  }
0x1dc: {  	v63 =	vor.u32 v4, v20;
	v58 =	vld.idx.msk [tilespmem:v37+s4+$0x0], $0xffff;
	[tilespmem:v35+s21+$0x0] =	vst.idx.msk $0xffff, v28;
	v28 =	vshll.u32 v36, $0x7  }
0x1dd: {  	v46 =	vor.u32 v5, v9;
	v15 =	vshll.u32 v15, $0x7;
	v44 =	vld.idx.msk [tilespmem:v45+s4+$0x0], $0xffff;
	v36 =	vor.u32 v0, v28  }
0x1de: {  	v43 =	vor.u32 v6, v18;
	v13 =	vshll.u32 v33, $0x7;
	v42 =	vld.idx.msk [tilespmem:v26+s20+$0x0], $0xffff;
	v25 =	vshll.u32 v52, $0x7  }
0x1df: {  	v19 =	vshll.u32 v24, $0x7;
	v24 =	vshll.u32 v38, $0x7;
	v55 =	vld.idx.msk [tilespmem:v40+s4+$0x0], $0xffff;
	v31 =	vor.u32 v0, v25  }
0x1e0: {  	v23 =	vshll.u32 v26, $0x7;
	v26 =	vshll.u32 v51, $0x7;
	v39 =	vld.idx.msk [tilespmem:v41+s4+$0x0], $0xffff;
	v56 =	vor.u32 v0, v24;
	[tilespmem:v53+s21+$0x0] =	vst.idx.msk $0xffff, v30  }
0x1e1: {  	v47 =	vor.u32 v0, v15;
	v17 =	vshll.u32 v17, $0x7;
	v59 =	vor.u32 v0, v26;
	v35 =	vld.idx.msk [tilespmem:v54+s4+$0x0], $0xffff  }
0x1e2: {  	v60 =	vor.u32 v0, v17;
	v29 =	vor.u32 v3, v19;
	[tilespmem:v61+s21+$0x0] =	vst.idx.msk $0xffff, v58;
	v36 =	vld.idx.msk [tilespmem:v36+s4+$0x0], $0xffff  }
0x1e3: {  	v51 =	vor.u32 v5, v16;
	v52 =	vor.u32 v2, v15;
	v34 =	vld.idx.msk [tilespmem:v63+s4+$0x0], $0xffff;
	v54 =	vor.u32 v2, v28  }
0x1e4: {  	v41 =	vor.u32 v3, v15;
	[tilespmem:v57+s21+$0x0] =	vst.idx.msk $0xffff, v55;
	v31 =	vld.idx.msk [tilespmem:v31+s4+$0x0], $0xffff;
	v57 =	vor.u32 v6, v22  }
0x1e5: {  	v50 =	vor.u32 v2, v24;
	v53 =	vor.u32 v2, v25;
	v55 =	vor.u32 v0, v19;
	v48 =	vld.idx.msk [tilespmem:v56+s4+$0x0], $0xffff  }
0x1e6: {  	v58 =	vor.u32 v2, v26;
	v37 =	vld.idx.msk [tilespmem:v59+s4+$0x0], $0xffff;
	v56 =	vor.u32 v0, v13;
	[tilespmem:v46+s21+$0x0] =	vst.idx.msk $0xffff, v35  }
0x1e7: {  	v27 =	vshll.u32 v42, $0x7;
	v59 =	vor.u32 v4, v14;
	[tilespmem:v47+s21+$0x0] =	vst.idx.msk $0xffff, v36;
	v45 =	vld.idx.msk [tilespmem:v49+s4+$0x0], $0xffff  }
0x1e8: {  	[tilespmem:v51+s21+$0x0] =	vst.idx.msk $0xffff, v39;
	v36 =	vor.u32 v4, v12;
	v46 =	vor.u32 v5, v20;
	v38 =	vld.idx.msk [tilespmem:v54+s4+$0x0], $0xffff  }
0x1e9: {  	v62 =	vor.u32 v3, v28;
	v42 =	vor.u32 v0, v27;
	[tilespmem:v60+s21+$0x0] =	vst.idx.msk $0xffff, v31;
	v54 =	vld.idx.msk [tilespmem:v57+s4+$0x0], $0xffff  }
0x1ea: {  	v61 =	vor.u32 v5, v10;
	v63 =	vor.u32 v6, v9;
	[tilespmem:v55+s21+$0x0] =	vst.idx.msk $0xffff, v48;
	v39 =	vld.idx.msk [tilespmem:v53+s4+$0x0], $0xffff  }
0x1eb: {  	v30 =	vor.u32 v6, v16;
	[tilespmem:v56+s21+$0x0] =	vst.idx.msk $0xffff, v37;
	v55 =	vor.u32 v2, v19;
	v50 =	vld.idx.msk [tilespmem:v50+s4+$0x0], $0xffff  }
0x1ec: {  	[tilespmem:v59+s21+$0x0] =	vst.idx.msk $0xffff, v34;
	v56 =	vor.u32 v3, v24;
	v57 =	vor.u32 v6, v21;
	v32 =	vld.idx.msk [tilespmem:v58+s4+$0x0], $0xffff  }
0x1ed: {  	v33 =	vor.u32 v2, v27;
	v34 =	vor.u32 v5, v14;
	[tilespmem:v36+s21+$0x0] =	vst.idx.msk $0xffff, v44;
	v48 =	vld.idx.msk [tilespmem:v46+s4+$0x0], $0xffff  }
0x1ee: {  	v31 =	vor.u32 v3, v27;
	v49 =	vor.u32 v7, v22;
	v36 =	vld.idx.msk [tilespmem:v42+s4+$0x0], $0xffff;
	[tilespmem:v52+s21+$0x0] =	vst.idx.msk $0xffff, v38  }
0x1ef: {  	v47 =	vor.u32 v5, v12;
	v46 =	vor.u32 v6, v20;
	v40 =	vld.idx.msk [tilespmem:v61+s4+$0x0], $0xffff;
	[tilespmem:v63+s21+$0x0] =	vst.idx.msk $0xffff, v45  }
0x1f0: {  	v44 =	vor.u32 v2, v17;
	v42 =	vor.u32 v0, v23;
	v35 =	vld.idx.msk [tilespmem:v62+s4+$0x0], $0xffff;
	[tilespmem:v55+s21+$0x0] =	vst.idx.msk $0xffff, v50  }
0x1f1: {  	s29 =	simm.s32 $0xA;
	v45 =	vor.u32 v6, v10;
	v38 =	vor.u32 v4, v28;
	[tilespmem:v57+s21+$0x0] =	vst.idx.msk $0xffff, v54;
	v37 =	vld.idx.msk [tilespmem:v56+s4+$0x0], $0xffff  }
.LBB2_7:
0x1f2: {  	v50 =	vmov s29;
	s30 =	sadd.s32 $0x1, s29;
	[tilespmem:v34+s21+$0x0] =	vst.idx.msk $0xffff, v48;
	v48 =	vor.u32 v6, v14;
	v51 =	vor.u32 v7, v21  }
0x1f3: {  	p0 =	slt.u32 s29, $0xC3;
	v49 =	vld.idx.msk [tilespmem:v49+s4+$0x0], $0xffff;
	v34 =	vmovc v13;
	v52 =	vmovc v9;
	v9 =	vmov v17;
	v53 =	vmov v14;
	v14 =	vmov v23;
	s31 =	smov.u32 s29;
	s29 =	sadd.s32 $0x5, s29  }
0x1f4: {  	v56 =	vor.u32 v3, v25;
	v54 =	vshll.u32 v50, $0x7;
	v55 =	vmov s30;
	s30 =	sadd.s32 $0x2, s31;
	[tilespmem:v47+s21+$0x0] =	vst.idx.msk $0xffff, v40;
	v40 =	vld.idx.msk [tilespmem:v46+s4+$0x0], $0xffff;
	v46 =	vmovc v21  }
0x1f5: {  	v21 =	vmovc v19;
	v13 =	vshll.u32 v55, $0x7;
	v47 =	vmov s30;
	s30 =	sadd.s32 $0x3, s31;
	[tilespmem:v44+s21+$0x0] =	vst.idx.msk $0xffff, v39;
	v39 =	vor.u32 v4, v24;
	v43 =	vld.idx.msk [tilespmem:v43+s4+$0x0], $0xffff  }
0x1f6: {  	v17 =	vshll.u32 v47, $0x7;
	v44 =	vmov s30;
	s30 =	sadd.s32 $0x4, s31;
	[tilespmem:v41+s21+$0x0] =	vst.idx.msk $0xffff, v35;
	v35 =	vld.idx.msk [tilespmem:v45+s4+$0x0], $0xffff;
	v41 =	vor.u32 v7, v11;
	v45 =	vmovc v18  }
0x1f7: {  	v18 =	vmovc v28;
	v23 =	vshll.u32 v44, $0x7;
	v57 =	vmov s30;
	v38 =	vld.idx.msk [tilespmem:v38+s4+$0x0], $0xffff;
	[tilespmem:v42+s21+$0x0] =	vst.idx.msk $0xffff, v36;
	v36 =	vor.u32 v6, v12  }
0x1f8: {  	v28 =	vor.u32 v4, v15;
	v19 =	vshll.u32 v57, $0x7;
	v33 =	vld.idx.msk [tilespmem:v33+s4+$0x0], $0xffff;
	[tilespmem:v29+s21+$0x0] =	vst.idx.msk $0xffff, v37;
	v37 =	vmov v10  }
0x1f9: {  	v29 =	vor.u32 v3, v19;
	v42 =	vld.idx.msk [tilespmem:v56+s4+$0x0], $0xffff;
	v56 =	vor.u32 v7, v45;
	[tilespmem:v51+s21+$0x0] =	vst.idx.msk $0xffff, v49  }
0x1fa: {  	v10 =	vmov v26;
	v26 =	vmov v20;
	v39 =	vld.idx.msk [tilespmem:v39+s4+$0x0], $0xffff;
	[tilespmem:v48+s21+$0x0] =	vst.idx.msk $0xffff, v40;
	v40 =	vor.u32 v7, v20  }
0x1fb: {  	v48 =	vor.u32 v4, v21;
	[tilespmem:v30+s21+$0x0] =	vst.idx.msk $0xffff, v43;
	v30 =	vor.u32 v7, v37;
	v41 =	vld.idx.msk [tilespmem:v41+s4+$0x0], $0xffff  }
0x1fc: {  	v20 =	vmov v27;
	v27 =	vmov v11;
	v43 =	vld.idx.msk [tilespmem:v55+s20+$0x0], $0xffff;
	[tilespmem:v36+s21+$0x0] =	vst.idx.msk $0xffff, v35;
	v35 =	vor.u32 v7, v52  }
0x1fd: {  	v11 =	vmov v25;
	v36 =	vld.idx.msk [tilespmem:v44+s20+$0x0], $0xffff;
	[tilespmem:v28+s21+$0x0] =	vst.idx.msk $0xffff, v38  }
0x1fe: {  	v25 =	vor.u32 v3, v9;
	v38 =	vor.u32 v8, v22;
	v22 =	vmov v24;
	v28 =	vld.idx.msk [tilespmem:v56+s4+$0x0], $0xffff  }
0x1ff: {  	v24 =	vor.u32 v7, v16;
	v44 =	vor.u32 v8, v12;
	v40 =	vld.idx.msk [tilespmem:v40+s4+$0x0], $0xffff  }
0x200: {  	[tilespmem:v48+s21+$0x0] =	vst.idx.msk $0xffff, v39;
	v39 =	vor.u32 v8, v45;
	v30 =	vld.idx.msk [tilespmem:v30+s4+$0x0], $0xffff;
	v45 =	vor.u32 v7, v53  }
0x201: {  	v26 =	vor.u32 v8, v26;
	v12 =	vor.u32 v7, v12;
	v48 =	vld.idx.msk [tilespmem:v50+s20+$0x0], $0xffff;
	[tilespmem:v35+s21+$0x0] =	vst.idx.msk $0xffff, v41  }
0x202: {  	v49 =	vor.u32 v4, v11;
	v37 =	vor.u32 v8, v37;
	v41 =	vor.u32 v2, v34;
	v35 =	vld.idx.msk [tilespmem:v57+s20+$0x0], $0xffff  }
0x203: {  	v27 =	vor.u32 v8, v27;
	[tilespmem:v25+s21+$0x0] =	vst.idx.msk $0xffff, v42;
	v25 =	vor.u32 v2, v14;
	v38 =	vld.idx.msk [tilespmem:v38+s4+$0x0], $0xffff  }
0x204: {  	v46 =	vor.u32 v8, v46;
	v42 =	vld.idx.msk [tilespmem:v47+s20+$0x0], $0xffff;
	[tilespmem:v24+s21+$0x0] =	vst.idx.msk $0xffff, v28;
	v47 =	vor.u32 v8, v52  }
0x205: {  	v51 =	vor.u32 v8, v16;
	v50 =	vor.u32 v5, v22;
	v39 =	vld.idx.msk [tilespmem:v39+s4+$0x0], $0xffff;
	[tilespmem:v45+s21+$0x0] =	vst.idx.msk $0xffff, v40  }
0x206: {  	v52 =	vor.u32 v8, v53;
	v40 =	vor.u32 v5, v18;
	[tilespmem:v12+s21+$0x0] =	vst.idx.msk $0xffff, v30;
	v45 =	vld.idx.msk [tilespmem:v26+s4+$0x0], $0xffff  }
0x207: {  	v16 =	vmov v15;
	v28 =	vshll.u32 v48, $0x7;
	[tilespmem:v41+s21+$0x0] =	vst.idx.msk $0xffff, v32;
	v32 =	vld.idx.msk [tilespmem:v49+s4+$0x0], $0xffff;
	v41 =	vor.u32 v4, v9  }
0x208: {  	v26 =	vshll.u32 v43, $0x7;
	v24 =	vshll.u32 v35, $0x7;
	v35 =	vor.u32 v3, v10;
	[tilespmem:v25+s21+$0x0] =	vst.idx.msk $0xffff, v33;
	v33 =	vld.idx.msk [tilespmem:v27+s4+$0x0], $0xffff  }
0x209: {  	v15 =	vmov v54;
	v27 =	vshll.u32 v36, $0x7;
	v36 =	vor.u32 v5, v11;
	v37 =	vld.idx.msk [tilespmem:v37+s4+$0x0], $0xffff;
	[tilespmem:v46+s21+$0x0] =	vst.idx.msk $0xffff, v38  }
0x20a: {  	v12 =	vmovc v34;
	v38 =	vor.u32 v0, v28;
	v25 =	vshll.u32 v42, $0x7;
	v42 =	vor.u32 v0, v27;
	v43 =	vld.idx.msk [tilespmem:v50+s4+$0x0], $0xffff  }
0x20b: {  	v34 =	vor.u32 v0, v24;
	v46 =	vor.u32 v5, v21;
	v40 =	vld.idx.msk [tilespmem:v40+s4+$0x0], $0xffff;
	[tilespmem:v51+s21+$0x0] =	vst.idx.msk $0xffff, v39  }
0x20c: {  	v30 =	vor.u32 v6, v16;
	v39 =	vor.u32 v0, v25;
	v31 =	vld.idx.msk [tilespmem:v31+s4+$0x0], $0xffff;
	[tilespmem:v52+s21+$0x0] =	vst.idx.msk $0xffff, v45  }
0x20d: {  	v45 =	vor.u32 v0, v26;
	v35 =	vld.idx.msk [tilespmem:v35+s4+$0x0], $0xffff;
	[tilespmem:v41+s21+$0x0] =	vst.idx.msk $0xffff, v32;
	v32 =	vor.u32 v3, v14  }
0x20e: {  	v48 =	vor.u32 v4, v20;
	v41 =	vor.u32 v3, v12;
	v36 =	vld.idx.msk [tilespmem:v36+s4+$0x0], $0xffff;
	[tilespmem:v47+s21+$0x0] =	vst.idx.msk $0xffff, v33  }
0x20f: {  	v49 =	vor.u32 v5, v9;
	v47 =	vor.u32 v4, v10;
	v38 =	vld.idx.msk [tilespmem:v38+s4+$0x0], $0xffff;
	[tilespmem:v44+s21+$0x0] =	vst.idx.msk $0xffff, v37  }
0x210: {  	v37 =	vor.u32 v0, v15;
	v44 =	vor.u32 v6, v11;
	v34 =	vld.idx.msk [tilespmem:v34+s4+$0x0], $0xffff;
	[tilespmem:v46+s21+$0x0] =	vst.idx.msk $0xffff, v43  }
0x211: {  	v33 =	vor.u32 v2, v27;
	v43 =	vor.u32 v2, v28;
	v46 =	vor.u32 v0, v19;
	v39 =	vld.idx.msk [tilespmem:v39+s4+$0x0], $0xffff  }
0x212: {  	v50 =	vor.u32 v2, v24;
	v51 =	vor.u32 v5, v16;
	v45 =	vld.idx.msk [tilespmem:v45+s4+$0x0], $0xffff;
	[tilespmem:v32+s21+$0x0] =	vst.idx.msk $0xffff, v31  }
0x213: {  	v31 =	vor.u32 v0, v13;
	v32 =	vor.u32 v6, v22;
	[tilespmem:v41+s21+$0x0] =	vst.idx.msk $0xffff, v35;
	v35 =	vld.idx.msk [tilespmem:v48+s4+$0x0], $0xffff  }
0x214: {  	v41 =	vor.u32 v2, v26;
	v47 =	vld.idx.msk [tilespmem:v47+s4+$0x0], $0xffff;
	[tilespmem:v49+s21+$0x0] =	vst.idx.msk $0xffff, v36;
	v36 =	vor.u32 v4, v14  }
0x215: {  	[tilespmem:v37+s21+$0x0] =	vst.idx.msk $0xffff, v38;
	v37 =	vor.u32 v4, v12;
	v38 =	vld.idx.msk [tilespmem:v44+s4+$0x0], $0xffff;
	v44 =	vor.u32 v5, v20  }
0x216: {  	v49 =	vor.u32 v0, v17;
	v43 =	vld.idx.msk [tilespmem:v43+s4+$0x0], $0xffff;
	[tilespmem:v46+s21+$0x0] =	vst.idx.msk $0xffff, v34;
	v46 =	vor.u32 v5, v10  }
0x217: {  	v53 =	vor.u32 v2, v25;
	v52 =	vor.u32 v2, v15;
	v50 =	vld.idx.msk [tilespmem:v50+s4+$0x0], $0xffff;
	[tilespmem:v51+s21+$0x0] =	vst.idx.msk $0xffff, v40  }
0x218: {  	v51 =	vor.u32 v3, v28;
	[tilespmem:v31+s21+$0x0] =	vst.idx.msk $0xffff, v45;
	v45 =	vor.u32 v6, v9;
	v54 =	vld.idx.msk [tilespmem:v32+s4+$0x0], $0xffff  }
0x219: {  	v55 =	vor.u32 v2, v19;
	v34 =	vor.u32 v5, v14;
	v32 =	vld.idx.msk [tilespmem:v41+s4+$0x0], $0xffff;
	[tilespmem:v36+s21+$0x0] =	vst.idx.msk $0xffff, v35  }
0x21a: {  	v57 =	vor.u32 v6, v21;
	v56 =	vor.u32 v3, v24;
	[tilespmem:v37+s21+$0x0] =	vst.idx.msk $0xffff, v47;
	v48 =	vld.idx.msk [tilespmem:v44+s4+$0x0], $0xffff  }
.Ltmp2:
0x21b: {  	v31 =	vor.u32 v3, v27;
	[tilespmem:v49+s21+$0x0] =	vst.idx.msk $0xffff, v39;
	v40 =	vld.idx.msk [tilespmem:v46+s4+$0x0], $0xffff;
	v49 =	vor.u32 v7, v22;
	(pc) =	sbr.rel @p0 .LBB2_7-.Ltmp2, $4  }
0x21c: {  	v47 =	vor.u32 v5, v12;
	v46 =	vor.u32 v6, v20;
	[tilespmem:v52+s21+$0x0] =	vst.idx.msk $0xffff, v43;
	v39 =	vld.idx.msk [tilespmem:v53+s4+$0x0], $0xffff  }
0x21d: {  	v44 =	vor.u32 v2, v17;
	v43 =	vor.u32 v6, v18;
	v35 =	vld.idx.msk [tilespmem:v51+s4+$0x0], $0xffff;
	[tilespmem:v45+s21+$0x0] =	vst.idx.msk $0xffff, v38  }
0x21e: {  	v41 =	vor.u32 v3, v15;
	v45 =	vor.u32 v6, v10;
	v36 =	vld.idx.msk [tilespmem:v42+s4+$0x0], $0xffff;
	[tilespmem:v55+s21+$0x0] =	vst.idx.msk $0xffff, v50  }
0x21f: {  	v38 =	vor.u32 v4, v28;
	v42 =	vor.u32 v0, v23;
	v37 =	vld.idx.msk [tilespmem:v56+s4+$0x0], $0xffff;
	[tilespmem:v57+s21+$0x0] =	vst.idx.msk $0xffff, v54  }
0x220: {  	_ =	sdelay $0x3  }
0x221: {  	[tilespmem:v34+s21+$0x0] =	vst.idx.msk $0xffff, v48  }
0x222: {  	v61 =	vld.idx.msk [tilespmem:v49+s4+$0x0], $0xffff;
	v62 =	vor.u32 v7, v21;
	[tilespmem:v47+s21+$0x0] =	vst.idx.msk $0xffff, v40  }
0x223: {  	v43 =	vld.idx.msk [tilespmem:v43+s4+$0x0], $0xffff;
	[tilespmem:v44+s21+$0x0] =	vst.idx.msk $0xffff, v39  }
0x224: {  	v47 =	vor.u32 v4, v24;
	v56 =	vor.u32 v2, v13;
	[tilespmem:v41+s21+$0x0] =	vst.idx.msk $0xffff, v35  }
0x225: {  	v63 =	vor.u32 v6, v14;
	v50 =	vor.u32 v7, v11;
	v46 =	vld.idx.msk [tilespmem:v46+s4+$0x0], $0xffff;
	[tilespmem:v42+s21+$0x0] =	vst.idx.msk $0xffff, v36  }
0x226: {  	v52 =	vor.u32 v3, v25;
	v33 =	vld.idx.msk [tilespmem:v33+s4+$0x0], $0xffff;
	[tilespmem:v29+s21+$0x0] =	vst.idx.msk $0xffff, v37;
	v29 =	vor.u32 v2, v23  }
0x227: {  	v51 =	vor.u32 v6, v12;
	v49 =	vld.idx.msk [tilespmem:v45+s4+$0x0], $0xffff;
	[tilespmem:v62+s21+$0x0] =	vst.idx.msk $0xffff, v61  }
0x228: {  	v54 =	vor.u32 v4, v15;
	v55 =	vor.u32 v7, v18;
	v53 =	vld.idx.msk [tilespmem:v38+s4+$0x0], $0xffff;
	[tilespmem:v30+s21+$0x0] =	vst.idx.msk $0xffff, v43  }
0x229: {  	v57 =	vor.u32 v4, v19;
	v39 =	vld.idx.msk [tilespmem:v47+s4+$0x0], $0xffff;
	v30 =	vor.u32 v3, v26;
	[tilespmem:v56+s21+$0x0] =	vst.idx.msk $0xffff, v32  }
0x22a: {  	v59 =	vor.u32 v7, v9;
	v22 =	vor.u32 v8, v22;
	v41 =	vld.idx.msk [tilespmem:v50+s4+$0x0], $0xffff;
	[tilespmem:v63+s21+$0x0] =	vst.idx.msk $0xffff, v46  }
0x22b: {  	v58 =	vor.u32 v7, v20;
	v60 =	vld.idx.msk [tilespmem:v52+s4+$0x0], $0xffff;
	v62 =	vor.u32 v3, v17;
	[tilespmem:v29+s21+$0x0] =	vst.idx.msk $0xffff, v33  }
0x22c: {  	v61 =	vor.u32 v7, v10;
	[tilespmem:v51+s21+$0x0] =	vst.idx.msk $0xffff, v49;
	v29 =	vld.idx.msk [tilespmem:v31+s4+$0x0], $0xffff;
	v31 =	vor.u32 v3, v23  }
0x22d: {  	v47 =	vor.u32 v4, v27;
	v63 =	vld.idx.msk [tilespmem:v55+s4+$0x0], $0xffff;
	v46 =	vor.u32 v7, v16;
	[tilespmem:v54+s21+$0x0] =	vst.idx.msk $0xffff, v53  }
0x22e: {  	v48 =	vor.u32 v4, v25;
	v49 =	vor.u32 v3, v13;
	[tilespmem:v57+s21+$0x0] =	vst.idx.msk $0xffff, v39;
	v30 =	vld.idx.msk [tilespmem:v30+s4+$0x0], $0xffff  }
0x22f: {  	v21 =	vor.u32 v8, v21;
	v52 =	vor.u32 v4, v26;
	v22 =	vld.idx.msk [tilespmem:v22+s4+$0x0], $0xffff;
	[tilespmem:v59+s21+$0x0] =	vst.idx.msk $0xffff, v41  }
0x230: {  	v18 =	vor.u32 v8, v18;
	v51 =	vor.u32 v7, v14;
	v50 =	vld.idx.msk [tilespmem:v58+s4+$0x0], $0xffff;
	[tilespmem:v62+s21+$0x0] =	vst.idx.msk $0xffff, v60  }
0x231: {  	v55 =	vor.u32 v5, v24;
	v54 =	vor.u32 v7, v12;
	v53 =	vld.idx.msk [tilespmem:v61+s4+$0x0], $0xffff;
	[tilespmem:v31+s21+$0x0] =	vst.idx.msk $0xffff, v29  }
0x232: {  	v56 =	vor.u32 v4, v23;
	[tilespmem:v46+s21+$0x0] =	vst.idx.msk $0xffff, v63;
	v29 =	vor.u32 v5, v28;
	v31 =	vld.idx.msk [tilespmem:v47+s4+$0x0], $0xffff  }
0x233: {  	v58 =	vor.u32 v4, v17;
	v57 =	vld.idx.msk [tilespmem:v48+s4+$0x0], $0xffff;
	[tilespmem:v49+s21+$0x0] =	vst.idx.msk $0xffff, v30;
	v30 =	vor.u32 v5, v27  }
0x234: {  	v59 =	vor.u32 v5, v25;
	v60 =	vor.u32 v4, v13;
	[tilespmem:v21+s21+$0x0] =	vst.idx.msk $0xffff, v22;
	v35 =	vld.idx.msk [tilespmem:v52+s4+$0x0], $0xffff  }
0x235: {  	v16 =	vor.u32 v8, v16;
	v61 =	vor.u32 v5, v26;
	[tilespmem:v51+s21+$0x0] =	vst.idx.msk $0xffff, v50;
	v18 =	vld.idx.msk [tilespmem:v18+s4+$0x0], $0xffff  }
0x236: {  	v20 =	vor.u32 v8, v20;
	v21 =	vld.idx.msk [tilespmem:v55+s4+$0x0], $0xffff;
	v22 =	vor.u32 v5, v19;
	[tilespmem:v54+s21+$0x0] =	vst.idx.msk $0xffff, v53  }
0x237: {  	v62 =	vor.u32 v5, v15;
	v63 =	vor.u32 v6, v24;
	v29 =	vld.idx.msk [tilespmem:v29+s4+$0x0], $0xffff;
	[tilespmem:v56+s21+$0x0] =	vst.idx.msk $0xffff, v31  }
0x238: {  	v41 =	vor.u32 v6, v28;
	[tilespmem:v58+s21+$0x0] =	vst.idx.msk $0xffff, v57;
	v31 =	vor.u32 v5, v23;
	v30 =	vld.idx.msk [tilespmem:v30+s4+$0x0], $0xffff  }
0x239: {  	v42 =	vor.u32 v5, v17;
	v43 =	vor.u32 v6, v27;
	v33 =	vld.idx.msk [tilespmem:v59+s4+$0x0], $0xffff;
	[tilespmem:v60+s21+$0x0] =	vst.idx.msk $0xffff, v35  }
0x23a: {  	v44 =	vor.u32 v5, v13;
	[tilespmem:v16+s21+$0x0] =	vst.idx.msk $0xffff, v18;
	v16 =	vor.u32 v6, v25;
	v18 =	vld.idx.msk [tilespmem:v61+s4+$0x0], $0xffff  }
0x23b: {  	v14 =	vor.u32 v8, v14;
	v20 =	vld.idx.msk [tilespmem:v20+s4+$0x0], $0xffff;
	[tilespmem:v22+s21+$0x0] =	vst.idx.msk $0xffff, v21;
	v21 =	vor.u32 v6, v26  }
0x23c: {  	v11 =	vor.u32 v8, v11;
	v22 =	vld.idx.msk [tilespmem:v63+s4+$0x0], $0xffff;
	[tilespmem:v62+s21+$0x0] =	vst.idx.msk $0xffff, v29;
	v29 =	vor.u32 v6, v19  }
0x23d: {  	v45 =	vor.u32 v6, v15;
	v46 =	vor.u32 v7, v24;
	[tilespmem:v31+s21+$0x0] =	vst.idx.msk $0xffff, v30;
	v30 =	vld.idx.msk [tilespmem:v41+s4+$0x0], $0xffff  }
0x23e: {  	v48 =	vor.u32 v7, v28;
	[tilespmem:v42+s21+$0x0] =	vst.idx.msk $0xffff, v33;
	v31 =	vor.u32 v6, v23;
	v47 =	vld.idx.msk [tilespmem:v43+s4+$0x0], $0xffff  }
0x23f: {  	v49 =	vor.u32 v6, v17;
	v16 =	vld.idx.msk [tilespmem:v16+s4+$0x0], $0xffff;
	[tilespmem:v44+s21+$0x0] =	vst.idx.msk $0xffff, v18;
	v18 =	vor.u32 v7, v27  }
0x240: {  	[tilespmem:v14+s21+$0x0] =	vst.idx.msk $0xffff, v20;
	v20 =	vor.u32 v7, v25;
	v14 =	vld.idx.msk [tilespmem:v21+s4+$0x0], $0xffff;
	v21 =	vor.u32 v6, v13  }
0x241: {  	v9 =	vor.u32 v8, v9;
	v11 =	vld.idx.msk [tilespmem:v11+s4+$0x0], $0xffff;
	[tilespmem:v29+s21+$0x0] =	vst.idx.msk $0xffff, v22;
	v22 =	vor.u32 v7, v26  }
0x242: {  	v10 =	vor.u32 v8, v10;
	v50 =	vor.u32 v7, v19;
	v29 =	vld.idx.msk [tilespmem:v46+s4+$0x0], $0xffff;
	[tilespmem:v45+s21+$0x0] =	vst.idx.msk $0xffff, v30  }
0x243: {  	v24 =	vor.u32 v8, v24;
	[tilespmem:v31+s21+$0x0] =	vst.idx.msk $0xffff, v47;
	v30 =	vld.idx.msk [tilespmem:v48+s4+$0x0], $0xffff;
	v31 =	vor.u32 v7, v15  }
0x244: {  	[tilespmem:v49+s21+$0x0] =	vst.idx.msk $0xffff, v16;
	v16 =	vld.idx.msk [tilespmem:v18+s4+$0x0], $0xffff;
	v18 =	vor.u32 v8, v28;
	v28 =	vor.u32 v7, v23  }
0x245: {  	v20 =	vld.idx.msk [tilespmem:v20+s4+$0x0], $0xffff;
	[tilespmem:v21+s21+$0x0] =	vst.idx.msk $0xffff, v14;
	v14 =	vor.u32 v7, v17;
	v21 =	vor.u32 v8, v27  }
0x246: {  	[tilespmem:v9+s21+$0x0] =	vst.idx.msk $0xffff, v11;
	v11 =	vor.u32 v7, v13;
	v9 =	vld.idx.msk [tilespmem:v22+s4+$0x0], $0xffff;
	v22 =	vor.u32 v8, v25  }
0x247: {  	v12 =	vor.u32 v8, v12;
	v10 =	vld.idx.msk [tilespmem:v10+s4+$0x0], $0xffff;
	v25 =	vor.u32 v8, v26;
	[tilespmem:v50+s21+$0x0] =	vst.idx.msk $0xffff, v29  }
0x248: {  	v19 =	vor.u32 v8, v19;
	v24 =	vld.idx.msk [tilespmem:v24+s4+$0x0], $0xffff;
	[tilespmem:v31+s21+$0x0] =	vst.idx.msk $0xffff, v30  }
0x249: {  	v15 =	vor.u32 v8, v15;
	v18 =	vld.idx.msk [tilespmem:v18+s4+$0x0], $0xffff;
	[tilespmem:v28+s21+$0x0] =	vst.idx.msk $0xffff, v16  }
0x24a: {  	[tilespmem:v14+s21+$0x0] =	vst.idx.msk $0xffff, v20;
	v16 =	vor.u32 v8, v23;
	v14 =	vld.idx.msk [tilespmem:v21+s4+$0x0], $0xffff  }
0x24b: {  	v17 =	vor.u32 v8, v17;
	[tilespmem:v11+s21+$0x0] =	vst.idx.msk $0xffff, v9;
	v9 =	vld.idx.msk [tilespmem:v22+s4+$0x0], $0xffff  }
0x24c: {  	[tilespmem:v12+s21+$0x0] =	vst.idx.msk $0xffff, v10;
	v10 =	vor.u32 v8, v13;
	v11 =	vld.idx.msk [tilespmem:v25+s4+$0x0], $0xffff  }
0x24d: {  	s29 =	sshll.u32 s28, $0x1;
	[tilespmem:v19+s21+$0x0] =	vst.idx.msk $0xffff, v24  }
0x24e: {  	s30 =	sadd.s32 s6, s29;
	[tilespmem:v15+s21+$0x0] =	vst.idx.msk $0xffff, v18  }
0x24f: {  	s31 =	smin.u32 s29, $0x1FD;
	s30 =	smul.u32 $0xC80, s30;
	[tilespmem:v16+s21+$0x0] =	vst.idx.msk $0xffff, v14  }
0x250: {  	s31 =	sadd.s32 s31, s13;
	[tilespmem:v17+s21+$0x0] =	vst.idx.msk $0xffff, v9  }
0x251: {  	s31 =	smul.u32 $0x19, s31;
	s1 =	sadd.s32 s3, s30;
	s30 =	simm.s32 $0x0;
	[tilespmem:v10+s21+$0x0] =	vst.idx.msk $0xffff, v11  }
0x252: {  	[hbm4b:s1+s30] =	stream.linear.scatter [tilespmem:s21], [sflag:$0x3], $0x6400, $0x38;
	[tilespmem:$0x1CB00] =	vst v63  }
0x253: {  	s31 =	sadd.s32 s5, s31  }
0x254: {  	[tilespmem:s17], [sflag:$0x1] =	stream.linear.gather [hbm4b:s31+s30], $0xC8, $0x38;
	[tilespmem:$0x1CB00] =	vst v63  }
0x255: {  	_ =	swait.ge [sflag:s22], $0xC8  }
0x256: {  	[sflag:s22] =	ssyncset.done $0x0  }
0x257: {  	[sflag:s22] =	ssyncadd.s32 $0xFFFFFF38  }
0x258: {  	_ =	swait.ge [sflag:s25], $0x6400  }
0x259: {  	[sflag:s25] =	ssyncset.done $0x0  }
0x25a: {  	[sflag:s25] =	ssyncadd.s32 $0xFFFF9C00  }
0x25b: {  	v9 =	vld [tilespmem:$0x10100]  }
0x25c: {  	v10 =	vld [tilespmem:$0x10110]  }
0x25d: {  	v12 =	vld [tilespmem:$0x10120]  }
0x25e: {  	v13 =	vld [tilespmem:$0x10130]  }
0x25f: {  	v14 =	vld [tilespmem:$0x10140]  }
0x260: {  	v15 =	vld [tilespmem:$0x10150]  }
0x261: {  	v11 =	vperm.xlane v9, v1;
	_ =	sdelay $0x1  }
0x262: {  	v9 =	vsub.s32 v9, v11;
	v10 =	vsub.s32 v10, v11  }
0x263: {  	v12 =	vsub.s32 v12, v11;
	v13 =	vsub.s32 v13, v11;
	v14 =	vsub.s32 v14, v11  }
0x264: {  	v16 =	vld [tilespmem:$0x10160];
	v15 =	vsub.s32 v15, v11;
	vm0 =	vgt.s32 v9, $0x0;
	vm4 =	vgt.s32 v10, $0x0  }
0x265: {  	v17 =	vld [tilespmem:$0x10170];
	vm5 =	vgt.s32 v12, $0x0;
	vm6 =	vgt.s32 v13, $0x0;
	vm7 =	vgt.s32 v14, $0x0  }
0x266: {  	vm8 =	vgt.s32 v15, $0x0;
	v9 =	vnsel vm0, $0x0, v9;
	v10 =	vnsel vm4, $0x0, v10  }
0x267: {  	v18 =	vld [tilespmem:$0x10180];
	v12 =	vnsel vm5, $0x0, v12;
	v13 =	vnsel vm6, $0x0, v13;
	v9 =	vmin.u32 v9, $0x1FF  }
0x268: {  	v19 =	vld [tilespmem:$0x10190];
	v14 =	vnsel vm7, $0x0, v14;
	v10 =	vmin.u32 v10, $0x1FF;
	v12 =	vmin.u32 v12, $0x1FF;
	[tilespmem:$0x1CA00] =	vst v9  }
0x269: {  	v13 =	vmin.u32 v13, $0x1FF;
	v9 =	vmin.u32 v14, $0x1FF;
	v14 =	vsub.s32 v16, v11;
	v16 =	vld [tilespmem:$0x101A0];
	[tilespmem:$0x1CA10] =	vst v10  }
0x26a: {  	v10 =	vnsel vm8, $0x0, v15;
	v15 =	vsub.s32 v17, v11;
	[tilespmem:$0x1CA20] =	vst v12;
	v17 =	vld [tilespmem:$0x101B8];
	vm9 =	vgt.s32 v14, $0x0  }
0x26b: {  	[tilespmem:$0x1CA30] =	vst v13;
	v10 =	vmin.u32 v10, $0x1FF;
	vm10 =	vgt.s32 v15, $0x0;
	v12 =	vnsel vm9, $0x0, v14;
	v14 =	vld [tilespmem:$0x101B0]  }
0x26c: {  	[tilespmem:$0x1CA40] =	vst v9;
	v13 =	vnsel vm10, $0x0, v15;
	v15 =	vsub.s32 v18, v11;
	v12 =	vmin.u32 v12, $0x1FF  }
0x26d: {  	[tilespmem:$0x1CA50] =	vst v10;
	v9 =	vmin.u32 v13, $0x1FF;
	vm11 =	vgt.s32 v15, $0x0;
	v13 =	vsub.s32 v19, v11  }
0x26e: {  	v10 =	vnsel vm11, $0x0, v15;
	vm12 =	vgt.s32 v13, $0x0;
	[tilespmem:$0x1CA60] =	vst v12;
	v15 =	vsub.s32 v16, v11  }
0x26f: {  	[tilespmem:$0x1CA70] =	vst v9;
	v10 =	vmin.u32 v10, $0x1FF;
	v12 =	vnsel vm12, $0x0, v13;
	vm13 =	vgt.s32 v15, $0x0  }
0x270: {  	v9 =	vmin.u32 v12, $0x1FF;
	[tilespmem:$0x1CA80] =	vst v10;
	v10 =	vsub.s32 v17, v11;
	v13 =	vsub.s32 v14, v11  }
0x271: {  	v12 =	vnsel vm13, $0x0, v15;
	v11 =	vmov s30;
	vm14 =	vgt.s32 v13, $0x0  }
0x272: {  	[tilespmem:$0x1CA90] =	vst v9;
	vm15 =	vgt.s32 v10, $0x0;
	v9 =	vmin.u32 v12, $0x1FF;
	v12 =	vnsel vm14, $0x0, v13  }
0x273: {  	s31 =	simm.s32 $0x4;
	v10 =	vnsel vm15, $0x0, v10;
	[tilespmem:$0x1CAA0] =	vst v9;
	v9 =	vmin.u32 v12, $0x1FF  }
0x274: {  	[tilespmem:$0x1CAB0] =	vst v9;
	v9 =	vmin.u32 v10, $0x1FF;
	v10 =	vmov s31  }
0x275: {  	[tilespmem:$0x1CAB8] =	vst v9  }
0x276: {  	v9 =	vld.idx.msk [tilespmem:v11+s20+$0x0], $0xffff;
	_ =	sdelay $0x1  }
0x277: {  	s31 =	simm.s32 $0x2  }
0x278: {  	v12 =	vmov s31;
	v13 =	vld.idx.msk [tilespmem:v10+s20+$0x0], $0xffff  }
0x279: {  	s31 =	simm.s32 $0x1  }
0x27a: {  	v14 =	vmov s31;
	v18 =	vshll.u32 v9, $0x7  }
0x27b: {  	v9 =	vor.u32 v0, v18  }
0x27c: {  	s31 =	simm.s32 $0x3  }
0x27d: {  	v15 =	vmov s31;
	v17 =	vld.idx.msk [tilespmem:v12+s20+$0x0], $0xffff;
	v22 =	vshll.u32 v13, $0x7  }
0x27e: {  	v13 =	vor.u32 v0, v22  }
0x27f: {  	v16 =	vshll.u32 v11, $0x7;
	v19 =	vld.idx.msk [tilespmem:v14+s20+$0x0], $0xffff  }
0x280: {  	v20 =	vor.u32 v0, v16;
	v9 =	vld.idx.msk [tilespmem:v9+s4+$0x0], $0xffff  }
0x281: {  	v23 =	vor.u32 v2, v18  }
0x282: {  	v21 =	vshll.u32 v10, $0x7;
	v24 =	vld.idx.msk [tilespmem:v15+s20+$0x0], $0xffff;
	v11 =	vshll.u32 v17, $0x7  }
0x283: {  	v25 =	vor.u32 v0, v21;
	v17 =	vor.u32 v0, v11;
	v13 =	vld.idx.msk [tilespmem:v13+s4+$0x0], $0xffff  }
0x284: {  	v26 =	vor.u32 v2, v22;
	v10 =	vshll.u32 v19, $0x7  }
0x285: {  	v19 =	vor.u32 v0, v10;
	[tilespmem:v20+s23+$0x0] =	vst.idx.msk $0xffff, v9  }
0x286: {  	v27 =	vor.u32 v2, v16;
	v23 =	vld.idx.msk [tilespmem:v23+s4+$0x0], $0xffff  }
0x287: {  	v9 =	vshll.u32 v12, $0x7;
	v20 =	vshll.u32 v24, $0x7;
	v24 =	vor.u32 v3, v18  }
0x288: {  	v17 =	vld.idx.msk [tilespmem:v17+s4+$0x0], $0xffff;
	v28 =	vor.u32 v0, v20;
	v29 =	vor.u32 v0, v9;
	[tilespmem:v25+s23+$0x0] =	vst.idx.msk $0xffff, v13  }
0x289: {  	v12 =	vshll.u32 v14, $0x7;
	v13 =	vor.u32 v2, v11;
	v25 =	vld.idx.msk [tilespmem:v26+s4+$0x0], $0xffff;
	v26 =	vor.u32 v2, v21  }
0x28a: {  	v30 =	vor.u32 v3, v22;
	v19 =	vld.idx.msk [tilespmem:v19+s4+$0x0], $0xffff;
	v31 =	vor.u32 v0, v12  }
0x28b: {  	s31 =	simm.s32 $0x6;
	v14 =	vshll.u32 v15, $0x7;
	v15 =	vor.u32 v2, v10;
	[tilespmem:v27+s23+$0x0] =	vst.idx.msk $0xffff, v23  }
0x28c: {  	v52 =	vmov s31;
	v23 =	vld.idx.msk [tilespmem:v24+s4+$0x0], $0xffff;
	v24 =	vor.u32 v3, v16  }
0x28d: {  	[tilespmem:v29+s23+$0x0] =	vst.idx.msk $0xffff, v17;
	v17 =	vld.idx.msk [tilespmem:v28+s4+$0x0], $0xffff;
	v27 =	vor.u32 v4, v18;
	v28 =	vor.u32 v0, v14  }
0x28e: {  	v51 =	vor.u32 v2, v9;
	v29 =	vor.u32 v2, v20;
	v13 =	vld.idx.msk [tilespmem:v13+s4+$0x0], $0xffff;
	[tilespmem:v26+s23+$0x0] =	vst.idx.msk $0xffff, v25  }
0x28f: {  	s30 =	simm.s32 $0x5;
	[tilespmem:v31+s23+$0x0] =	vst.idx.msk $0xffff, v19;
	v25 =	vor.u32 v3, v21;
	v26 =	vld.idx.msk [tilespmem:v30+s4+$0x0], $0xffff;
	v30 =	vor.u32 v3, v11  }
0x290: {  	v31 =	vld.idx.msk [tilespmem:v15+s4+$0x0], $0xffff;
	v15 =	vmov s30  }
0x291: {  	v53 =	vld.idx.msk [tilespmem:v52+s20+$0x0], $0xffff;
	v19 =	vor.u32 v4, v22;
	s30 =	simm.s32 $0x7;
	[tilespmem:v24+s23+$0x0] =	vst.idx.msk $0xffff, v23  }
0x292: {  	s31 =	simm.s32 $0x9;
	[tilespmem:v28+s23+$0x0] =	vst.idx.msk $0xffff, v17;
	v17 =	vmov s30;
	v23 =	vld.idx.msk [tilespmem:v27+s4+$0x0], $0xffff  }
0x293: {  	v59 =	vor.u32 v2, v14;
	v24 =	vmov s31;
	[tilespmem:v51+s23+$0x0] =	vst.idx.msk $0xffff, v13;
	v27 =	vld.idx.msk [tilespmem:v29+s4+$0x0], $0xffff  }
0x294: {  	v57 =	vor.u32 v3, v20;
	s31 =	simm.s32 $0x8;
	v29 =	vor.u32 v3, v9;
	[tilespmem:v25+s23+$0x0] =	vst.idx.msk $0xffff, v26;
	v25 =	vld.idx.msk [tilespmem:v30+s4+$0x0], $0xffff  }
0x295: {  	v56 =	vld.idx.msk [tilespmem:v15+s20+$0x0], $0xffff;
	v26 =	vmov s31;
	v30 =	vor.u32 v4, v16  }
0x296: {  	v54 =	vor.u32 v4, v11;
	v28 =	vld.idx.msk [tilespmem:v19+s4+$0x0], $0xffff  }
0x297: {  	v55 =	vor.u32 v4, v21;
	v61 =	vld.idx.msk [tilespmem:v17+s20+$0x0], $0xffff  }
0x298: {  	v48 =	vor.u32 v2, v12;
	v58 =	vld.idx.msk [tilespmem:v24+s20+$0x0], $0xffff;
	[tilespmem:v59+s23+$0x0] =	vst.idx.msk $0xffff, v27  }
0x299: {  	v62 =	vor.u32 v5, v18;
	v50 =	vor.u32 v3, v10;
	v32 =	vld.idx.msk [tilespmem:v57+s4+$0x0], $0xffff;
	[tilespmem:v29+s23+$0x0] =	vst.idx.msk $0xffff, v25  }
0x29a: {  	v60 =	vor.u32 v5, v22;
	v63 =	vld.idx.msk [tilespmem:v26+s20+$0x0], $0xffff;
	[tilespmem:v30+s23+$0x0] =	vst.idx.msk $0xffff, v23;
	v23 =	vshll.u32 v26, $0x7;
	v26 =	vshll.u32 v53, $0x7  }
0x29b: {  	v43 =	vor.u32 v6, v18;
	v49 =	vor.u32 v4, v9;
	v30 =	vld.idx.msk [tilespmem:v54+s4+$0x0], $0xffff;
	v53 =	vor.u32 v0, v26  }
0x29c: {  	[tilespmem:v55+s23+$0x0] =	vst.idx.msk $0xffff, v28;
	v28 =	vshll.u32 v56, $0x7;
	v54 =	vor.u32 v5, v11;
	v56 =	vor.u32 v3, v14  }
0x29d: {  	v46 =	vor.u32 v5, v20;
	[tilespmem:v48+s23+$0x0] =	vst.idx.msk $0xffff, v31;
	v36 =	vor.u32 v0, v28  }
0x29e: {  	v41 =	vld.idx.msk [tilespmem:v50+s4+$0x0], $0xffff;
	v19 =	vshll.u32 v24, $0x7;
	v24 =	vshll.u32 v58, $0x7;
	v58 =	vor.u32 v4, v20  }
0x29f: {  	v13 =	vshll.u32 v52, $0x7;
	v52 =	vor.u32 v5, v21;
	v57 =	vor.u32 v3, v12;
	v55 =	vld.idx.msk [tilespmem:v60+s4+$0x0], $0xffff  }
0x2a0: {  	v59 =	vor.u32 v4, v10;
	v25 =	vshll.u32 v61, $0x7;
	[tilespmem:v49+s23+$0x0] =	vst.idx.msk $0xffff, v30;
	v37 =	vld.idx.msk [tilespmem:v53+s4+$0x0], $0xffff  }
0x2a1: {  	v51 =	vor.u32 v0, v24;
	[tilespmem:v56+s23+$0x0] =	vst.idx.msk $0xffff, v32;
	v56 =	vor.u32 v0, v13;
	v35 =	vld.idx.msk [tilespmem:v54+s4+$0x0], $0xffff  }
0x2a2: {  	v15 =	vshll.u32 v15, $0x7;
	v31 =	vor.u32 v0, v25;
	v60 =	vor.u32 v5, v9;
	v36 =	vld.idx.msk [tilespmem:v36+s4+$0x0], $0xffff  }
0x2a3: {  	v47 =	vor.u32 v5, v12;
	v61 =	vor.u32 v0, v15;
	v34 =	vld.idx.msk [tilespmem:v58+s4+$0x0], $0xffff;
	v58 =	vor.u32 v2, v26  }
0x2a4: {  	v17 =	vshll.u32 v17, $0x7;
	v39 =	vld.idx.msk [tilespmem:v62+s4+$0x0], $0xffff;
	[tilespmem:v57+s23+$0x0] =	vst.idx.msk $0xffff, v41;
	v27 =	vshll.u32 v63, $0x7;
	v63 =	vor.u32 v6, v11  }
0x2a5: {  	v44 =	vld.idx.msk [tilespmem:v59+s4+$0x0], $0xffff;
	v59 =	vor.u32 v4, v14;
	[tilespmem:v52+s23+$0x0] =	vst.idx.msk $0xffff, v55;
	v54 =	vor.u32 v2, v28  }
0x2a6: {  	v57 =	vor.u32 v6, v22;
	v55 =	vor.u32 v0, v19;
	v62 =	vld.idx.msk [tilespmem:v51+s4+$0x0], $0xffff;
	[tilespmem:v56+s23+$0x0] =	vst.idx.msk $0xffff, v37  }
0x2a7: {  	v50 =	vor.u32 v2, v24;
	v31 =	vld.idx.msk [tilespmem:v31+s4+$0x0], $0xffff;
	v51 =	vor.u32 v5, v16;
	[tilespmem:v60+s23+$0x0] =	vst.idx.msk $0xffff, v35  }
0x2a8: {  	v29 =	vor.u32 v3, v19;
	[tilespmem:v61+s23+$0x0] =	vst.idx.msk $0xffff, v36;
	v36 =	vor.u32 v4, v12;
	v32 =	vld.idx.msk [tilespmem:v58+s4+$0x0], $0xffff  }
0x2a9: {  	v41 =	vor.u32 v3, v15;
	v42 =	vor.u32 v0, v27;
	v60 =	vor.u32 v0, v17;
	v45 =	vld.idx.msk [tilespmem:v63+s4+$0x0], $0xffff  }
0x2aa: {  	v52 =	vor.u32 v2, v15;
	v61 =	vor.u32 v5, v10;
	[tilespmem:v59+s23+$0x0] =	vst.idx.msk $0xffff, v34;
	v38 =	vld.idx.msk [tilespmem:v54+s4+$0x0], $0xffff  }
0x2ab: {  	v53 =	vor.u32 v2, v25;
	[tilespmem:v55+s23+$0x0] =	vst.idx.msk $0xffff, v62;
	v63 =	vor.u32 v6, v9;
	v54 =	vld.idx.msk [tilespmem:v57+s4+$0x0], $0xffff  }
0x2ac: {  	[tilespmem:v51+s23+$0x0] =	vst.idx.msk $0xffff, v39;
	v62 =	vor.u32 v3, v28;
	v55 =	vor.u32 v2, v19;
	v50 =	vld.idx.msk [tilespmem:v50+s4+$0x0], $0xffff  }
0x2ad: {  	v56 =	vor.u32 v3, v24;
	v48 =	vld.idx.msk [tilespmem:v46+s4+$0x0], $0xffff;
	v57 =	vor.u32 v6, v21;
	[tilespmem:v36+s23+$0x0] =	vst.idx.msk $0xffff, v44  }
0x2ae: {  	v30 =	vor.u32 v6, v16;
	v34 =	vor.u32 v5, v14;
	[tilespmem:v60+s23+$0x0] =	vst.idx.msk $0xffff, v31;
	v36 =	vld.idx.msk [tilespmem:v42+s4+$0x0], $0xffff  }
0x2af: {  	v33 =	vor.u32 v2, v27;
	v49 =	vor.u32 v7, v22;
	v40 =	vld.idx.msk [tilespmem:v61+s4+$0x0], $0xffff;
	[tilespmem:v52+s23+$0x0] =	vst.idx.msk $0xffff, v38  }
0x2b0: {  	v46 =	vor.u32 v6, v20;
	v31 =	vor.u32 v3, v27;
	v39 =	vld.idx.msk [tilespmem:v53+s4+$0x0], $0xffff;
	[tilespmem:v63+s23+$0x0] =	vst.idx.msk $0xffff, v45  }
0x2b1: {  	v44 =	vor.u32 v2, v17;
	v42 =	vor.u32 v0, v23;
	v35 =	vld.idx.msk [tilespmem:v62+s4+$0x0], $0xffff;
	[tilespmem:v55+s23+$0x0] =	vst.idx.msk $0xffff, v50  }
0x2b2: {  	s30 =	simm.s32 $0xA;
	v45 =	vor.u32 v6, v10;
	v38 =	vor.u32 v4, v28;
	[tilespmem:v57+s23+$0x0] =	vst.idx.msk $0xffff, v54;
	v37 =	vld.idx.msk [tilespmem:v56+s4+$0x0], $0xffff  }
.LBB2_9:
0x2b3: {  	v50 =	vmov s30;
	s1 =	sadd.s32 $0x1, s30;
	[tilespmem:v34+s23+$0x0] =	vst.idx.msk $0xffff, v48;
	v48 =	vor.u32 v6, v14;
	v51 =	vor.u32 v7, v21  }
0x2b4: {  	p0 =	slt.u32 s30, $0xC3;
	v49 =	vld.idx.msk [tilespmem:v49+s4+$0x0], $0xffff;
	v34 =	vmovc v13;
	v52 =	vmovc v9;
	v9 =	vmov v17;
	v53 =	vmov v14;
	v14 =	vmov v23;
	s31 =	smov.u32 s30;
	s30 =	sadd.s32 $0x5, s30  }
0x2b5: {  	v56 =	vor.u32 v3, v25;
	v54 =	vshll.u32 v50, $0x7;
	v55 =	vmov s1;
	s1 =	sadd.s32 $0x2, s31;
	[tilespmem:v47+s23+$0x0] =	vst.idx.msk $0xffff, v40;
	v40 =	vld.idx.msk [tilespmem:v46+s4+$0x0], $0xffff;
	v46 =	vmovc v21  }
0x2b6: {  	v21 =	vmovc v19;
	v13 =	vshll.u32 v55, $0x7;
	v47 =	vmov s1;
	s1 =	sadd.s32 $0x3, s31;
	[tilespmem:v44+s23+$0x0] =	vst.idx.msk $0xffff, v39;
	v39 =	vor.u32 v4, v24;
	v43 =	vld.idx.msk [tilespmem:v43+s4+$0x0], $0xffff  }
0x2b7: {  	v17 =	vshll.u32 v47, $0x7;
	v44 =	vmov s1;
	s1 =	sadd.s32 $0x4, s31;
	[tilespmem:v41+s23+$0x0] =	vst.idx.msk $0xffff, v35;
	v35 =	vld.idx.msk [tilespmem:v45+s4+$0x0], $0xffff;
	v41 =	vor.u32 v7, v11;
	v45 =	vmovc v18  }
0x2b8: {  	v18 =	vmovc v28;
	v23 =	vshll.u32 v44, $0x7;
	v57 =	vmov s1;
	v38 =	vld.idx.msk [tilespmem:v38+s4+$0x0], $0xffff;
	[tilespmem:v42+s23+$0x0] =	vst.idx.msk $0xffff, v36;
	v36 =	vor.u32 v6, v12  }
0x2b9: {  	v28 =	vor.u32 v4, v15;
	v19 =	vshll.u32 v57, $0x7;
	v33 =	vld.idx.msk [tilespmem:v33+s4+$0x0], $0xffff;
	[tilespmem:v29+s23+$0x0] =	vst.idx.msk $0xffff, v37;
	v37 =	vmov v10  }
0x2ba: {  	v29 =	vor.u32 v3, v19;
	v42 =	vld.idx.msk [tilespmem:v56+s4+$0x0], $0xffff;
	v56 =	vor.u32 v7, v45;
	[tilespmem:v51+s23+$0x0] =	vst.idx.msk $0xffff, v49  }
0x2bb: {  	v10 =	vmov v26;
	v26 =	vmov v20;
	v39 =	vld.idx.msk [tilespmem:v39+s4+$0x0], $0xffff;
	[tilespmem:v48+s23+$0x0] =	vst.idx.msk $0xffff, v40;
	v40 =	vor.u32 v7, v20  }
0x2bc: {  	v48 =	vor.u32 v4, v21;
	[tilespmem:v30+s23+$0x0] =	vst.idx.msk $0xffff, v43;
	v30 =	vor.u32 v7, v37;
	v41 =	vld.idx.msk [tilespmem:v41+s4+$0x0], $0xffff  }
0x2bd: {  	v20 =	vmov v27;
	v27 =	vmov v11;
	v43 =	vld.idx.msk [tilespmem:v55+s20+$0x0], $0xffff;
	[tilespmem:v36+s23+$0x0] =	vst.idx.msk $0xffff, v35;
	v35 =	vor.u32 v7, v52  }
0x2be: {  	v11 =	vmov v25;
	v36 =	vld.idx.msk [tilespmem:v44+s20+$0x0], $0xffff;
	[tilespmem:v28+s23+$0x0] =	vst.idx.msk $0xffff, v38  }
0x2bf: {  	v25 =	vor.u32 v3, v9;
	v38 =	vor.u32 v8, v22;
	v22 =	vmov v24;
	v28 =	vld.idx.msk [tilespmem:v56+s4+$0x0], $0xffff  }
0x2c0: {  	v24 =	vor.u32 v7, v16;
	v44 =	vor.u32 v8, v12;
	v40 =	vld.idx.msk [tilespmem:v40+s4+$0x0], $0xffff  }
0x2c1: {  	[tilespmem:v48+s23+$0x0] =	vst.idx.msk $0xffff, v39;
	v39 =	vor.u32 v8, v45;
	v30 =	vld.idx.msk [tilespmem:v30+s4+$0x0], $0xffff;
	v45 =	vor.u32 v7, v53  }
0x2c2: {  	v26 =	vor.u32 v8, v26;
	v12 =	vor.u32 v7, v12;
	v48 =	vld.idx.msk [tilespmem:v50+s20+$0x0], $0xffff;
	[tilespmem:v35+s23+$0x0] =	vst.idx.msk $0xffff, v41  }
0x2c3: {  	v49 =	vor.u32 v4, v11;
	v37 =	vor.u32 v8, v37;
	v41 =	vor.u32 v2, v34;
	v35 =	vld.idx.msk [tilespmem:v57+s20+$0x0], $0xffff  }
0x2c4: {  	v27 =	vor.u32 v8, v27;
	[tilespmem:v25+s23+$0x0] =	vst.idx.msk $0xffff, v42;
	v25 =	vor.u32 v2, v14;
	v38 =	vld.idx.msk [tilespmem:v38+s4+$0x0], $0xffff  }
0x2c5: {  	v46 =	vor.u32 v8, v46;
	v42 =	vld.idx.msk [tilespmem:v47+s20+$0x0], $0xffff;
	[tilespmem:v24+s23+$0x0] =	vst.idx.msk $0xffff, v28;
	v47 =	vor.u32 v8, v52  }
0x2c6: {  	v51 =	vor.u32 v8, v16;
	v50 =	vor.u32 v5, v22;
	v39 =	vld.idx.msk [tilespmem:v39+s4+$0x0], $0xffff;
	[tilespmem:v45+s23+$0x0] =	vst.idx.msk $0xffff, v40  }
0x2c7: {  	v52 =	vor.u32 v8, v53;
	v40 =	vor.u32 v5, v18;
	[tilespmem:v12+s23+$0x0] =	vst.idx.msk $0xffff, v30;
	v45 =	vld.idx.msk [tilespmem:v26+s4+$0x0], $0xffff  }
0x2c8: {  	v16 =	vmov v15;
	v28 =	vshll.u32 v48, $0x7;
	[tilespmem:v41+s23+$0x0] =	vst.idx.msk $0xffff, v32;
	v32 =	vld.idx.msk [tilespmem:v49+s4+$0x0], $0xffff;
	v41 =	vor.u32 v4, v9  }
0x2c9: {  	v26 =	vshll.u32 v43, $0x7;
	v24 =	vshll.u32 v35, $0x7;
	v35 =	vor.u32 v3, v10;
	[tilespmem:v25+s23+$0x0] =	vst.idx.msk $0xffff, v33;
	v33 =	vld.idx.msk [tilespmem:v27+s4+$0x0], $0xffff  }
0x2ca: {  	v15 =	vmov v54;
	v27 =	vshll.u32 v36, $0x7;
	v36 =	vor.u32 v5, v11;
	v37 =	vld.idx.msk [tilespmem:v37+s4+$0x0], $0xffff;
	[tilespmem:v46+s23+$0x0] =	vst.idx.msk $0xffff, v38  }
0x2cb: {  	v12 =	vmovc v34;
	v38 =	vor.u32 v0, v28;
	v25 =	vshll.u32 v42, $0x7;
	v42 =	vor.u32 v0, v27;
	v43 =	vld.idx.msk [tilespmem:v50+s4+$0x0], $0xffff  }
0x2cc: {  	v34 =	vor.u32 v0, v24;
	v46 =	vor.u32 v5, v21;
	v40 =	vld.idx.msk [tilespmem:v40+s4+$0x0], $0xffff;
	[tilespmem:v51+s23+$0x0] =	vst.idx.msk $0xffff, v39  }
0x2cd: {  	v30 =	vor.u32 v6, v16;
	v39 =	vor.u32 v0, v25;
	v31 =	vld.idx.msk [tilespmem:v31+s4+$0x0], $0xffff;
	[tilespmem:v52+s23+$0x0] =	vst.idx.msk $0xffff, v45  }
0x2ce: {  	v45 =	vor.u32 v0, v26;
	v35 =	vld.idx.msk [tilespmem:v35+s4+$0x0], $0xffff;
	[tilespmem:v41+s23+$0x0] =	vst.idx.msk $0xffff, v32;
	v32 =	vor.u32 v3, v14  }
0x2cf: {  	v48 =	vor.u32 v4, v20;
	v41 =	vor.u32 v3, v12;
	v36 =	vld.idx.msk [tilespmem:v36+s4+$0x0], $0xffff;
	[tilespmem:v47+s23+$0x0] =	vst.idx.msk $0xffff, v33  }
0x2d0: {  	v49 =	vor.u32 v5, v9;
	v47 =	vor.u32 v4, v10;
	v38 =	vld.idx.msk [tilespmem:v38+s4+$0x0], $0xffff;
	[tilespmem:v44+s23+$0x0] =	vst.idx.msk $0xffff, v37  }
0x2d1: {  	v37 =	vor.u32 v0, v15;
	v44 =	vor.u32 v6, v11;
	v34 =	vld.idx.msk [tilespmem:v34+s4+$0x0], $0xffff;
	[tilespmem:v46+s23+$0x0] =	vst.idx.msk $0xffff, v43  }
0x2d2: {  	v33 =	vor.u32 v2, v27;
	v43 =	vor.u32 v2, v28;
	v46 =	vor.u32 v0, v19;
	v39 =	vld.idx.msk [tilespmem:v39+s4+$0x0], $0xffff  }
0x2d3: {  	v50 =	vor.u32 v2, v24;
	v51 =	vor.u32 v5, v16;
	v45 =	vld.idx.msk [tilespmem:v45+s4+$0x0], $0xffff;
	[tilespmem:v32+s23+$0x0] =	vst.idx.msk $0xffff, v31  }
0x2d4: {  	v31 =	vor.u32 v0, v13;
	v32 =	vor.u32 v6, v22;
	[tilespmem:v41+s23+$0x0] =	vst.idx.msk $0xffff, v35;
	v35 =	vld.idx.msk [tilespmem:v48+s4+$0x0], $0xffff  }
0x2d5: {  	v41 =	vor.u32 v2, v26;
	v47 =	vld.idx.msk [tilespmem:v47+s4+$0x0], $0xffff;
	[tilespmem:v49+s23+$0x0] =	vst.idx.msk $0xffff, v36;
	v36 =	vor.u32 v4, v14  }
0x2d6: {  	[tilespmem:v37+s23+$0x0] =	vst.idx.msk $0xffff, v38;
	v37 =	vor.u32 v4, v12;
	v38 =	vld.idx.msk [tilespmem:v44+s4+$0x0], $0xffff;
	v44 =	vor.u32 v5, v20  }
0x2d7: {  	v49 =	vor.u32 v0, v17;
	v43 =	vld.idx.msk [tilespmem:v43+s4+$0x0], $0xffff;
	[tilespmem:v46+s23+$0x0] =	vst.idx.msk $0xffff, v34;
	v46 =	vor.u32 v5, v10  }
0x2d8: {  	v53 =	vor.u32 v2, v25;
	v52 =	vor.u32 v2, v15;
	v50 =	vld.idx.msk [tilespmem:v50+s4+$0x0], $0xffff;
	[tilespmem:v51+s23+$0x0] =	vst.idx.msk $0xffff, v40  }
0x2d9: {  	v51 =	vor.u32 v3, v28;
	[tilespmem:v31+s23+$0x0] =	vst.idx.msk $0xffff, v45;
	v45 =	vor.u32 v6, v9;
	v54 =	vld.idx.msk [tilespmem:v32+s4+$0x0], $0xffff  }
0x2da: {  	v55 =	vor.u32 v2, v19;
	v34 =	vor.u32 v5, v14;
	v32 =	vld.idx.msk [tilespmem:v41+s4+$0x0], $0xffff;
	[tilespmem:v36+s23+$0x0] =	vst.idx.msk $0xffff, v35  }
0x2db: {  	v57 =	vor.u32 v6, v21;
	v56 =	vor.u32 v3, v24;
	[tilespmem:v37+s23+$0x0] =	vst.idx.msk $0xffff, v47;
	v48 =	vld.idx.msk [tilespmem:v44+s4+$0x0], $0xffff  }
.Ltmp3:
0x2dc: {  	v31 =	vor.u32 v3, v27;
	[tilespmem:v49+s23+$0x0] =	vst.idx.msk $0xffff, v39;
	v40 =	vld.idx.msk [tilespmem:v46+s4+$0x0], $0xffff;
	v49 =	vor.u32 v7, v22;
	(pc) =	sbr.rel @p0 .LBB2_9-.Ltmp3, $4  }
0x2dd: {  	v47 =	vor.u32 v5, v12;
	v46 =	vor.u32 v6, v20;
	[tilespmem:v52+s23+$0x0] =	vst.idx.msk $0xffff, v43;
	v39 =	vld.idx.msk [tilespmem:v53+s4+$0x0], $0xffff  }
0x2de: {  	v44 =	vor.u32 v2, v17;
	v43 =	vor.u32 v6, v18;
	v35 =	vld.idx.msk [tilespmem:v51+s4+$0x0], $0xffff;
	[tilespmem:v45+s23+$0x0] =	vst.idx.msk $0xffff, v38  }
0x2df: {  	v41 =	vor.u32 v3, v15;
	v45 =	vor.u32 v6, v10;
	v36 =	vld.idx.msk [tilespmem:v42+s4+$0x0], $0xffff;
	[tilespmem:v55+s23+$0x0] =	vst.idx.msk $0xffff, v50  }
0x2e0: {  	v38 =	vor.u32 v4, v28;
	v42 =	vor.u32 v0, v23;
	v37 =	vld.idx.msk [tilespmem:v56+s4+$0x0], $0xffff;
	[tilespmem:v57+s23+$0x0] =	vst.idx.msk $0xffff, v54  }
0x2e1: {  	_ =	sdelay $0x3  }
0x2e2: {  	[tilespmem:v34+s23+$0x0] =	vst.idx.msk $0xffff, v48  }
0x2e3: {  	v56 =	vld.idx.msk [tilespmem:v49+s4+$0x0], $0xffff;
	v57 =	vor.u32 v7, v21;
	[tilespmem:v47+s23+$0x0] =	vst.idx.msk $0xffff, v40  }
0x2e4: {  	v43 =	vld.idx.msk [tilespmem:v43+s4+$0x0], $0xffff;
	[tilespmem:v44+s23+$0x0] =	vst.idx.msk $0xffff, v39  }
0x2e5: {  	v59 =	vor.u32 v4, v24;
	v53 =	vor.u32 v2, v13;
	[tilespmem:v41+s23+$0x0] =	vst.idx.msk $0xffff, v35  }
0x2e6: {  	v58 =	vor.u32 v6, v14;
	v61 =	vor.u32 v7, v11;
	v46 =	vld.idx.msk [tilespmem:v46+s4+$0x0], $0xffff;
	[tilespmem:v42+s23+$0x0] =	vst.idx.msk $0xffff, v36  }
0x2e7: {  	v62 =	vor.u32 v6, v12;
	v63 =	vor.u32 v3, v25;
	v60 =	vld.idx.msk [tilespmem:v45+s4+$0x0], $0xffff;
	[tilespmem:v29+s23+$0x0] =	vst.idx.msk $0xffff, v37  }
0x2e8: {  	v51 =	vor.u32 v4, v15;
	v52 =	vor.u32 v7, v18;
	v50 =	vld.idx.msk [tilespmem:v38+s4+$0x0], $0xffff;
	[tilespmem:v57+s23+$0x0] =	vst.idx.msk $0xffff, v56  }
0x2e9: {  	v49 =	vor.u32 v2, v23;
	v55 =	vor.u32 v3, v26;
	v33 =	vld.idx.msk [tilespmem:v33+s4+$0x0], $0xffff;
	[tilespmem:v30+s23+$0x0] =	vst.idx.msk $0xffff, v43  }
0x2ea: {  	v54 =	vor.u32 v4, v19;
	v22 =	vor.u32 v8, v22;
	v39 =	vld.idx.msk [tilespmem:v59+s4+$0x0], $0xffff;
	[tilespmem:v53+s23+$0x0] =	vst.idx.msk $0xffff, v32  }
0x2eb: {  	v41 =	vld.idx.msk [tilespmem:v61+s4+$0x0], $0xffff;
	v57 =	vor.u32 v7, v9;
	[tilespmem:v58+s23+$0x0] =	vst.idx.msk $0xffff, v46  }
0x2ec: {  	v56 =	vor.u32 v7, v20;
	[tilespmem:v62+s23+$0x0] =	vst.idx.msk $0xffff, v60;
	v58 =	vld.idx.msk [tilespmem:v63+s4+$0x0], $0xffff;
	v60 =	vor.u32 v3, v17  }
0x2ed: {  	v59 =	vor.u32 v7, v10;
	v62 =	vld.idx.msk [tilespmem:v52+s4+$0x0], $0xffff;
	v63 =	vor.u32 v7, v16;
	[tilespmem:v51+s23+$0x0] =	vst.idx.msk $0xffff, v50  }
0x2ee: {  	v48 =	vor.u32 v3, v13;
	v11 =	vor.u32 v8, v11;
	v30 =	vld.idx.msk [tilespmem:v55+s4+$0x0], $0xffff;
	[tilespmem:v49+s23+$0x0] =	vst.idx.msk $0xffff, v33  }
0x2ef: {  	v47 =	vor.u32 v4, v25;
	v22 =	vld.idx.msk [tilespmem:v22+s4+$0x0], $0xffff;
	v55 =	vor.u32 v8, v21;
	[tilespmem:v54+s23+$0x0] =	vst.idx.msk $0xffff, v39  }
0x2f0: {  	v61 =	vor.u32 v3, v23;
	v51 =	vor.u32 v4, v26;
	v29 =	vld.idx.msk [tilespmem:v31+s4+$0x0], $0xffff;
	[tilespmem:v57+s23+$0x0] =	vst.idx.msk $0xffff, v41  }
0x2f1: {  	v46 =	vor.u32 v4, v27;
	v50 =	vor.u32 v7, v14;
	v49 =	vld.idx.msk [tilespmem:v56+s4+$0x0], $0xffff;
	[tilespmem:v60+s23+$0x0] =	vst.idx.msk $0xffff, v58  }
0x2f2: {  	v52 =	vor.u32 v8, v18;
	v53 =	vld.idx.msk [tilespmem:v59+s4+$0x0], $0xffff;
	v54 =	vor.u32 v7, v12;
	[tilespmem:v63+s23+$0x0] =	vst.idx.msk $0xffff, v62  }
0x2f3: {  	v9 =	vor.u32 v8, v9;
	v56 =	vor.u32 v5, v24;
	[tilespmem:v48+s23+$0x0] =	vst.idx.msk $0xffff, v30;
	v11 =	vld.idx.msk [tilespmem:v11+s4+$0x0], $0xffff  }
0x2f4: {  	v57 =	vor.u32 v5, v28;
	v60 =	vor.u32 v4, v17;
	[tilespmem:v55+s23+$0x0] =	vst.idx.msk $0xffff, v22;
	v59 =	vld.idx.msk [tilespmem:v47+s4+$0x0], $0xffff  }
0x2f5: {  	v62 =	vor.u32 v5, v25;
	v63 =	vor.u32 v4, v13;
	v35 =	vld.idx.msk [tilespmem:v51+s4+$0x0], $0xffff;
	[tilespmem:v61+s23+$0x0] =	vst.idx.msk $0xffff, v29  }
0x2f6: {  	v45 =	vor.u32 v5, v26;
	v58 =	vor.u32 v4, v23;
	[tilespmem:v50+s23+$0x0] =	vst.idx.msk $0xffff, v49;
	v31 =	vld.idx.msk [tilespmem:v46+s4+$0x0], $0xffff  }
0x2f7: {  	v44 =	vor.u32 v8, v16;
	v18 =	vld.idx.msk [tilespmem:v52+s4+$0x0], $0xffff;
	v61 =	vor.u32 v5, v27;
	[tilespmem:v54+s23+$0x0] =	vst.idx.msk $0xffff, v53  }
0x2f8: {  	v48 =	vor.u32 v5, v19;
	v47 =	vld.idx.msk [tilespmem:v56+s4+$0x0], $0xffff;
	v46 =	vor.u32 v8, v20;
	[tilespmem:v9+s23+$0x0] =	vst.idx.msk $0xffff, v11  }
0x2f9: {  	v29 =	vld.idx.msk [tilespmem:v57+s4+$0x0], $0xffff;
	v49 =	vor.u32 v5, v15;
	v50 =	vor.u32 v6, v24;
	[tilespmem:v60+s23+$0x0] =	vst.idx.msk $0xffff, v59  }
0x2fa: {  	v52 =	vor.u32 v6, v28;
	v53 =	vor.u32 v5, v17;
	v33 =	vld.idx.msk [tilespmem:v62+s4+$0x0], $0xffff;
	[tilespmem:v63+s23+$0x0] =	vst.idx.msk $0xffff, v35  }
0x2fb: {  	v55 =	vor.u32 v6, v25;
	v57 =	vor.u32 v5, v13;
	v56 =	vld.idx.msk [tilespmem:v45+s4+$0x0], $0xffff;
	[tilespmem:v58+s23+$0x0] =	vst.idx.msk $0xffff, v31  }
0x2fc: {  	v51 =	vor.u32 v5, v23;
	[tilespmem:v44+s23+$0x0] =	vst.idx.msk $0xffff, v18;
	v59 =	vor.u32 v6, v26;
	v30 =	vld.idx.msk [tilespmem:v61+s4+$0x0], $0xffff  }
0x2fd: {  	v54 =	vor.u32 v6, v27;
	[tilespmem:v48+s23+$0x0] =	vst.idx.msk $0xffff, v47;
	v20 =	vld.idx.msk [tilespmem:v46+s4+$0x0], $0xffff;
	v58 =	vor.u32 v8, v14  }
0x2fe: {  	v10 =	vor.u32 v8, v10;
	v60 =	vor.u32 v6, v19;
	[tilespmem:v49+s23+$0x0] =	vst.idx.msk $0xffff, v29;
	v22 =	vld.idx.msk [tilespmem:v50+s4+$0x0], $0xffff  }
0x2ff: {  	v62 =	vor.u32 v7, v24;
	v63 =	vld.idx.msk [tilespmem:v52+s4+$0x0], $0xffff;
	v61 =	vor.u32 v6, v15;
	[tilespmem:v53+s23+$0x0] =	vst.idx.msk $0xffff, v33  }
0x300: {  	v42 =	vor.u32 v6, v17;
	v41 =	vor.u32 v7, v28;
	v16 =	vld.idx.msk [tilespmem:v55+s4+$0x0], $0xffff;
	[tilespmem:v57+s23+$0x0] =	vst.idx.msk $0xffff, v56  }
0x301: {  	v45 =	vor.u32 v7, v25;
	v46 =	vor.u32 v6, v13;
	v44 =	vld.idx.msk [tilespmem:v59+s4+$0x0], $0xffff;
	[tilespmem:v51+s23+$0x0] =	vst.idx.msk $0xffff, v30  }
0x302: {  	v39 =	vor.u32 v6, v23;
	v47 =	vor.u32 v7, v26;
	[tilespmem:v58+s23+$0x0] =	vst.idx.msk $0xffff, v20;
	v40 =	vld.idx.msk [tilespmem:v54+s4+$0x0], $0xffff  }
0x303: {  	v43 =	vor.u32 v7, v27;
	v10 =	vld.idx.msk [tilespmem:v10+s4+$0x0], $0xffff;
	v57 =	vor.u32 v8, v12;
	[tilespmem:v60+s23+$0x0] =	vst.idx.msk $0xffff, v22  }
0x304: {  	v48 =	vor.u32 v7, v19;
	v29 =	vld.idx.msk [tilespmem:v62+s4+$0x0], $0xffff;
	[tilespmem:v61+s23+$0x0] =	vst.idx.msk $0xffff, v63  }
0x305: {  	v49 =	vor.u32 v8, v24;
	v50 =	vor.u32 v7, v15;
	v30 =	vld.idx.msk [tilespmem:v41+s4+$0x0], $0xffff;
	[tilespmem:v42+s23+$0x0] =	vst.idx.msk $0xffff, v16  }
0x306: {  	v52 =	vor.u32 v8, v28;
	v54 =	vor.u32 v7, v17;
	v20 =	vld.idx.msk [tilespmem:v45+s4+$0x0], $0xffff;
	[tilespmem:v46+s23+$0x0] =	vst.idx.msk $0xffff, v44  }
0x307: {  	v11 =	vor.u32 v7, v13;
	v56 =	vor.u32 v8, v25;
	v9 =	vld.idx.msk [tilespmem:v47+s4+$0x0], $0xffff;
	[tilespmem:v39+s23+$0x0] =	vst.idx.msk $0xffff, v40  }
0x308: {  	v53 =	vor.u32 v7, v23;
	v58 =	vor.u32 v8, v26;
	[tilespmem:v57+s23+$0x0] =	vst.idx.msk $0xffff, v10;
	v51 =	vld.idx.msk [tilespmem:v43+s4+$0x0], $0xffff  }
0x309: {  	v55 =	vor.u32 v8, v27;
	[tilespmem:v48+s23+$0x0] =	vst.idx.msk $0xffff, v29  }
0x30a: {  	v59 =	vor.u32 v8, v19;
	v24 =	vld.idx.msk [tilespmem:v49+s4+$0x0], $0xffff;
	[tilespmem:v50+s23+$0x0] =	vst.idx.msk $0xffff, v30  }
0x30b: {  	v60 =	vor.u32 v8, v15;
	v18 =	vld.idx.msk [tilespmem:v52+s4+$0x0], $0xffff;
	[tilespmem:v54+s23+$0x0] =	vst.idx.msk $0xffff, v20  }
0x30c: {  	v63 =	vor.u32 v8, v17;
	[tilespmem:v11+s23+$0x0] =	vst.idx.msk $0xffff, v9;
	v9 =	vld.idx.msk [tilespmem:v56+s4+$0x0], $0xffff  }
0x30d: {  	v10 =	vor.u32 v8, v13;
	v11 =	vld.idx.msk [tilespmem:v58+s4+$0x0], $0xffff;
	[tilespmem:v53+s23+$0x0] =	vst.idx.msk $0xffff, v51  }
0x30e: {  	v62 =	vor.u32 v8, v23;
	v61 =	vld.idx.msk [tilespmem:v55+s4+$0x0], $0xffff  }
0x30f: {  	s1 =	sadd.s32 s29, s6;
	[tilespmem:v59+s23+$0x0] =	vst.idx.msk $0xffff, v24  }
0x310: {  	s28 =	sadd.s32 $0x1, s28;
	s1 =	smul.u32 $0xC80, s1;
	[tilespmem:v60+s23+$0x0] =	vst.idx.msk $0xffff, v18  }
0x311: {  	s30 =	smin.u32 s29, $0x1FC;
	p0 =	sne.s32 s28, $0x100;
	[tilespmem:v63+s23+$0x0] =	vst.idx.msk $0xffff, v9  }
.Ltmp4:
0x312: {  	s29 =	sadd.s32 s30, s14;
	s1 =	sadd.s32 s3, s1;
	[tilespmem:v10+s23+$0x0] =	vst.idx.msk $0xffff, v11;
	(pc) =	sbr.rel @p0 .LBB2_6-.Ltmp4, $4  }
0x313: {  	s29 =	smul.u32 $0x19, s29;
	s1 =	sadd.s32 $0xC80, s1;
	[tilespmem:v62+s23+$0x0] =	vst.idx.msk $0xffff, v61  }
0x314: {  	[hbm4b:s1+s4] =	stream.linear.scatter [tilespmem:s23], [sflag:$0x4], $0x6400, $0x38;
	[tilespmem:$0x1CB00] =	vst v63  }
0x315: {  	s31 =	sadd.s32 s5, s29  }
0x316: {  	[tilespmem:s18], [sflag:$0x2] =	stream.linear.gather [hbm4b:s31+s4], $0xC8, $0x38;
	[tilespmem:$0x1CB00] =	vst v63  }
0x317: {  	_ =	swait.ge [sflag:s19], $0xC8  }
0x318: {  	[sflag:s19] =	ssyncset.done $0x0  }
0x319: {  	[sflag:s19] =	ssyncadd.s32 $0xFFFFFF38  }
0x31a: {  	_ =	swait.ge [sflag:s24], $0x6400  }
0x31b: {  	[sflag:s24] =	ssyncset.done $0x0  }
0x31c: {  	s26 =	sadd.s32 $0x1, s26;
	[sflag:s24] =	ssyncadd.s32 $0xFFFF9C00  }
0x31d: {  	p0 =	sne.s32 s26, s15;
	_ =	swait.ge [sflag:s22], $0xC8  }
.Ltmp5:
0x31e: {  	[sflag:s22] =	ssyncset.done $0x0;
	(pc) =	sbr.rel @p0 .LBB2_1-.Ltmp5, $4  }
0x31f: {  	[sflag:s22] =	ssyncadd.s32 $0xFFFFFF38  }
0x320: {  	_ =	swait.ge [sflag:s25], $0x6400  }
0x321: {  	[sflag:s25] =	ssyncset.done $0x0  }
0x322: {  	[sflag:s25] =	ssyncadd.s32 $0xFFFF9C00  }
0x323: {  	_ =	sfence.sel $0x180000  }
0x324: {  	[bflag:$0x0] =	sbarrier.arrive $0xFFFF  }
0x325: {  	_ =	strace $0x90000047  }
0x326: {  	[bflag:$0x2] =	sbarrier.arrive $0xFFFF  }
0x327: {  	p0 =	sne.s32 s0, $0x0;
	s0 =	rddreg [dreg:$0x3]  }
0x328: {  	s0 =	sadd.s32 @!p0 $0x100000, s0  }
0x329: {  	[sflag:s0] =	ssyncadd.tile.s32 @!p0 $0x1;
	_ =	shalt  }
.Lfunc_end2:
_tile_overlayer_lowered:
.L_overlay_start_2:
0x32a: {  	(tag) =	ssettag $0x2  }
0x32b: {  	s0 =	rddreg [dreg:$0x0];
	s2 =	stileid.u32  }
0x32c: {  	s1 =	rddreg [dreg:$0x1];
	p0 =	sne.s32 s2, $0x0  }
0x32d: {  	s3 =	rddreg [dreg:$0x2];
	[bflag:$0x3] =	sbarrier.arrive $0xFFFF;
	s2 =	simm.s32 @!p0 $0x1C05  }
0x32e: {  	[timem:s3], [sflag:s2] =	dma.local @!p0 [hbm:s0], s1  }
0x32f: {  	s0 =	simm.s32 @!p0 $0x5  }
0x330: {  	_ =	swait.ge @!p0 [sflag:s0], s1  }
0x331: {  	s1 =	ssub.s32 @!p0 $0x0, s1;
	[sflag:s0] =	ssyncset.done @!p0 $0x0  }
0x332: {  	[sflag:s0] =	ssyncadd.s32 @!p0 s1  }
0x333: {  	[bflag:$0x3] =	sbarrier.arrive $0xFFFF  }
0x334: {  	_ =	shalt  }

</sc_bundles>
